<compile_context>
chip_gen: v7x
topology: tpu7x:2x2x1
jax: 0.10.2.dev20260603
libtpu: 0.0.44.dev20260713+nightly
codegen_flags: <defaults>
</compile_context>

<pallas_src>
import functools

import jax
import jax.numpy as jnp
from jax import lax
from jax.experimental import pallas as pl
from jax.experimental.pallas import tpu as pltpu
from jax.experimental.pallas import tpu_sc as plsc

_N = 10000
_E = 320000
_D = 128
_C = 64
_H = _D // 2

_NC = 2
_NS = 16
_CH = 128
_NCH = 157
_EPT = _NCH * _CH
_EPAD = _NS * _EPT - _E
_NA = _N + 8
_STRIPE = 624
_TAIL = _NA - _STRIPE * _NS


def _sc_agg_body(with_deg, *refs):
    if with_deg:
        (srcp, dstp, table, z2, out, dout,
         sidx, didx, rows_a, rows_b, acc, sem_a, sem_b,
         ones, dacc, dzero) = refs
    else:
        (srcp, dstp, table, z2, out,
         sidx, didx, rows_a, rows_b, acc, sem_a, sem_b) = refs
    c = lax.axis_index("c")
    s = lax.axis_index("s")

    pltpu.sync_copy(z2.at[pl.ds(s * _STRIPE, _STRIPE)],
                    acc.at[pl.ds(s * _STRIPE, _STRIPE)])

    @pl.when(s == _NS - 1)
    def _():
        pltpu.sync_copy(z2.at[pl.ds(_STRIPE * _NS, _TAIL)],
                        acc.at[pl.ds(_STRIPE * _NS, _TAIL)])

    if with_deg:
        for i in range(_STRIPE // 16):
            dzero[pl.ds(i * 16, 16)] = jnp.zeros((16,), jnp.float32)
        pltpu.sync_copy(dzero, dacc.at[pl.ds(s * _STRIPE, _STRIPE)])

        @pl.when(s == _NS - 1)
        def _():
            pltpu.sync_copy(dzero.at[pl.ds(0, _TAIL)],
                            dacc.at[pl.ds(_STRIPE * _NS, _TAIL)])

        for i in range(_CH // 16):
            ones[pl.ds(i * 16, 16)] = jnp.ones((16,), jnp.float32)

    pltpu.sync_copy(srcp.at[s], sidx)
    pltpu.sync_copy(dstp.at[s], didx)

    plsc.subcore_barrier()

    def gstart(k, buf, sem):
        pltpu.async_copy(table.at[c].at[sidx.at[k]], buf, sem)

    def gwait(k, buf, sem):
        pltpu.make_async_copy(table.at[c].at[sidx.at[k]], buf, sem).wait()

    def scat(k, buf):
        pltpu.sync_copy(buf, acc.at[didx.at[k]], add=True)
        if with_deg:
            pltpu.sync_copy(ones, dacc.at[didx.at[k]], add=True)

    gstart(0, rows_a, sem_a)

    def step(i, carry):
        ka = 2 * i
        kb = 2 * i + 1
        gstart(kb, rows_b, sem_b)
        gwait(ka, rows_a, sem_a)
        scat(ka, rows_a)
        gstart(ka + 2, rows_a, sem_a)
        gwait(kb, rows_b, sem_b)
        scat(kb, rows_b)
        return carry

    lax.fori_loop(0, (_NCH - 1) // 2, step, 0)
    gwait(_NCH - 1, rows_a, sem_a)
    scat(_NCH - 1, rows_a)
    plsc.subcore_barrier()

    pltpu.sync_copy(acc.at[pl.ds(s * _STRIPE, _STRIPE)],
                    out.at[c, pl.ds(s * _STRIPE, _STRIPE)])

    @pl.when(s == _NS - 1)
    def _():
        pltpu.sync_copy(acc.at[pl.ds(_STRIPE * _NS, _N - _STRIPE * _NS)],
                        out.at[c, pl.ds(_STRIPE * _NS, _N - _STRIPE * _NS)])

    if with_deg:
        @pl.when(c == 0)
        def _():
            pltpu.sync_copy(dacc.at[pl.ds(s * _STRIPE, _STRIPE)], dzero)
            pltpu.sync_copy(dzero, dout.at[pl.ds(s * _STRIPE, _STRIPE)])

        @pl.when(jnp.logical_and(c == 0, s == _NS - 1))
        def _():
            nt = _N - _STRIPE * _NS
            pltpu.sync_copy(dacc.at[pl.ds(_STRIPE * _NS, nt)],
                            dzero.at[pl.ds(0, nt)])
            pltpu.sync_copy(dzero.at[pl.ds(0, nt)],
                            dout.at[pl.ds(_STRIPE * _NS, nt)])


def _make_sc_agg(with_deg):
    mesh = plsc.VectorSubcoreMesh(core_axis_name="c", subcore_axis_name="s")
    out_type = [jax.ShapeDtypeStruct((_NC, _N, _H), jnp.bfloat16)]
    scratch = [
        pltpu.VMEM((_NCH, _CH), jnp.int32),
        pltpu.VMEM((_NCH, _CH), jnp.int32),
        pltpu.VMEM((_CH, _H), jnp.bfloat16),
        pltpu.VMEM((_CH, _H), jnp.bfloat16),
        pltpu.VMEM_SHARED((_NA, _H), jnp.bfloat16),
        pltpu.SemaphoreType.DMA,
        pltpu.SemaphoreType.DMA,
    ]
    if with_deg:
        out_type.append(jax.ShapeDtypeStruct((_N,), jnp.float32))
        scratch += [
            pltpu.VMEM((_CH,), jnp.float32),
            pltpu.VMEM_SHARED((_NA,), jnp.float32),
            pltpu.VMEM((_STRIPE,), jnp.float32),
        ]
    return pl.kernel(
        functools.partial(_sc_agg_body, with_deg),
        out_type=out_type,
        mesh=mesh,
        scratch_types=scratch,
        compiler_params=pltpu.CompilerParams(use_tc_tiling_on_sc=False),
    )


_sc_agg_deg = _make_sc_agg(True)
_sc_agg = _make_sc_agg(False)


_RB = 2000
_GRID = _N // _RB


def _tc_layer0_body(x_ref, ws_ref, wn_ref, b_ref, zs_ref, zn_ref):
    x = x_ref[...]
    zs_ref[...] = (jnp.dot(x, ws_ref[...], preferred_element_type=jnp.float32)
                   + b_ref[...])
    zn = jnp.dot(x, wn_ref[...],
                 preferred_element_type=jnp.float32).astype(jnp.bfloat16)
    zn_ref[0] = zn[:, :_H]
    zn_ref[1] = zn[:, _H:]


def _tc_layer_body(zs_ref, a_ref, d_ref, ws_ref, wn_ref, b_ref,
                   ozs_ref, ozn_ref):
    deg = jnp.maximum(d_ref[...], 1.0)
    agg = jnp.concatenate([a_ref[0], a_ref[1]],
                          axis=1).astype(jnp.float32) / deg
    h = jnp.maximum(zs_ref[...] + agg, 0.0)
    ozs_ref[...] = (jnp.dot(h, ws_ref[...], preferred_element_type=jnp.float32)
                    + b_ref[...])
    zn = jnp.dot(h, wn_ref[...],
                 preferred_element_type=jnp.float32).astype(jnp.bfloat16)
    ozn_ref[0] = zn[:, :_H]
    ozn_ref[1] = zn[:, _H:]


def _tc_final_body(zs_ref, a_ref, d_ref, wf_ref, bf_ref, o_ref):
    i = pl.program_id(0)
    deg = jnp.maximum(d_ref[...], 1.0)
    agg = jnp.concatenate([a_ref[0], a_ref[1]],
                          axis=1).astype(jnp.float32) / deg
    h = jnp.maximum(zs_ref[...] + agg, 0.0)
    part = jnp.sum(h, axis=0, keepdims=True) * (1.0 / _N)
    part = jnp.dot(part, wf_ref[...], preferred_element_type=jnp.float32)

    @pl.when(i == 0)
    def _():
        o_ref[...] = bf_ref[...]

    o_ref[...] += part


_row_spec = pl.BlockSpec((_RB, _D), lambda i: (i, 0))
_a_spec = pl.BlockSpec((_NC, _RB, _H), lambda i: (0, i, 0))
_d_spec = pl.BlockSpec((_RB, 1), lambda i: (i, 0))
_w_spec = pl.BlockSpec((_D, _D), lambda i: (0, 0))
_b_spec = pl.BlockSpec((1, _D), lambda i: (0, 0))

_tc_layer0 = pl.pallas_call(
    _tc_layer0_body,
    grid=(_GRID,),
    in_specs=[_row_spec, _w_spec, _w_spec, _b_spec],
    out_specs=[_row_spec, _a_spec],
    out_shape=[jax.ShapeDtypeStruct((_N, _D), jnp.float32),
               jax.ShapeDtypeStruct((_NC, _N, _H), jnp.bfloat16)],
)

_tc_layer = pl.pallas_call(
    _tc_layer_body,
    grid=(_GRID,),
    in_specs=[_row_spec, _a_spec, _d_spec, _w_spec, _w_spec, _b_spec],
    out_specs=[_row_spec, _a_spec],
    out_shape=[jax.ShapeDtypeStruct((_N, _D), jnp.float32),
               jax.ShapeDtypeStruct((_NC, _N, _H), jnp.bfloat16)],
)

_tc_final = pl.pallas_call(
    _tc_final_body,
    grid=(_GRID,),
    in_specs=[_row_spec, _a_spec, _d_spec,
              pl.BlockSpec((_D, _C), lambda i: (0, 0)),
              pl.BlockSpec((1, _C), lambda i: (0, 0))],
    out_specs=pl.BlockSpec((1, _C), lambda i: (0, 0)),
    out_shape=jax.ShapeDtypeStruct((1, _C), jnp.float32),
)


def kernel(x, edge_index, ws0, wn0, b0, ws1, wn1, b1, ws2, wn2, b2, wf, bf):
    src = jnp.concatenate(
        [edge_index[0], jnp.zeros((_EPAD,), jnp.int32)]).reshape(
            _NS, _NCH, _CH)
    dst = jnp.concatenate(
        [edge_index[1], jnp.full((_EPAD,), _N, jnp.int32)]).reshape(
            _NS, _NCH, _CH)
    z2 = jnp.zeros((_NA, _H), jnp.bfloat16)

    zs0, zn0 = _tc_layer0(x, ws0, wn0, b0.reshape(1, _D))
    a0, dvec = _sc_agg_deg(src, dst, zn0, z2)
    d = dvec.reshape(_N, 1)
    zs1, zn1 = _tc_layer(zs0, a0, d, ws1, wn1, b1.reshape(1, _D))
    (a1,) = _sc_agg(src, dst, zn1, z2)
    zs2, zn2 = _tc_layer(zs1, a1, d, ws2, wn2, b2.reshape(1, _D))
    (a2,) = _sc_agg(src, dst, zn2, z2)
    out = _tc_final(zs2, a2, d, wf, bf.reshape(1, _C))
    return out

# --- scband reference (transcript-rebuilt; emitter-appended) ---
"""Pipeline reference for scband-graph-sage-75926431859108 (READ-ONLY COPY).

The authoritative reference and input builder live on the scoring server;
editing this copy changes nothing except your own understanding.
"""

import jax, jax.numpy as jnp
import numpy as np

N = 10000
E = 320000
D = 128
C = 64


def _init_w(key, shape, scale=0.05):
    return jax.random.normal(key, shape, dtype=jnp.float32) * scale


def setup_inputs(seed: int = 0) -> dict:
    key = jax.random.key(seed)
    ks = jax.random.split(key, 16)
    inp = {}
    inp['x'] = jax.random.normal(ks[0], (N, D), dtype=jnp.float32)
    inp['edge_index'] = jax.random.randint(ks[1], (2, E), 0, N, dtype=jnp.int32)
    # SAGEConv layer 0: in_feats -> n_hidden
    inp['ws0'] = _init_w(ks[2], (D, D))
    inp['wn0'] = _init_w(ks[3], (D, D))
    inp['b0'] = jnp.zeros((D,), dtype=jnp.float32)
    # SAGEConv layer 1: n_hidden -> n_hidden
    inp['ws1'] = _init_w(ks[4], (D, D))
    inp['wn1'] = _init_w(ks[5], (D, D))
    inp['b1'] = jnp.zeros((D,), dtype=jnp.float32)
    # SAGEConv layer 2: n_hidden -> out_feats
    inp['ws2'] = _init_w(ks[6], (D, D))
    inp['wn2'] = _init_w(ks[7], (D, D))
    inp['b2'] = jnp.zeros((D,), dtype=jnp.float32)
    # final linear: out_feats -> n_classes
    inp['wf'] = _init_w(ks[8], (D, C))
    inp['bf'] = jnp.zeros((C,), dtype=jnp.float32)
    return inp


def _sage_layer(h, src, dst, deg, ws, wn, b):
    # DGL SAGEConv with mean aggregator: fc_self(h) + fc_neigh(mean_{u in N(v)} h_u) + bias
    msg = jnp.take(h, src, axis=0)
    agg = jax.ops.segment_sum(msg, dst, num_segments=N) / deg[:, None]
    out = h @ ws + agg @ wn + b
    return jax.nn.relu(out)


def reference(x, edge_index, ws0, wn0, b0, ws1, wn1, b1, ws2, wn2, b2, wf, bf):
    src = edge_index[0]
    dst = edge_index[1]
    deg = jnp.zeros((N,), dtype=jnp.float32).at[dst].add(1.0)
    deg = jnp.maximum(deg, 1.0)
    h = x
    h = _sage_layer(h, src, dst, deg, ws0, wn0, b0)
    h = _sage_layer(h, src, dst, deg, ws1, wn1, b1)
    h = _sage_layer(h, src, dst, deg, ws2, wn2, b2)
    # mean graph pooling over all nodes (single graph)
    pooled = jnp.mean(h, axis=0, keepdims=True)
    out = pooled @ wf + bf
    return out

if __name__ == "__main__":
    import jax
    _d = setup_inputs()
    print(jax.jit(kernel)(*tuple(_d.values())))

</pallas_src>

<mosaic_0001>
#map = affine_map<(d0, d1) -> (0, 0, 0)>
#map1 = affine_map<(d0, d1) -> (0, 0)>
#map2 = affine_map<(d0, d1) -> (0)>
module attributes {stable_mosaic.version = 14 : i64} {
  func.func @_sc_agg_body(%arg0: i32, %arg1: i32, %arg2: memref<16x157x128xi32, #tpu.memory_space<hbm>>, %arg3: memref<16x157x128xi32, #tpu.memory_space<hbm>>, %arg4: memref<2x10000x64xbf16, #tpu.memory_space<hbm>>, %arg5: memref<10008x64xbf16, #tpu.memory_space<hbm>>, %arg6: memref<2x10000x64xbf16, #tpu.memory_space<hbm>>, %arg7: memref<10000xf32, #tpu.memory_space<hbm>>, %arg8: memref<157x128xi32, #tpu.memory_space<vmem>>, %arg9: memref<157x128xi32, #tpu.memory_space<vmem>>, %arg10: memref<128x64xbf16, #tpu.memory_space<vmem>>, %arg11: memref<128x64xbf16, #tpu.memory_space<vmem>>, %arg12: memref<10008x64xbf16, #tpu.memory_space<vmem_shared>>, %arg13: memref<!tpu.dma_semaphore, #tpu.memory_space<semaphore_mem>>, %arg14: memref<!tpu.dma_semaphore, #tpu.memory_space<semaphore_mem>>, %arg15: memref<128xf32, #tpu.memory_space<vmem>>, %arg16: memref<10008xf32, #tpu.memory_space<vmem_shared>>, %arg17: memref<624xf32, #tpu.memory_space<vmem>>) attributes {dimension_semantics = [#tpu.dimension_semantics<core_parallel>, #tpu.dimension_semantics<subcore_parallel>], iteration_bounds = array<i64: 2, 16>, scalar_prefetch = 0 : i64, scratch_operands = 10 : i64, tpu.core_type = #tpu.core_type<sc_vector_subcore>, window_params = [{transform_indices = #map}, {transform_indices = #map}, {transform_indices = #map}, {transform_indices = #map1}, {transform_indices = #map}, {transform_indices = #map2}]} {
    %mul3A = arith.constant 624 : i32
    %mul3A_0 = arith.muli %arg1, %mul3A : i32
    %mul3A_1 = arith.constant 624 : i32
    %mul3A_2 = arith.muli %arg1, %mul3A_1 : i32
    "tpu.region"() ({
      %run_scoped3A_340 = tpu.sem_alloc : memref<!tpu.dma_semaphore, #tpu.memory_space<semaphore_mem>>
      %dma_start3A_341 = arith.constant 0 : i32
      %dma_start3A_342 = tpu.memref_slice %arg12[%mul3A_2, %dma_start3A_341] : memref<10008x64xbf16, #tpu.memory_space<vmem_shared>> -> memref<624x64xbf16, #tpu.memory_space<vmem_shared>>
      %dma_start3A_343 = arith.constant 0 : i32
      %dma_start3A_344 = tpu.memref_slice %arg5[%mul3A_0, %dma_start3A_343] : memref<10008x64xbf16, #tpu.memory_space<hbm>> -> memref<624x64xbf16, #tpu.memory_space<hbm>>
      tpu.enqueue_dma source(%dma_start3A_344 : memref<624x64xbf16, #tpu.memory_space<hbm>>) target(%dma_start3A_342 : memref<624x64xbf16, #tpu.memory_space<vmem_shared>>) target_semaphore(%run_scoped3A_340 : memref<!tpu.dma_semaphore, #tpu.memory_space<semaphore_mem>>)
      %dma_wait3A_345 = arith.constant 0 : i32
      %dma_wait3A_346 = tpu.memref_slice %arg12[%mul3A_2, %dma_wait3A_345] : memref<10008x64xbf16, #tpu.memory_space<vmem_shared>> -> memref<624x64xbf16, #tpu.memory_space<vmem_shared>>
      %dma_wait3A_347 = arith.constant 0 : i32
      %dma_wait3A_348 = tpu.memref_slice %arg5[%mul3A_0, %dma_wait3A_347] : memref<10008x64xbf16, #tpu.memory_space<hbm>> -> memref<624x64xbf16, #tpu.memory_space<hbm>>
      tpu.wait_dma2 semaphore(%run_scoped3A_340 : memref<!tpu.dma_semaphore, #tpu.memory_space<semaphore_mem>>) src(%dma_wait3A_348 : memref<624x64xbf16, #tpu.memory_space<hbm>>) dst(%dma_wait3A_346 : memref<624x64xbf16, #tpu.memory_space<vmem_shared>>)
      tpu.yield
    }) : () -> ()
    %eq3A = arith.constant 15 : i32
    %eq3A_3 = arith.cmpi eq, %arg1, %eq3A : i32
    %convert_element_type3A = arith.extui %eq3A_3 : i1 to i32
    %cond3A = arith.constant 0 : i32
    %cond3A_4 = arith.cmpi ne, %convert_element_type3A, %cond3A : i32
    scf.if %cond3A_4 {
      "tpu.region"() ({
        %run_scoped3A_340 = tpu.sem_alloc : memref<!tpu.dma_semaphore, #tpu.memory_space<semaphore_mem>>
        %dma_start3A_341 = arith.constant 9984 : i32
        %dma_start3A_342 = arith.constant 0 : i32
        %dma_start3A_343 = tpu.memref_slice %arg12[%dma_start3A_341, %dma_start3A_342] : memref<10008x64xbf16, #tpu.memory_space<vmem_shared>> -> memref<24x64xbf16, #tpu.memory_space<vmem_shared>>
        %dma_start3A_344 = arith.constant 9984 : i32
        %dma_start3A_345 = arith.constant 0 : i32
        %dma_start3A_346 = tpu.memref_slice %arg5[%dma_start3A_344, %dma_start3A_345] : memref<10008x64xbf16, #tpu.memory_space<hbm>> -> memref<24x64xbf16, #tpu.memory_space<hbm>>
        tpu.enqueue_dma source(%dma_start3A_346 : memref<24x64xbf16, #tpu.memory_space<hbm>>) target(%dma_start3A_343 : memref<24x64xbf16, #tpu.memory_space<vmem_shared>>) target_semaphore(%run_scoped3A_340 : memref<!tpu.dma_semaphore, #tpu.memory_space<semaphore_mem>>)
        %dma_wait3A_347 = arith.constant 9984 : i32
        %dma_wait3A_348 = arith.constant 0 : i32
        %dma_wait3A_349 = tpu.memref_slice %arg12[%dma_wait3A_347, %dma_wait3A_348] : memref<10008x64xbf16, #tpu.memory_space<vmem_shared>> -> memref<24x64xbf16, #tpu.memory_space<vmem_shared>>
        %dma_wait3A_350 = arith.constant 9984 : i32
        %dma_wait3A_351 = arith.constant 0 : i32
        %dma_wait3A_352 = tpu.memref_slice %arg5[%dma_wait3A_350, %dma_wait3A_351] : memref<10008x64xbf16, #tpu.memory_space<hbm>> -> memref<24x64xbf16, #tpu.memory_space<hbm>>
        tpu.wait_dma2 semaphore(%run_scoped3A_340 : memref<!tpu.dma_semaphore, #tpu.memory_space<semaphore_mem>>) src(%dma_wait3A_352 : memref<24x64xbf16, #tpu.memory_space<hbm>>) dst(%dma_wait3A_349 : memref<24x64xbf16, #tpu.memory_space<vmem_shared>>)
        tpu.yield
      }) : () -> ()
    } else {
    }
    %broadcast_in_dim3A = arith.constant 0.000000e+00 : f32
    %broadcast_in_dim3A_5 = vector.broadcast %broadcast_in_dim3A : f32 to vector<16xf32>
    %swap3A = arith.constant 0 : index
    %swap3A_6 = tpu.vector_load %arg17[%swap3A] {strides = array<i32>} : memref<624xf32, #tpu.memory_space<vmem>>, vector<16xf32>,
    %swap3A_7 = vector.shape_cast %swap3A_6 : vector<16xf32> to vector<16xf32>
    %swap3A_8 = vector.shape_cast %broadcast_in_dim3A_5 : vector<16xf32> to vector<16xf32>
    tpu.vector_store %arg17[%swap3A], %swap3A_8 {strides = array<i32>} : memref<624xf32, #tpu.memory_space<vmem>>, vector<16xf32>,
    %broadcast_in_dim3A_9 = arith.constant 0.000000e+00 : f32
    %broadcast_in_dim3A_10 = vector.broadcast %broadcast_in_dim3A_9 : f32 to vector<16xf32>
    %swap3A_11 = arith.constant 16 : index
    %swap3A_12 = tpu.vector_load %arg17[%swap3A_11] {strides = array<i32>} : memref<624xf32, #tpu.memory_space<vmem>>, vector<16xf32>,
    %swap3A_13 = vector.shape_cast %swap3A_12 : vector<16xf32> to vector<16xf32>
    %swap3A_14 = vector.shape_cast %broadcast_in_dim3A_10 : vector<16xf32> to vector<16xf32>
    tpu.vector_store %arg17[%swap3A_11], %swap3A_14 {strides = array<i32>} : memref<624xf32, #tpu.memory_space<vmem>>, vector<16xf32>,
    %broadcast_in_dim3A_15 = arith.constant 0.000000e+00 : f32
    %broadcast_in_dim3A_16 = vector.broadcast %broadcast_in_dim3A_15 : f32 to vector<16xf32>
    %swap3A_17 = arith.constant 32 : index
    %swap3A_18 = tpu.vector_load %arg17[%swap3A_17] {strides = array<i32>} : memref<624xf32, #tpu.memory_space<vmem>>, vector<16xf32>,
    %swap3A_19 = vector.shape_cast %swap3A_18 : vector<16xf32> to vector<16xf32>
    %swap3A_20 = vector.shape_cast %broadcast_in_dim3A_16 : vector<16xf32> to vector<16xf32>
    tpu.vector_store %arg17[%swap3A_17], %swap3A_20 {strides = array<i32>} : memref<624xf32, #tpu.memory_space<vmem>>, vector<16xf32>,
    %broadcast_in_dim3A_21 = arith.constant 0.000000e+00 : f32
    %broadcast_in_dim3A_22 = vector.broadcast %broadcast_in_dim3A_21 : f32 to vector<16xf32>
    %swap3A_23 = arith.constant 48 : index
    %swap3A_24 = tpu.vector_load %arg17[%swap3A_23] {strides = array<i32>} : memref<624xf32, #tpu.memory_space<vmem>>, vector<16xf32>,
    %swap3A_25 = vector.shape_cast %swap3A_24 : vector<16xf32> to vector<16xf32>
    %swap3A_26 = vector.shape_cast %broadcast_in_dim3A_22 : vector<16xf32> to vector<16xf32>
    tpu.vector_store %arg17[%swap3A_23], %swap3A_26 {strides = array<i32>} : memref<624xf32, #tpu.memory_space<vmem>>, vector<16xf32>,
    %broadcast_in_dim3A_27 = arith.constant 0.000000e+00 : f32
    %broadcast_in_dim3A_28 = vector.broadcast %broadcast_in_dim3A_27 : f32 to vector<16xf32>
    %swap3A_29 = arith.constant 64 : index
    %swap3A_30 = tpu.vector_load %arg17[%swap3A_29] {strides = array<i32>} : memref<624xf32, #tpu.memory_space<vmem>>, vector<16xf32>,
    %swap3A_31 = vector.shape_cast %swap3A_30 : vector<16xf32> to vector<16xf32>
    %swap3A_32 = vector.shape_cast %broadcast_in_dim3A_28 : vector<16xf32> to vector<16xf32>
    tpu.vector_store %arg17[%swap3A_29], %swap3A_32 {strides = array<i32>} : memref<624xf32, #tpu.memory_space<vmem>>, vector<16xf32>,
    %broadcast_in_dim3A_33 = arith.constant 0.000000e+00 : f32
    %broadcast_in_dim3A_34 = vector.broadcast %broadcast_in_dim3A_33 : f32 to vector<16xf32>
    %swap3A_35 = arith.constant 80 : index
    %swap3A_36 = tpu.vector_load %arg17[%swap3A_35] {strides = array<i32>} : memref<624xf32, #tpu.memory_space<vmem>>, vector<16xf32>,
    %swap3A_37 = vector.shape_cast %swap3A_36 : vector<16xf32> to vector<16xf32>
    %swap3A_38 = vector.shape_cast %broadcast_in_dim3A_34 : vector<16xf32> to vector<16xf32>
    tpu.vector_store %arg17[%swap3A_35], %swap3A_38 {strides = array<i32>} : memref<624xf32, #tpu.memory_space<vmem>>, vector<16xf32>,
    %broadcast_in_dim3A_39 = arith.constant 0.000000e+00 : f32
    %broadcast_in_dim3A_40 = vector.broadcast %broadcast_in_dim3A_39 : f32 to vector<16xf32>
    %swap3A_41 = arith.constant 96 : index
    %swap3A_42 = tpu.vector_load %arg17[%swap3A_41] {strides = array<i32>} : memref<624xf32, #tpu.memory_space<vmem>>, vector<16xf32>,
    %swap3A_43 = vector.shape_cast %swap3A_42 : vector<16xf32> to vector<16xf32>
    %swap3A_44 = vector.shape_cast %broadcast_in_dim3A_40 : vector<16xf32> to vector<16xf32>
    tpu.vector_store %arg17[%swap3A_41], %swap3A_44 {strides = array<i32>} : memref<624xf32, #tpu.memory_space<vmem>>, vector<16xf32>,
    %broadcast_in_dim3A_45 = arith.constant 0.000000e+00 : f32
    %broadcast_in_dim3A_46 = vector.broadcast %broadcast_in_dim3A_45 : f32 to vector<16xf32>
    %swap3A_47 = arith.constant 112 : index
    %swap3A_48 = tpu.vector_load %arg17[%swap3A_47] {strides = array<i32>} : memref<624xf32, #tpu.memory_space<vmem>>, vector<16xf32>,
    %swap3A_49 = vector.shape_cast %swap3A_48 : vector<16xf32> to vector<16xf32>
    %swap3A_50 = vector.shape_cast %broadcast_in_dim3A_46 : vector<16xf32> to vector<16xf32>
    tpu.vector_store %arg17[%swap3A_47], %swap3A_50 {strides = array<i32>} : memref<624xf32, #tpu.memory_space<vmem>>, vector<16xf32>,
    %broadcast_in_dim3A_51 = arith.constant 0.000000e+00 : f32
    %broadcast_in_dim3A_52 = vector.broadcast %broadcast_in_dim3A_51 : f32 to vector<16xf32>
    %swap3A_53 = arith.constant 128 : index
    %swap3A_54 = tpu.vector_load %arg17[%swap3A_53] {strides = array<i32>} : memref<624xf32, #tpu.memory_space<vmem>>, vector<16xf32>,
    %swap3A_55 = vector.shape_cast %swap3A_54 : vector<16xf32> to vector<16xf32>
    %swap3A_56 = vector.shape_cast %broadcast_in_dim3A_52 : vector<16xf32> to vector<16xf32>
    tpu.vector_store %arg17[%swap3A_53], %swap3A_56 {strides = array<i32>} : memref<624xf32, #tpu.memory_space<vmem>>, vector<16xf32>,
    %broadcast_in_dim3A_57 = arith.constant 0.000000e+00 : f32
    %broadcast_in_dim3A_58 = vector.broadcast %broadcast_in_dim3A_57 : f32 to vector<16xf32>
    %swap3A_59 = arith.constant 144 : index
    %swap3A_60 = tpu.vector_load %arg17[%swap3A_59] {strides = array<i32>} : memref<624xf32, #tpu.memory_space<vmem>>, vector<16xf32>,
    %swap3A_61 = vector.shape_cast %swap3A_60 : vector<16xf32> to vector<16xf32>
    %swap3A_62 = vector.shape_cast %broadcast_in_dim3A_58 : vector<16xf32> to vector<16xf32>
    tpu.vector_store %arg17[%swap3A_59], %swap3A_62 {strides = array<i32>} : memref<624xf32, #tpu.memory_space<vmem>>, vector<16xf32>,
    %broadcast_in_dim3A_63 = arith.constant 0.000000e+00 : f32
    %broadcast_in_dim3A_64 = vector.broadcast %broadcast_in_dim3A_63 : f32 to vector<16xf32>
    %swap3A_65 = arith.constant 160 : index
    %swap3A_66 = tpu.vector_load %arg17[%swap3A_65] {strides = array<i32>} : memref<624xf32, #tpu.memory_space<vmem>>, vector<16xf32>,
    %swap3A_67 = vector.shape_cast %swap3A_66 : vector<16xf32> to vector<16xf32>
    %swap3A_68 = vector.shape_cast %broadcast_in_dim3A_64 : vector<16xf32> to vector<16xf32>
    tpu.vector_store %arg17[%swap3A_65], %swap3A_68 {strides = array<i32>} : memref<624xf32, #tpu.memory_space<vmem>>, vector<16xf32>,
    %broadcast_in_dim3A_69 = arith.constant 0.000000e+00 : f32
    %broadcast_in_dim3A_70 = vector.broadcast %broadcast_in_dim3A_69 : f32 to vector<16xf32>
    %swap3A_71 = arith.constant 176 : index
    %swap3A_72 = tpu.vector_load %arg17[%swap3A_71] {strides = array<i32>} : memref<624xf32, #tpu.memory_space<vmem>>, vector<16xf32>,
    %swap3A_73 = vector.shape_cast %swap3A_72 : vector<16xf32> to vector<16xf32>
    %swap3A_74 = vector.shape_cast %broadcast_in_dim3A_70 : vector<16xf32> to vector<16xf32>
    tpu.vector_store %arg17[%swap3A_71], %swap3A_74 {strides = array<i32>} : memref<624xf32, #tpu.memory_space<vmem>>, vector<16xf32>,
    %broadcast_in_dim3A_75 = arith.constant 0.000000e+00 : f32
    %broadcast_in_dim3A_76 = vector.broadcast %broadcast_in_dim3A_75 : f32 to vector<16xf32>
    %swap3A_77 = arith.constant 192 : index
    %swap3A_78 = tpu.vector_load %arg17[%swap3A_77] {strides = array<i32>} : memref<624xf32, #tpu.memory_space<vmem>>, vector<16xf32>,
    %swap3A_79 = vector.shape_cast %swap3A_78 : vector<16xf32> to vector<16xf32>
    %swap3A_80 = vector.shape_cast %broadcast_in_dim3A_76 : vector<16xf32> to vector<16xf32>
    tpu.vector_store %arg17[%swap3A_77], %swap3A_80 {strides = array<i32>} : memref<624xf32, #tpu.memory_space<vmem>>, vector<16xf32>,
    %broadcast_in_dim3A_81 = arith.constant 0.000000e+00 : f32
    %broadcast_in_dim3A_82 = vector.broadcast %broadcast_in_dim3A_81 : f32 to vector<16xf32>
    %swap3A_83 = arith.constant 208 : index
    %swap3A_84 = tpu.vector_load %arg17[%swap3A_83] {strides = array<i32>} : memref<624xf32, #tpu.memory_space<vmem>>, vector<16xf32>,
    %swap3A_85 = vector.shape_cast %swap3A_84 : vector<16xf32> to vector<16xf32>
    %swap3A_86 = vector.shape_cast %broadcast_in_dim3A_82 : vector<16xf32> to vector<16xf32>
    tpu.vector_store %arg17[%swap3A_83], %swap3A_86 {strides = array<i32>} : memref<624xf32, #tpu.memory_space<vmem>>, vector<16xf32>,
    %broadcast_in_dim3A_87 = arith.constant 0.000000e+00 : f32
    %broadcast_in_dim3A_88 = vector.broadcast %broadcast_in_dim3A_87 : f32 to vector<16xf32>
    %swap3A_89 = arith.constant 224 : index
    %swap3A_90 = tpu.vector_load %arg17[%swap3A_89] {strides = array<i32>} : memref<624xf32, #tpu.memory_space<vmem>>, vector<16xf32>,
    %swap3A_91 = vector.shape_cast %swap3A_90 : vector<16xf32> to vector<16xf32>
    %swap3A_92 = vector.shape_cast %broadcast_in_dim3A_88 : vector<16xf32> to vector<16xf32>
    tpu.vector_store %arg17[%swap3A_89], %swap3A_92 {strides = array<i32>} : memref<624xf32, #tpu.memory_space<vmem>>, vector<16xf32>,
    %broadcast_in_dim3A_93 = arith.constant 0.000000e+00 : f32
    %broadcast_in_dim3A_94 = vector.broadcast %broadcast_in_dim3A_93 : f32 to vector<16xf32>
    %swap3A_95 = arith.constant 240 : index
    %swap3A_96 = tpu.vector_load %arg17[%swap3A_95] {strides = array<i32>} : memref<624xf32, #tpu.memory_space<vmem>>, vector<16xf32>,
    %swap3A_97 = vector.shape_cast %swap3A_96 : vector<16xf32> to vector<16xf32>
    %swap3A_98 = vector.shape_cast %broadcast_in_dim3A_94 : vector<16xf32> to vector<16xf32>
    tpu.vector_store %arg17[%swap3A_95], %swap3A_98 {strides = array<i32>} : memref<624xf32, #tpu.memory_space<vmem>>, vector<16xf32>,
    %broadcast_in_dim3A_99 = arith.constant 0.000000e+00 : f32
    %broadcast_in_dim3A_100 = vector.broadcast %broadcast_in_dim3A_99 : f32 to vector<16xf32>
    %swap3A_101 = arith.constant 256 : index
    %swap3A_102 = tpu.vector_load %arg17[%swap3A_101] {strides = array<i32>} : memref<624xf32, #tpu.memory_space<vmem>>, vector<16xf32>,
    %swap3A_103 = vector.shape_cast %swap3A_102 : vector<16xf32> to vector<16xf32>
    %swap3A_104 = vector.shape_cast %broadcast_in_dim3A_100 : vector<16xf32> to vector<16xf32>
    tpu.vector_store %arg17[%swap3A_101], %swap3A_104 {strides = array<i32>} : memref<624xf32, #tpu.memory_space<vmem>>, vector<16xf32>,
    %broadcast_in_dim3A_105 = arith.constant 0.000000e+00 : f32
    %broadcast_in_dim3A_106 = vector.broadcast %broadcast_in_dim3A_105 : f32 to vector<16xf32>
    %swap3A_107 = arith.constant 272 : index
    %swap3A_108 = tpu.vector_load %arg17[%swap3A_107] {strides = array<i32>} : memref<624xf32, #tpu.memory_space<vmem>>, vector<16xf32>,
    %swap3A_109 = vector.shape_cast %swap3A_108 : vector<16xf32> to vector<16xf32>
    %swap3A_110 = vector.shape_cast %broadcast_in_dim3A_106 : vector<16xf32> to vector<16xf32>
    tpu.vector_store %arg17[%swap3A_107], %swap3A_110 {strides = array<i32>} : memref<624xf32, #tpu.memory_space<vmem>>, vector<16xf32>,
    %broadcast_in_dim3A_111 = arith.constant 0.000000e+00 : f32
    %broadcast_in_dim3A_112 = vector.broadcast %broadcast_in_dim3A_111 : f32 to vector<16xf32>
    %swap3A_113 = arith.constant 288 : index
    %swap3A_114 = tpu.vector_load %arg17[%swap3A_113] {strides = array<i32>} : memref<624xf32, #tpu.memory_space<vmem>>, vector<16xf32>,
    %swap3A_115 = vector.shape_cast %swap3A_114 : vector<16xf32> to vector<16xf32>
    %swap3A_116 = vector.shape_cast %broadcast_in_dim3A_112 : vector<16xf32> to vector<16xf32>
    tpu.vector_store %arg17[%swap3A_113], %swap3A_116 {strides = array<i32>} : memref<624xf32, #tpu.memory_space<vmem>>, vector<16xf32>,
    %broadcast_in_dim3A_117 = arith.constant 0.000000e+00 : f32
    %broadcast_in_dim3A_118 = vector.broadcast %broadcast_in_dim3A_117 : f32 to vector<16xf32>
    %swap3A_119 = arith.constant 304 : index
    %swap3A_120 = tpu.vector_load %arg17[%swap3A_119] {strides = array<i32>} : memref<624xf32, #tpu.memory_space<vmem>>, vector<16xf32>,
    %swap3A_121 = vector.shape_cast %swap3A_120 : vector<16xf32> to vector<16xf32>
    %swap3A_122 = vector.shape_cast %broadcast_in_dim3A_118 : vector<16xf32> to vector<16xf32>
    tpu.vector_store %arg17[%swap3A_119], %swap3A_122 {strides = array<i32>} : memref<624xf32, #tpu.memory_space<vmem>>, vector<16xf32>,
    %broadcast_in_dim3A_123 = arith.constant 0.000000e+00 : f32
    %broadcast_in_dim3A_124 = vector.broadcast %broadcast_in_dim3A_123 : f32 to vector<16xf32>
    %swap3A_125 = arith.constant 320 : index
    %swap3A_126 = tpu.vector_load %arg17[%swap3A_125] {strides = array<i32>} : memref<624xf32, #tpu.memory_space<vmem>>, vector<16xf32>,
    %swap3A_127 = vector.shape_cast %swap3A_126 : vector<16xf32> to vector<16xf32>
    %swap3A_128 = vector.shape_cast %broadcast_in_dim3A_124 : vector<16xf32> to vector<16xf32>
    tpu.vector_store %arg17[%swap3A_125], %swap3A_128 {strides = array<i32>} : memref<624xf32, #tpu.memory_space<vmem>>, vector<16xf32>,
    %broadcast_in_dim3A_129 = arith.constant 0.000000e+00 : f32
    %broadcast_in_dim3A_130 = vector.broadcast %broadcast_in_dim3A_129 : f32 to vector<16xf32>
    %swap3A_131 = arith.constant 336 : index
    %swap3A_132 = tpu.vector_load %arg17[%swap3A_131] {strides = array<i32>} : memref<624xf32, #tpu.memory_space<vmem>>, vector<16xf32>,
    %swap3A_133 = vector.shape_cast %swap3A_132 : vector<16xf32> to vector<16xf32>
    %swap3A_134 = vector.shape_cast %broadcast_in_dim3A_130 : vector<16xf32> to vector<16xf32>
    tpu.vector_store %arg17[%swap3A_131], %swap3A_134 {strides = array<i32>} : memref<624xf32, #tpu.memory_space<vmem>>, vector<16xf32>,
    %broadcast_in_dim3A_135 = arith.constant 0.000000e+00 : f32
    %broadcast_in_dim3A_136 = vector.broadcast %broadcast_in_dim3A_135 : f32 to vector<16xf32>
    %swap3A_137 = arith.constant 352 : index
    %swap3A_138 = tpu.vector_load %arg17[%swap3A_137] {strides = array<i32>} : memref<624xf32, #tpu.memory_space<vmem>>, vector<16xf32>,
    %swap3A_139 = vector.shape_cast %swap3A_138 : vector<16xf32> to vector<16xf32>
    %swap3A_140 = vector.shape_cast %broadcast_in_dim3A_136 : vector<16xf32> to vector<16xf32>
    tpu.vector_store %arg17[%swap3A_137], %swap3A_140 {strides = array<i32>} : memref<624xf32, #tpu.memory_space<vmem>>, vector<16xf32>,
    %broadcast_in_dim3A_141 = arith.constant 0.000000e+00 : f32
    %broadcast_in_dim3A_142 = vector.broadcast %broadcast_in_dim3A_141 : f32 to vector<16xf32>
    %swap3A_143 = arith.constant 368 : index
    %swap3A_144 = tpu.vector_load %arg17[%swap3A_143] {strides = array<i32>} : memref<624xf32, #tpu.memory_space<vmem>>, vector<16xf32>,
    %swap3A_145 = vector.shape_cast %swap3A_144 : vector<16xf32> to vector<16xf32>
    %swap3A_146 = vector.shape_cast %broadcast_in_dim3A_142 : vector<16xf32> to vector<16xf32>
    tpu.vector_store %arg17[%swap3A_143], %swap3A_146 {strides = array<i32>} : memref<624xf32, #tpu.memory_space<vmem>>, vector<16xf32>,
    %broadcast_in_dim3A_147 = arith.constant 0.000000e+00 : f32
    %broadcast_in_dim3A_148 = vector.broadcast %broadcast_in_dim3A_147 : f32 to vector<16xf32>
    %swap3A_149 = arith.constant 384 : index
    %swap3A_150 = tpu.vector_load %arg17[%swap3A_149] {strides = array<i32>} : memref<624xf32, #tpu.memory_space<vmem>>, vector<16xf32>,
    %swap3A_151 = vector.shape_cast %swap3A_150 : vector<16xf32> to vector<16xf32>
    %swap3A_152 = vector.shape_cast %broadcast_in_dim3A_148 : vector<16xf32> to vector<16xf32>
    tpu.vector_store %arg17[%swap3A_149], %swap3A_152 {strides = array<i32>} : memref<624xf32, #tpu.memory_space<vmem>>, vector<16xf32>,
    %broadcast_in_dim3A_153 = arith.constant 0.000000e+00 : f32
    %broadcast_in_dim3A_154 = vector.broadcast %broadcast_in_dim3A_153 : f32 to vector<16xf32>
    %swap3A_155 = arith.constant 400 : index
    %swap3A_156 = tpu.vector_load %arg17[%swap3A_155] {strides = array<i32>} : memref<624xf32, #tpu.memory_space<vmem>>, vector<16xf32>,
    %swap3A_157 = vector.shape_cast %swap3A_156 : vector<16xf32> to vector<16xf32>
    %swap3A_158 = vector.shape_cast %broadcast_in_dim3A_154 : vector<16xf32> to vector<16xf32>
    tpu.vector_store %arg17[%swap3A_155], %swap3A_158 {strides = array<i32>} : memref<624xf32, #tpu.memory_space<vmem>>, vector<16xf32>,
    %broadcast_in_dim3A_159 = arith.constant 0.000000e+00 : f32
    %broadcast_in_dim3A_160 = vector.broadcast %broadcast_in_dim3A_159 : f32 to vector<16xf32>
    %swap3A_161 = arith.constant 416 : index
    %swap3A_162 = tpu.vector_load %arg17[%swap3A_161] {strides = array<i32>} : memref<624xf32, #tpu.memory_space<vmem>>, vector<16xf32>,
    %swap3A_163 = vector.shape_cast %swap3A_162 : vector<16xf32> to vector<16xf32>
    %swap3A_164 = vector.shape_cast %broadcast_in_dim3A_160 : vector<16xf32> to vector<16xf32>
    tpu.vector_store %arg17[%swap3A_161], %swap3A_164 {strides = array<i32>} : memref<624xf32, #tpu.memory_space<vmem>>, vector<16xf32>,
    %broadcast_in_dim3A_165 = arith.constant 0.000000e+00 : f32
    %broadcast_in_dim3A_166 = vector.broadcast %broadcast_in_dim3A_165 : f32 to vector<16xf32>
    %swap3A_167 = arith.constant 432 : index
    %swap3A_168 = tpu.vector_load %arg17[%swap3A_167] {strides = array<i32>} : memref<624xf32, #tpu.memory_space<vmem>>, vector<16xf32>,
    %swap3A_169 = vector.shape_cast %swap3A_168 : vector<16xf32> to vector<16xf32>
    %swap3A_170 = vector.shape_cast %broadcast_in_dim3A_166 : vector<16xf32> to vector<16xf32>
    tpu.vector_store %arg17[%swap3A_167], %swap3A_170 {strides = array<i32>} : memref<624xf32, #tpu.memory_space<vmem>>, vector<16xf32>,
    %broadcast_in_dim3A_171 = arith.constant 0.000000e+00 : f32
    %broadcast_in_dim3A_172 = vector.broadcast %broadcast_in_dim3A_171 : f32 to vector<16xf32>
    %swap3A_173 = arith.constant 448 : index
    %swap3A_174 = tpu.vector_load %arg17[%swap3A_173] {strides = array<i32>} : memref<624xf32, #tpu.memory_space<vmem>>, vector<16xf32>,
    %swap3A_175 = vector.shape_cast %swap3A_174 : vector<16xf32> to vector<16xf32>
    %swap3A_176 = vector.shape_cast %broadcast_in_dim3A_172 : vector<16xf32> to vector<16xf32>
    tpu.vector_store %arg17[%swap3A_173], %swap3A_176 {strides = array<i32>} : memref<624xf32, #tpu.memory_space<vmem>>, vector<16xf32>,
    %broadcast_in_dim3A_177 = arith.constant 0.000000e+00 : f32
    %broadcast_in_dim3A_178 = vector.broadcast %broadcast_in_dim3A_177 : f32 to vector<16xf32>
    %swap3A_179 = arith.constant 464 : index
    %swap3A_180 = tpu.vector_load %arg17[%swap3A_179] {strides = array<i32>} : memref<624xf32, #tpu.memory_space<vmem>>, vector<16xf32>,
    %swap3A_181 = vector.shape_cast %swap3A_180 : vector<16xf32> to vector<16xf32>
    %swap3A_182 = vector.shape_cast %broadcast_in_dim3A_178 : vector<16xf32> to vector<16xf32>
    tpu.vector_store %arg17[%swap3A_179], %swap3A_182 {strides = array<i32>} : memref<624xf32, #tpu.memory_space<vmem>>, vector<16xf32>,
    %broadcast_in_dim3A_183 = arith.constant 0.000000e+00 : f32
    %broadcast_in_dim3A_184 = vector.broadcast %broadcast_in_dim3A_183 : f32 to vector<16xf32>
    %swap3A_185 = arith.constant 480 : index
    %swap3A_186 = tpu.vector_load %arg17[%swap3A_185] {strides = array<i32>} : memref<624xf32, #tpu.memory_space<vmem>>, vector<16xf32>,
    %swap3A_187 = vector.shape_cast %swap3A_186 : vector<16xf32> to vector<16xf32>
    %swap3A_188 = vector.shape_cast %broadcast_in_dim3A_184 : vector<16xf32> to vector<16xf32>
    tpu.vector_store %arg17[%swap3A_185], %swap3A_188 {strides = array<i32>} : memref<624xf32, #tpu.memory_space<vmem>>, vector<16xf32>,
    %broadcast_in_dim3A_189 = arith.constant 0.000000e+00 : f32
    %broadcast_in_dim3A_190 = vector.broadcast %broadcast_in_dim3A_189 : f32 to vector<16xf32>
    %swap3A_191 = arith.constant 496 : index
    %swap3A_192 = tpu.vector_load %arg17[%swap3A_191] {strides = array<i32>} : memref<624xf32, #tpu.memory_space<vmem>>, vector<16xf32>,
    %swap3A_193 = vector.shape_cast %swap3A_192 : vector<16xf32> to vector<16xf32>
    %swap3A_194 = vector.shape_cast %broadcast_in_dim3A_190 : vector<16xf32> to vector<16xf32>
    tpu.vector_store %arg17[%swap3A_191], %swap3A_194 {strides = array<i32>} : memref<624xf32, #tpu.memory_space<vmem>>, vector<16xf32>,
    %broadcast_in_dim3A_195 = arith.constant 0.000000e+00 : f32
    %broadcast_in_dim3A_196 = vector.broadcast %broadcast_in_dim3A_195 : f32 to vector<16xf32>
    %swap3A_197 = arith.constant 512 : index
    %swap3A_198 = tpu.vector_load %arg17[%swap3A_197] {strides = array<i32>} : memref<624xf32, #tpu.memory_space<vmem>>, vector<16xf32>,
    %swap3A_199 = vector.shape_cast %swap3A_198 : vector<16xf32> to vector<16xf32>
    %swap3A_200 = vector.shape_cast %broadcast_in_dim3A_196 : vector<16xf32> to vector<16xf32>
    tpu.vector_store %arg17[%swap3A_197], %swap3A_200 {strides = array<i32>} : memref<624xf32, #tpu.memory_space<vmem>>, vector<16xf32>,
    %broadcast_in_dim3A_201 = arith.constant 0.000000e+00 : f32
    %broadcast_in_dim3A_202 = vector.broadcast %broadcast_in_dim3A_201 : f32 to vector<16xf32>
    %swap3A_203 = arith.constant 528 : index
    %swap3A_204 = tpu.vector_load %arg17[%swap3A_203] {strides = array<i32>} : memref<624xf32, #tpu.memory_space<vmem>>, vector<16xf32>,
    %swap3A_205 = vector.shape_cast %swap3A_204 : vector<16xf32> to vector<16xf32>
    %swap3A_206 = vector.shape_cast %broadcast_in_dim3A_202 : vector<16xf32> to vector<16xf32>
    tpu.vector_store %arg17[%swap3A_203], %swap3A_206 {strides = array<i32>} : memref<624xf32, #tpu.memory_space<vmem>>, vector<16xf32>,
    %broadcast_in_dim3A_207 = arith.constant 0.000000e+00 : f32
    %broadcast_in_dim3A_208 = vector.broadcast %broadcast_in_dim3A_207 : f32 to vector<16xf32>
    %swap3A_209 = arith.constant 544 : index
    %swap3A_210 = tpu.vector_load %arg17[%swap3A_209] {strides = array<i32>} : memref<624xf32, #tpu.memory_space<vmem>>, vector<16xf32>,
    %swap3A_211 = vector.shape_cast %swap3A_210 : vector<16xf32> to vector<16xf32>
    %swap3A_212 = vector.shape_cast %broadcast_in_dim3A_208 : vector<16xf32> to vector<16xf32>
    tpu.vector_store %arg17[%swap3A_209], %swap3A_212 {strides = array<i32>} : memref<624xf32, #tpu.memory_space<vmem>>, vector<16xf32>,
    %broadcast_in_dim3A_213 = arith.constant 0.000000e+00 : f32
    %broadcast_in_dim3A_214 = vector.broadcast %broadcast_in_dim3A_213 : f32 to vector<16xf32>
    %swap3A_215 = arith.constant 560 : index
    %swap3A_216 = tpu.vector_load %arg17[%swap3A_215] {strides = array<i32>} : memref<624xf32, #tpu.memory_space<vmem>>, vector<16xf32>,
    %swap3A_217 = vector.shape_cast %swap3A_216 : vector<16xf32> to vector<16xf32>
    %swap3A_218 = vector.shape_cast %broadcast_in_dim3A_214 : vector<16xf32> to vector<16xf32>
    tpu.vector_store %arg17[%swap3A_215], %swap3A_218 {strides = array<i32>} : memref<624xf32, #tpu.memory_space<vmem>>, vector<16xf32>,
    %broadcast_in_dim3A_219 = arith.constant 0.000000e+00 : f32
    %broadcast_in_dim3A_220 = vector.broadcast %broadcast_in_dim3A_219 : f32 to vector<16xf32>
    %swap3A_221 = arith.constant 576 : index
    %swap3A_222 = tpu.vector_load %arg17[%swap3A_221] {strides = array<i32>} : memref<624xf32, #tpu.memory_space<vmem>>, vector<16xf32>,
    %swap3A_223 = vector.shape_cast %swap3A_222 : vector<16xf32> to vector<16xf32>
    %swap3A_224 = vector.shape_cast %broadcast_in_dim3A_220 : vector<16xf32> to vector<16xf32>
    tpu.vector_store %arg17[%swap3A_221], %swap3A_224 {strides = array<i32>} : memref<624xf32, #tpu.memory_space<vmem>>, vector<16xf32>,
    %broadcast_in_dim3A_225 = arith.constant 0.000000e+00 : f32
    %broadcast_in_dim3A_226 = vector.broadcast %broadcast_in_dim3A_225 : f32 to vector<16xf32>
    %swap3A_227 = arith.constant 592 : index
    %swap3A_228 = tpu.vector_load %arg17[%swap3A_227] {strides = array<i32>} : memref<624xf32, #tpu.memory_space<vmem>>, vector<16xf32>,
    %swap3A_229 = vector.shape_cast %swap3A_228 : vector<16xf32> to vector<16xf32>
    %swap3A_230 = vector.shape_cast %broadcast_in_dim3A_226 : vector<16xf32> to vector<16xf32>
    tpu.vector_store %arg17[%swap3A_227], %swap3A_230 {strides = array<i32>} : memref<624xf32, #tpu.memory_space<vmem>>, vector<16xf32>,
    %broadcast_in_dim3A_231 = arith.constant 0.000000e+00 : f32
    %broadcast_in_dim3A_232 = vector.broadcast %broadcast_in_dim3A_231 : f32 to vector<16xf32>
    %swap3A_233 = arith.constant 608 : index
    %swap3A_234 = tpu.vector_load %arg17[%swap3A_233] {strides = array<i32>} : memref<624xf32, #tpu.memory_space<vmem>>, vector<16xf32>,
    %swap3A_235 = vector.shape_cast %swap3A_234 : vector<16xf32> to vector<16xf32>
    %swap3A_236 = vector.shape_cast %broadcast_in_dim3A_232 : vector<16xf32> to vector<16xf32>
    tpu.vector_store %arg17[%swap3A_233], %swap3A_236 {strides = array<i32>} : memref<624xf32, #tpu.memory_space<vmem>>, vector<16xf32>,
    %mul3A_237 = arith.constant 624 : i32
    %mul3A_238 = arith.muli %arg1, %mul3A_237 : i32
    "tpu.region"() ({
      %run_scoped3A_340 = tpu.sem_alloc : memref<!tpu.dma_semaphore, #tpu.memory_space<semaphore_mem>>
      %dma_start3A_341 = tpu.memref_slice %arg16[%mul3A_238] : memref<10008xf32, #tpu.memory_space<vmem_shared>> -> memref<624xf32, #tpu.memory_space<vmem_shared>>
      %dma_start3A_342 = tpu.memref_slice %arg16[%mul3A_238] : memref<10008xf32, #tpu.memory_space<vmem_shared>> -> memref<624xf32, #tpu.memory_space<vmem_shared>>
      tpu.enqueue_dma source(%arg17 : memref<624xf32, #tpu.memory_space<vmem>>) target(%dma_start3A_342 : memref<624xf32, #tpu.memory_space<vmem_shared>>) target_semaphore(%run_scoped3A_340 : memref<!tpu.dma_semaphore, #tpu.memory_space<semaphore_mem>>)
      %dma_wait3A_343 = tpu.memref_slice %arg16[%mul3A_238] : memref<10008xf32, #tpu.memory_space<vmem_shared>> -> memref<624xf32, #tpu.memory_space<vmem_shared>>
      %dma_wait3A_344 = tpu.memref_slice %arg16[%mul3A_238] : memref<10008xf32, #tpu.memory_space<vmem_shared>> -> memref<624xf32, #tpu.memory_space<vmem_shared>>
      tpu.wait_dma2 semaphore(%run_scoped3A_340 : memref<!tpu.dma_semaphore, #tpu.memory_space<semaphore_mem>>) src(%arg17 : memref<624xf32, #tpu.memory_space<vmem>>) dst(%dma_wait3A_344 : memref<624xf32, #tpu.memory_space<vmem_shared>>)
      tpu.yield
    }) : () -> ()
    %eq3A_239 = arith.constant 15 : i32
    %eq3A_240 = arith.cmpi eq, %arg1, %eq3A_239 : i32
    %convert_element_type3A_241 = arith.extui %eq3A_240 : i1 to i32
    %cond3A_242 = arith.constant 0 : i32
    %cond3A_243 = arith.cmpi ne, %convert_element_type3A_241, %cond3A_242 : i32
    scf.if %cond3A_243 {
      "tpu.region"() ({
        %run_scoped3A_340 = tpu.sem_alloc : memref<!tpu.dma_semaphore, #tpu.memory_space<semaphore_mem>>
        %dma_start3A_341 = arith.constant 0 : i32
        %dma_start3A_342 = tpu.memref_slice %arg17[%dma_start3A_341] : memref<624xf32, #tpu.memory_space<vmem>> -> memref<24xf32, #tpu.memory_space<vmem>>
        %dma_start3A_343 = arith.constant 9984 : i32
        %dma_start3A_344 = tpu.memref_slice %arg16[%dma_start3A_343] : memref<10008xf32, #tpu.memory_space<vmem_shared>> -> memref<24xf32, #tpu.memory_space<vmem_shared>>
        %dma_start3A_345 = arith.constant 9984 : i32
        %dma_start3A_346 = tpu.memref_slice %arg16[%dma_start3A_345] : memref<10008xf32, #tpu.memory_space<vmem_shared>> -> memref<24xf32, #tpu.memory_space<vmem_shared>>
        %dma_start3A_347 = arith.constant 0 : i32
        %dma_start3A_348 = tpu.memref_slice %arg17[%dma_start3A_347] : memref<624xf32, #tpu.memory_space<vmem>> -> memref<24xf32, #tpu.memory_space<vmem>>
        tpu.enqueue_dma source(%dma_start3A_348 : memref<24xf32, #tpu.memory_space<vmem>>) target(%dma_start3A_346 : memref<24xf32, #tpu.memory_space<vmem_shared>>) target_semaphore(%run_scoped3A_340 : memref<!tpu.dma_semaphore, #tpu.memory_space<semaphore_mem>>)
        %dma_wait3A_349 = arith.constant 0 : i32
        %dma_wait3A_350 = tpu.memref_slice %arg17[%dma_wait3A_349] : memref<624xf32, #tpu.memory_space<vmem>> -> memref<24xf32, #tpu.memory_space<vmem>>
        %dma_wait3A_351 = arith.constant 9984 : i32
        %dma_wait3A_352 = tpu.memref_slice %arg16[%dma_wait3A_351] : memref<10008xf32, #tpu.memory_space<vmem_shared>> -> memref<24xf32, #tpu.memory_space<vmem_shared>>
        %dma_wait3A_353 = arith.constant 9984 : i32
        %dma_wait3A_354 = tpu.memref_slice %arg16[%dma_wait3A_353] : memref<10008xf32, #tpu.memory_space<vmem_shared>> -> memref<24xf32, #tpu.memory_space<vmem_shared>>
        %dma_wait3A_355 = arith.constant 0 : i32
        %dma_wait3A_356 = tpu.memref_slice %arg17[%dma_wait3A_355] : memref<624xf32, #tpu.memory_space<vmem>> -> memref<24xf32, #tpu.memory_space<vmem>>
        tpu.wait_dma2 semaphore(%run_scoped3A_340 : memref<!tpu.dma_semaphore, #tpu.memory_space<semaphore_mem>>) src(%dma_wait3A_356 : memref<24xf32, #tpu.memory_space<vmem>>) dst(%dma_wait3A_354 : memref<24xf32, #tpu.memory_space<vmem_shared>>)
        tpu.yield
      }) : () -> ()
    } else {
    }
    %broadcast_in_dim3A_244 = arith.constant 1.000000e+00 : f32
    %broadcast_in_dim3A_245 = vector.broadcast %broadcast_in_dim3A_244 : f32 to vector<16xf32>
    %swap3A_246 = arith.constant 0 : index
    %swap3A_247 = tpu.vector_load %arg15[%swap3A_246] {strides = array<i32>} : memref<128xf32, #tpu.memory_space<vmem>>, vector<16xf32>,
    %swap3A_248 = vector.shape_cast %swap3A_247 : vector<16xf32> to vector<16xf32>
    %swap3A_249 = vector.shape_cast %broadcast_in_dim3A_245 : vector<16xf32> to vector<16xf32>
    tpu.vector_store %arg15[%swap3A_246], %swap3A_249 {strides = array<i32>} : memref<128xf32, #tpu.memory_space<vmem>>, vector<16xf32>,
    %broadcast_in_dim3A_250 = arith.constant 1.000000e+00 : f32
    %broadcast_in_dim3A_251 = vector.broadcast %broadcast_in_dim3A_250 : f32 to vector<16xf32>
    %swap3A_252 = arith.constant 16 : index
    %swap3A_253 = tpu.vector_load %arg15[%swap3A_252] {strides = array<i32>} : memref<128xf32, #tpu.memory_space<vmem>>, vector<16xf32>,
    %swap3A_254 = vector.shape_cast %swap3A_253 : vector<16xf32> to vector<16xf32>
    %swap3A_255 = vector.shape_cast %broadcast_in_dim3A_251 : vector<16xf32> to vector<16xf32>
    tpu.vector_store %arg15[%swap3A_252], %swap3A_255 {strides = array<i32>} : memref<128xf32, #tpu.memory_space<vmem>>, vector<16xf32>,
    %broadcast_in_dim3A_256 = arith.constant 1.000000e+00 : f32
    %broadcast_in_dim3A_257 = vector.broadcast %broadcast_in_dim3A_256 : f32 to vector<16xf32>
    %swap3A_258 = arith.constant 32 : index
    %swap3A_259 = tpu.vector_load %arg15[%swap3A_258] {strides = array<i32>} : memref<128xf32, #tpu.memory_space<vmem>>, vector<16xf32>,
    %swap3A_260 = vector.shape_cast %swap3A_259 : vector<16xf32> to vector<16xf32>
    %swap3A_261 = vector.shape_cast %broadcast_in_dim3A_257 : vector<16xf32> to vector<16xf32>
    tpu.vector_store %arg15[%swap3A_258], %swap3A_261 {strides = array<i32>} : memref<128xf32, #tpu.memory_space<vmem>>, vector<16xf32>,
    %broadcast_in_dim3A_262 = arith.constant 1.000000e+00 : f32
    %broadcast_in_dim3A_263 = vector.broadcast %broadcast_in_dim3A_262 : f32 to vector<16xf32>
    %swap3A_264 = arith.constant 48 : index
    %swap3A_265 = tpu.vector_load %arg15[%swap3A_264] {strides = array<i32>} : memref<128xf32, #tpu.memory_space<vmem>>, vector<16xf32>,
    %swap3A_266 = vector.shape_cast %swap3A_265 : vector<16xf32> to vector<16xf32>
    %swap3A_267 = vector.shape_cast %broadcast_in_dim3A_263 : vector<16xf32> to vector<16xf32>
    tpu.vector_store %arg15[%swap3A_264], %swap3A_267 {strides = array<i32>} : memref<128xf32, #tpu.memory_space<vmem>>, vector<16xf32>,
    %broadcast_in_dim3A_268 = arith.constant 1.000000e+00 : f32
    %broadcast_in_dim3A_269 = vector.broadcast %broadcast_in_dim3A_268 : f32 to vector<16xf32>
    %swap3A_270 = arith.constant 64 : index
    %swap3A_271 = tpu.vector_load %arg15[%swap3A_270] {strides = array<i32>} : memref<128xf32, #tpu.memory_space<vmem>>, vector<16xf32>,
    %swap3A_272 = vector.shape_cast %swap3A_271 : vector<16xf32> to vector<16xf32>
    %swap3A_273 = vector.shape_cast %broadcast_in_dim3A_269 : vector<16xf32> to vector<16xf32>
    tpu.vector_store %arg15[%swap3A_270], %swap3A_273 {strides = array<i32>} : memref<128xf32, #tpu.memory_space<vmem>>, vector<16xf32>,
    %broadcast_in_dim3A_274 = arith.constant 1.000000e+00 : f32
    %broadcast_in_dim3A_275 = vector.broadcast %broadcast_in_dim3A_274 : f32 to vector<16xf32>
    %swap3A_276 = arith.constant 80 : index
    %swap3A_277 = tpu.vector_load %arg15[%swap3A_276] {strides = array<i32>} : memref<128xf32, #tpu.memory_space<vmem>>, vector<16xf32>,
    %swap3A_278 = vector.shape_cast %swap3A_277 : vector<16xf32> to vector<16xf32>
    %swap3A_279 = vector.shape_cast %broadcast_in_dim3A_275 : vector<16xf32> to vector<16xf32>
    tpu.vector_store %arg15[%swap3A_276], %swap3A_279 {strides = array<i32>} : memref<128xf32, #tpu.memory_space<vmem>>, vector<16xf32>,
    %broadcast_in_dim3A_280 = arith.constant 1.000000e+00 : f32
    %broadcast_in_dim3A_281 = vector.broadcast %broadcast_in_dim3A_280 : f32 to vector<16xf32>
    %swap3A_282 = arith.constant 96 : index
    %swap3A_283 = tpu.vector_load %arg15[%swap3A_282] {strides = array<i32>} : memref<128xf32, #tpu.memory_space<vmem>>, vector<16xf32>,
    %swap3A_284 = vector.shape_cast %swap3A_283 : vector<16xf32> to vector<16xf32>
    %swap3A_285 = vector.shape_cast %broadcast_in_dim3A_281 : vector<16xf32> to vector<16xf32>
    tpu.vector_store %arg15[%swap3A_282], %swap3A_285 {strides = array<i32>} : memref<128xf32, #tpu.memory_space<vmem>>, vector<16xf32>,
    %broadcast_in_dim3A_286 = arith.constant 1.000000e+00 : f32
    %broadcast_in_dim3A_287 = vector.broadcast %broadcast_in_dim3A_286 : f32 to vector<16xf32>
    %swap3A_288 = arith.constant 112 : index
    %swap3A_289 = tpu.vector_load %arg15[%swap3A_288] {strides = array<i32>} : memref<128xf32, #tpu.memory_space<vmem>>, vector<16xf32>,
    %swap3A_290 = vector.shape_cast %swap3A_289 : vector<16xf32> to vector<16xf32>
    %swap3A_291 = vector.shape_cast %broadcast_in_dim3A_287 : vector<16xf32> to vector<16xf32>
    tpu.vector_store %arg15[%swap3A_288], %swap3A_291 {strides = array<i32>} : memref<128xf32, #tpu.memory_space<vmem>>, vector<16xf32>,
    "tpu.region"() ({
      %run_scoped3A_340 = tpu.sem_alloc : memref<!tpu.dma_semaphore, #tpu.memory_space<semaphore_mem>>
      %dma_start3A_341 = arith.constant 0 : i32
      %dma_start3A_342 = arith.constant 0 : i32
      %dma_start3A_343 = tpu.memref_slice %arg2[%arg1, %dma_start3A_341, %dma_start3A_342] : memref<16x157x128xi32, #tpu.memory_space<hbm>> -> memref<1x157x128xi32, #tpu.memory_space<hbm>>
      %dma_start3A_344 = tpu.memref_squeeze %dma_start3A_343 : memref<1x157x128xi32, #tpu.memory_space<hbm>> -> memref<157x128xi32, #tpu.memory_space<hbm>>
      %dma_start3A_345 = arith.constant 0 : i32
      %dma_start3A_346 = arith.constant 0 : i32
      %dma_start3A_347 = tpu.memref_slice %arg2[%arg1, %dma_start3A_345, %dma_start3A_346] : memref<16x157x128xi32, #tpu.memory_space<hbm>> -> memref<1x157x128xi32, #tpu.memory_space<hbm>>
      %dma_start3A_348 = tpu.memref_squeeze %dma_start3A_347 : memref<1x157x128xi32, #tpu.memory_space<hbm>> -> memref<157x128xi32, #tpu.memory_space<hbm>>
      tpu.enqueue_dma source(%dma_start3A_348 : memref<157x128xi32, #tpu.memory_space<hbm>>) target(%arg8 : memref<157x128xi32, #tpu.memory_space<vmem>>) target_semaphore(%run_scoped3A_340 : memref<!tpu.dma_semaphore, #tpu.memory_space<semaphore_mem>>)
      %dma_wait3A_349 = arith.constant 0 : i32
      %dma_wait3A_350 = arith.constant 0 : i32
      %dma_wait3A_351 = tpu.memref_slice %arg2[%arg1, %dma_wait3A_349, %dma_wait3A_350] : memref<16x157x128xi32, #tpu.memory_space<hbm>> -> memref<1x157x128xi32, #tpu.memory_space<hbm>>
      %dma_wait3A_352 = tpu.memref_squeeze %dma_wait3A_351 : memref<1x157x128xi32, #tpu.memory_space<hbm>> -> memref<157x128xi32, #tpu.memory_space<hbm>>
      %dma_wait3A_353 = arith.constant 0 : i32
      %dma_wait3A_354 = arith.constant 0 : i32
      %dma_wait3A_355 = tpu.memref_slice %arg2[%arg1, %dma_wait3A_353, %dma_wait3A_354] : memref<16x157x128xi32, #tpu.memory_space<hbm>> -> memref<1x157x128xi32, #tpu.memory_space<hbm>>
      %dma_wait3A_356 = tpu.memref_squeeze %dma_wait3A_355 : memref<1x157x128xi32, #tpu.memory_space<hbm>> -> memref<157x128xi32, #tpu.memory_space<hbm>>
      tpu.wait_dma2 semaphore(%run_scoped3A_340 : memref<!tpu.dma_semaphore, #tpu.memory_space<semaphore_mem>>) src(%dma_wait3A_356 : memref<157x128xi32, #tpu.memory_space<hbm>>) dst(%arg8 : memref<157x128xi32, #tpu.memory_space<vmem>>)
      tpu.yield
    }) : () -> ()
    "tpu.region"() ({
      %run_scoped3A_340 = tpu.sem_alloc : memref<!tpu.dma_semaphore, #tpu.memory_space<semaphore_mem>>
      %dma_start3A_341 = arith.constant 0 : i32
      %dma_start3A_342 = arith.constant 0 : i32
      %dma_start3A_343 = tpu.memref_slice %arg3[%arg1, %dma_start3A_341, %dma_start3A_342] : memref<16x157x128xi32, #tpu.memory_space<hbm>> -> memref<1x157x128xi32, #tpu.memory_space<hbm>>
      %dma_start3A_344 = tpu.memref_squeeze %dma_start3A_343 : memref<1x157x128xi32, #tpu.memory_space<hbm>> -> memref<157x128xi32, #tpu.memory_space<hbm>>
      %dma_start3A_345 = arith.constant 0 : i32
      %dma_start3A_346 = arith.constant 0 : i32
      %dma_start3A_347 = tpu.memref_slice %arg3[%arg1, %dma_start3A_345, %dma_start3A_346] : memref<16x157x128xi32, #tpu.memory_space<hbm>> -> memref<1x157x128xi32, #tpu.memory_space<hbm>>
      %dma_start3A_348 = tpu.memref_squeeze %dma_start3A_347 : memref<1x157x128xi32, #tpu.memory_space<hbm>> -> memref<157x128xi32, #tpu.memory_space<hbm>>
      tpu.enqueue_dma source(%dma_start3A_348 : memref<157x128xi32, #tpu.memory_space<hbm>>) target(%arg9 : memref<157x128xi32, #tpu.memory_space<vmem>>) target_semaphore(%run_scoped3A_340 : memref<!tpu.dma_semaphore, #tpu.memory_space<semaphore_mem>>)
      %dma_wait3A_349 = arith.constant 0 : i32
      %dma_wait3A_350 = arith.constant 0 : i32
      %dma_wait3A_351 = tpu.memref_slice %arg3[%arg1, %dma_wait3A_349, %dma_wait3A_350] : memref<16x157x128xi32, #tpu.memory_space<hbm>> -> memref<1x157x128xi32, #tpu.memory_space<hbm>>
      %dma_wait3A_352 = tpu.memref_squeeze %dma_wait3A_351 : memref<1x157x128xi32, #tpu.memory_space<hbm>> -> memref<157x128xi32, #tpu.memory_space<hbm>>
      %dma_wait3A_353 = arith.constant 0 : i32
      %dma_wait3A_354 = arith.constant 0 : i32
      %dma_wait3A_355 = tpu.memref_slice %arg3[%arg1, %dma_wait3A_353, %dma_wait3A_354] : memref<16x157x128xi32, #tpu.memory_space<hbm>> -> memref<1x157x128xi32, #tpu.memory_space<hbm>>
      %dma_wait3A_356 = tpu.memref_squeeze %dma_wait3A_355 : memref<1x157x128xi32, #tpu.memory_space<hbm>> -> memref<157x128xi32, #tpu.memory_space<hbm>>
      tpu.wait_dma2 semaphore(%run_scoped3A_340 : memref<!tpu.dma_semaphore, #tpu.memory_space<semaphore_mem>>) src(%dma_wait3A_356 : memref<157x128xi32, #tpu.memory_space<hbm>>) dst(%arg9 : memref<157x128xi32, #tpu.memory_space<vmem>>)
      tpu.yield
    }) : () -> ()
    %barrier3A = arith.constant 0 : index
    tpu.barrier barrier_id(%barrier3A)
    %dma_start3A = arith.constant 0 : i32
    %dma_start3A_292 = arith.constant 0 : i32
    %dma_start3A_293 = tpu.memref_slice %arg8[%dma_start3A, %dma_start3A_292] : memref<157x128xi32, #tpu.memory_space<vmem>> -> memref<1x128xi32, #tpu.memory_space<vmem>>
    %dma_start3A_294 = tpu.memref_squeeze %dma_start3A_293 : memref<1x128xi32, #tpu.memory_space<vmem>> -> memref<128xi32, #tpu.memory_space<vmem>>
    %dma_start3A_295 = arith.constant 0 : i32
    %dma_start3A_296 = arith.constant 0 : i32
    %dma_start3A_297 = tpu.memref_slice %arg4[%arg0, %dma_start3A_295, %dma_start3A_296] : memref<2x10000x64xbf16, #tpu.memory_space<hbm>> -> memref<1x10000x64xbf16, #tpu.memory_space<hbm>>
    %dma_start3A_298 = tpu.memref_squeeze %dma_start3A_297 : memref<1x10000x64xbf16, #tpu.memory_space<hbm>> -> memref<10000x64xbf16, #tpu.memory_space<hbm>>
    %dma_start3A_299 = arith.constant 0 : i32
    %dma_start3A_300 = arith.constant 0 : i32
    %dma_start3A_301 = tpu.memref_slice %dma_start3A_298[%dma_start3A_299, %dma_start3A_300] : memref<10000x64xbf16, #tpu.memory_space<hbm>> -> memref<10000x64xbf16, #tpu.memory_space<hbm>>
    tpu.enqueue_indirect_dma source(%dma_start3A_301 : memref<10000x64xbf16, #tpu.memory_space<hbm>>) target(%arg10 : memref<128x64xbf16, #tpu.memory_space<vmem>>) offsets(%dma_start3A_294 : memref<128xi32, #tpu.memory_space<vmem>>) semaphore(%arg13 : memref<!tpu.dma_semaphore, #tpu.memory_space<semaphore_mem>>)
    %scan3A = arith.constant 0 : i32
    %scan3A_302 = arith.constant 0 : i32
    %scan3A_303 = arith.constant 78 : i32
    %scan3A_304 = arith.addi %scan3A_302, %scan3A_303 : i32
    %scan3A_305 = arith.constant 1 : i32
    scf.for %scan3A_340 = %scan3A_302 to %scan3A_304 step %scan3A_305  : i32 {
      %mul3A_341 = arith.constant 2 : i32
      %mul3A_342 = arith.muli %mul3A_341, %scan3A_340 : i32
      %mul3A_343 = arith.constant 2 : i32
      %mul3A_344 = arith.muli %mul3A_343, %scan3A_340 : i32
      %add3A = arith.constant 1 : i32
      %add3A_345 = arith.addi %mul3A_344, %add3A : i32
      %dma_start3A_346 = arith.constant 0 : i32
      %dma_start3A_347 = tpu.memref_slice %arg8[%add3A_345, %dma_start3A_346] : memref<157x128xi32, #tpu.memory_space<vmem>> -> memref<1x128xi32, #tpu.memory_space<vmem>>
      %dma_start3A_348 = tpu.memref_squeeze %dma_start3A_347 : memref<1x128xi32, #tpu.memory_space<vmem>> -> memref<128xi32, #tpu.memory_space<vmem>>
      %dma_start3A_349 = arith.constant 0 : i32
      %dma_start3A_350 = arith.constant 0 : i32
      %dma_start3A_351 = tpu.memref_slice %arg4[%arg0, %dma_start3A_349, %dma_start3A_350] : memref<2x10000x64xbf16, #tpu.memory_space<hbm>> -> memref<1x10000x64xbf16, #tpu.memory_space<hbm>>
      %dma_start3A_352 = tpu.memref_squeeze %dma_start3A_351 : memref<1x10000x64xbf16, #tpu.memory_space<hbm>> -> memref<10000x64xbf16, #tpu.memory_space<hbm>>
      %dma_start3A_353 = arith.constant 0 : i32
      %dma_start3A_354 = arith.constant 0 : i32
      %dma_start3A_355 = tpu.memref_slice %dma_start3A_352[%dma_start3A_353, %dma_start3A_354] : memref<10000x64xbf16, #tpu.memory_space<hbm>> -> memref<10000x64xbf16, #tpu.memory_space<hbm>>
      tpu.enqueue_indirect_dma source(%dma_start3A_355 : memref<10000x64xbf16, #tpu.memory_space<hbm>>) target(%arg11 : memref<128x64xbf16, #tpu.memory_space<vmem>>) offsets(%dma_start3A_348 : memref<128xi32, #tpu.memory_space<vmem>>) semaphore(%arg14 : memref<!tpu.dma_semaphore, #tpu.memory_space<semaphore_mem>>)
      %dma_wait3A_356 = arith.constant 0 : i32
      %dma_wait3A_357 = tpu.memref_slice %arg8[%mul3A_342, %dma_wait3A_356] : memref<157x128xi32, #tpu.memory_space<vmem>> -> memref<1x128xi32, #tpu.memory_space<vmem>>
      %dma_wait3A_358 = tpu.memref_squeeze %dma_wait3A_357 : memref<1x128xi32, #tpu.memory_space<vmem>> -> memref<128xi32, #tpu.memory_space<vmem>>
      %dma_wait3A_359 = arith.constant 0 : i32
      %dma_wait3A_360 = arith.constant 0 : i32
      %dma_wait3A_361 = tpu.memref_slice %arg4[%arg0, %dma_wait3A_359, %dma_wait3A_360] : memref<2x10000x64xbf16, #tpu.memory_space<hbm>> -> memref<1x10000x64xbf16, #tpu.memory_space<hbm>>
      %dma_wait3A_362 = tpu.memref_squeeze %dma_wait3A_361 : memref<1x10000x64xbf16, #tpu.memory_space<hbm>> -> memref<10000x64xbf16, #tpu.memory_space<hbm>>
      %dma_wait3A_363 = arith.constant 0 : i32
      %dma_wait3A_364 = arith.constant 0 : i32
      %dma_wait3A_365 = tpu.memref_slice %dma_wait3A_362[%dma_wait3A_363, %dma_wait3A_364] : memref<10000x64xbf16, #tpu.memory_space<hbm>> -> memref<10000x64xbf16, #tpu.memory_space<hbm>>
      tpu.wait_indirect_dma semaphore(%arg13 : memref<!tpu.dma_semaphore, #tpu.memory_space<semaphore_mem>>) src(%dma_wait3A_365 : memref<10000x64xbf16, #tpu.memory_space<hbm>>) dst(%arg10 : memref<128x64xbf16, #tpu.memory_space<vmem>>)
      "tpu.region"() ({
        %run_scoped3A_388 = tpu.sem_alloc : memref<!tpu.dma_semaphore, #tpu.memory_space<semaphore_mem>>
        %dma_start3A_389 = arith.constant 0 : i32
        %dma_start3A_390 = tpu.memref_slice %arg9[%mul3A_342, %dma_start3A_389] : memref<157x128xi32, #tpu.memory_space<vmem>> -> memref<1x128xi32, #tpu.memory_space<vmem>>
        %dma_start3A_391 = tpu.memref_squeeze %dma_start3A_390 : memref<1x128xi32, #tpu.memory_space<vmem>> -> memref<128xi32, #tpu.memory_space<vmem>>
        %dma_start3A_392 = arith.constant 0 : i32
        %dma_start3A_393 = arith.constant 0 : i32
        %dma_start3A_394 = tpu.memref_slice %arg12[%dma_start3A_392, %dma_start3A_393] : memref<10008x64xbf16, #tpu.memory_space<vmem_shared>> -> memref<10008x64xbf16, #tpu.memory_space<vmem_shared>>
        tpu.enqueue_indirect_dma source(%arg10 : memref<128x64xbf16, #tpu.memory_space<vmem>>) target(%dma_start3A_394 : memref<10008x64xbf16, #tpu.memory_space<vmem_shared>>) offsets(%dma_start3A_391 : memref<128xi32, #tpu.memory_space<vmem>>) semaphore(%run_scoped3A_388 : memref<!tpu.dma_semaphore, #tpu.memory_space<semaphore_mem>>) {add = true}
        %dma_wait3A_395 = arith.constant 0 : i32
        %dma_wait3A_396 = tpu.memref_slice %arg9[%mul3A_342, %dma_wait3A_395] : memref<157x128xi32, #tpu.memory_space<vmem>> -> memref<1x128xi32, #tpu.memory_space<vmem>>
        %dma_wait3A_397 = tpu.memref_squeeze %dma_wait3A_396 : memref<1x128xi32, #tpu.memory_space<vmem>> -> memref<128xi32, #tpu.memory_space<vmem>>
        %dma_wait3A_398 = arith.constant 0 : i32
        %dma_wait3A_399 = arith.constant 0 : i32
        %dma_wait3A_400 = tpu.memref_slice %arg12[%dma_wait3A_398, %dma_wait3A_399] : memref<10008x64xbf16, #tpu.memory_space<vmem_shared>> -> memref<10008x64xbf16, #tpu.memory_space<vmem_shared>>
        tpu.wait_indirect_dma semaphore(%run_scoped3A_388 : memref<!tpu.dma_semaphore, #tpu.memory_space<semaphore_mem>>) src(%arg10 : memref<128x64xbf16, #tpu.memory_space<vmem>>) dst(%dma_wait3A_400 : memref<10008x64xbf16, #tpu.memory_space<vmem_shared>>)
        tpu.yield
      }) : () -> ()
      "tpu.region"() ({
        %run_scoped3A_388 = tpu.sem_alloc : memref<!tpu.dma_semaphore, #tpu.memory_space<semaphore_mem>>
        %dma_start3A_389 = arith.constant 0 : i32
        %dma_start3A_390 = tpu.memref_slice %arg9[%mul3A_342, %dma_start3A_389] : memref<157x128xi32, #tpu.memory_space<vmem>> -> memref<1x128xi32, #tpu.memory_space<vmem>>
        %dma_start3A_391 = tpu.memref_squeeze %dma_start3A_390 : memref<1x128xi32, #tpu.memory_space<vmem>> -> memref<128xi32, #tpu.memory_space<vmem>>
        %dma_start3A_392 = arith.constant 0 : i32
        %dma_start3A_393 = tpu.memref_slice %arg16[%dma_start3A_392] : memref<10008xf32, #tpu.memory_space<vmem_shared>> -> memref<10008xf32, #tpu.memory_space<vmem_shared>>
        tpu.enqueue_indirect_dma source(%arg15 : memref<128xf32, #tpu.memory_space<vmem>>) target(%dma_start3A_393 : memref<10008xf32, #tpu.memory_space<vmem_shared>>) offsets(%dma_start3A_391 : memref<128xi32, #tpu.memory_space<vmem>>) semaphore(%run_scoped3A_388 : memref<!tpu.dma_semaphore, #tpu.memory_space<semaphore_mem>>) {add = true}
        %dma_wait3A_394 = arith.constant 0 : i32
        %dma_wait3A_395 = tpu.memref_slice %arg9[%mul3A_342, %dma_wait3A_394] : memref<157x128xi32, #tpu.memory_space<vmem>> -> memref<1x128xi32, #tpu.memory_space<vmem>>
        %dma_wait3A_396 = tpu.memref_squeeze %dma_wait3A_395 : memref<1x128xi32, #tpu.memory_space<vmem>> -> memref<128xi32, #tpu.memory_space<vmem>>
        %dma_wait3A_397 = arith.constant 0 : i32
        %dma_wait3A_398 = tpu.memref_slice %arg16[%dma_wait3A_397] : memref<10008xf32, #tpu.memory_space<vmem_shared>> -> memref<10008xf32, #tpu.memory_space<vmem_shared>>
        tpu.wait_indirect_dma semaphore(%run_scoped3A_388 : memref<!tpu.dma_semaphore, #tpu.memory_space<semaphore_mem>>) src(%arg15 : memref<128xf32, #tpu.memory_space<vmem>>) dst(%dma_wait3A_398 : memref<10008xf32, #tpu.memory_space<vmem_shared>>)
        tpu.yield
      }) : () -> ()
      %add3A_366 = arith.constant 2 : i32
      %add3A_367 = arith.addi %mul3A_342, %add3A_366 : i32
      %dma_start3A_368 = arith.constant 0 : i32
      %dma_start3A_369 = tpu.memref_slice %arg8[%add3A_367, %dma_start3A_368] : memref<157x128xi32, #tpu.memory_space<vmem>> -> memref<1x128xi32, #tpu.memory_space<vmem>>
      %dma_start3A_370 = tpu.memref_squeeze %dma_start3A_369 : memref<1x128xi32, #tpu.memory_space<vmem>> -> memref<128xi32, #tpu.memory_space<vmem>>
      %dma_start3A_371 = arith.constant 0 : i32
      %dma_start3A_372 = arith.constant 0 : i32
      %dma_start3A_373 = tpu.memref_slice %arg4[%arg0, %dma_start3A_371, %dma_start3A_372] : memref<2x10000x64xbf16, #tpu.memory_space<hbm>> -> memref<1x10000x64xbf16, #tpu.memory_space<hbm>>
      %dma_start3A_374 = tpu.memref_squeeze %dma_start3A_373 : memref<1x10000x64xbf16, #tpu.memory_space<hbm>> -> memref<10000x64xbf16, #tpu.memory_space<hbm>>
      %dma_start3A_375 = arith.constant 0 : i32
      %dma_start3A_376 = arith.constant 0 : i32
      %dma_start3A_377 = tpu.memref_slice %dma_start3A_374[%dma_start3A_375, %dma_start3A_376] : memref<10000x64xbf16, #tpu.memory_space<hbm>> -> memref<10000x64xbf16, #tpu.memory_space<hbm>>
      tpu.enqueue_indirect_dma source(%dma_start3A_377 : memref<10000x64xbf16, #tpu.memory_space<hbm>>) target(%arg10 : memref<128x64xbf16, #tpu.memory_space<vmem>>) offsets(%dma_start3A_370 : memref<128xi32, #tpu.memory_space<vmem>>) semaphore(%arg13 : memref<!tpu.dma_semaphore, #tpu.memory_space<semaphore_mem>>)
      %dma_wait3A_378 = arith.constant 0 : i32
      %dma_wait3A_379 = tpu.memref_slice %arg8[%add3A_345, %dma_wait3A_378] : memref<157x128xi32, #tpu.memory_space<vmem>> -> memref<1x128xi32, #tpu.memory_space<vmem>>
      %dma_wait3A_380 = tpu.memref_squeeze %dma_wait3A_379 : memref<1x128xi32, #tpu.memory_space<vmem>> -> memref<128xi32, #tpu.memory_space<vmem>>
      %dma_wait3A_381 = arith.constant 0 : i32
      %dma_wait3A_382 = arith.constant 0 : i32
      %dma_wait3A_383 = tpu.memref_slice %arg4[%arg0, %dma_wait3A_381, %dma_wait3A_382] : memref<2x10000x64xbf16, #tpu.memory_space<hbm>> -> memref<1x10000x64xbf16, #tpu.memory_space<hbm>>
      %dma_wait3A_384 = tpu.memref_squeeze %dma_wait3A_383 : memref<1x10000x64xbf16, #tpu.memory_space<hbm>> -> memref<10000x64xbf16, #tpu.memory_space<hbm>>
      %dma_wait3A_385 = arith.constant 0 : i32
      %dma_wait3A_386 = arith.constant 0 : i32
      %dma_wait3A_387 = tpu.memref_slice %dma_wait3A_384[%dma_wait3A_385, %dma_wait3A_386] : memref<10000x64xbf16, #tpu.memory_space<hbm>> -> memref<10000x64xbf16, #tpu.memory_space<hbm>>
      tpu.wait_indirect_dma semaphore(%arg14 : memref<!tpu.dma_semaphore, #tpu.memory_space<semaphore_mem>>) src(%dma_wait3A_387 : memref<10000x64xbf16, #tpu.memory_space<hbm>>) dst(%arg11 : memref<128x64xbf16, #tpu.memory_space<vmem>>)
      "tpu.region"() ({
        %run_scoped3A_388 = tpu.sem_alloc : memref<!tpu.dma_semaphore, #tpu.memory_space<semaphore_mem>>
        %dma_start3A_389 = arith.constant 0 : i32
        %dma_start3A_390 = tpu.memref_slice %arg9[%add3A_345, %dma_start3A_389] : memref<157x128xi32, #tpu.memory_space<vmem>> -> memref<1x128xi32, #tpu.memory_space<vmem>>
        %dma_start3A_391 = tpu.memref_squeeze %dma_start3A_390 : memref<1x128xi32, #tpu.memory_space<vmem>> -> memref<128xi32, #tpu.memory_space<vmem>>
        %dma_start3A_392 = arith.constant 0 : i32
        %dma_start3A_393 = arith.constant 0 : i32
        %dma_start3A_394 = tpu.memref_slice %arg12[%dma_start3A_392, %dma_start3A_393] : memref<10008x64xbf16, #tpu.memory_space<vmem_shared>> -> memref<10008x64xbf16, #tpu.memory_space<vmem_shared>>
        tpu.enqueue_indirect_dma source(%arg11 : memref<128x64xbf16, #tpu.memory_space<vmem>>) target(%dma_start3A_394 : memref<10008x64xbf16, #tpu.memory_space<vmem_shared>>) offsets(%dma_start3A_391 : memref<128xi32, #tpu.memory_space<vmem>>) semaphore(%run_scoped3A_388 : memref<!tpu.dma_semaphore, #tpu.memory_space<semaphore_mem>>) {add = true}
        %dma_wait3A_395 = arith.constant 0 : i32
        %dma_wait3A_396 = tpu.memref_slice %arg9[%add3A_345, %dma_wait3A_395] : memref<157x128xi32, #tpu.memory_space<vmem>> -> memref<1x128xi32, #tpu.memory_space<vmem>>
        %dma_wait3A_397 = tpu.memref_squeeze %dma_wait3A_396 : memref<1x128xi32, #tpu.memory_space<vmem>> -> memref<128xi32, #tpu.memory_space<vmem>>
        %dma_wait3A_398 = arith.constant 0 : i32
        %dma_wait3A_399 = arith.constant 0 : i32
        %dma_wait3A_400 = tpu.memref_slice %arg12[%dma_wait3A_398, %dma_wait3A_399] : memref<10008x64xbf16, #tpu.memory_space<vmem_shared>> -> memref<10008x64xbf16, #tpu.memory_space<vmem_shared>>
        tpu.wait_indirect_dma semaphore(%run_scoped3A_388 : memref<!tpu.dma_semaphore, #tpu.memory_space<semaphore_mem>>) src(%arg11 : memref<128x64xbf16, #tpu.memory_space<vmem>>) dst(%dma_wait3A_400 : memref<10008x64xbf16, #tpu.memory_space<vmem_shared>>)
        tpu.yield
      }) : () -> ()
      "tpu.region"() ({
        %run_scoped3A_388 = tpu.sem_alloc : memref<!tpu.dma_semaphore, #tpu.memory_space<semaphore_mem>>
        %dma_start3A_389 = arith.constant 0 : i32
        %dma_start3A_390 = tpu.memref_slice %arg9[%add3A_345, %dma_start3A_389] : memref<157x128xi32, #tpu.memory_space<vmem>> -> memref<1x128xi32, #tpu.memory_space<vmem>>
        %dma_start3A_391 = tpu.memref_squeeze %dma_start3A_390 : memref<1x128xi32, #tpu.memory_space<vmem>> -> memref<128xi32, #tpu.memory_space<vmem>>
        %dma_start3A_392 = arith.constant 0 : i32
        %dma_start3A_393 = tpu.memref_slice %arg16[%dma_start3A_392] : memref<10008xf32, #tpu.memory_space<vmem_shared>> -> memref<10008xf32, #tpu.memory_space<vmem_shared>>
        tpu.enqueue_indirect_dma source(%arg15 : memref<128xf32, #tpu.memory_space<vmem>>) target(%dma_start3A_393 : memref<10008xf32, #tpu.memory_space<vmem_shared>>) offsets(%dma_start3A_391 : memref<128xi32, #tpu.memory_space<vmem>>) semaphore(%run_scoped3A_388 : memref<!tpu.dma_semaphore, #tpu.memory_space<semaphore_mem>>) {add = true}
        %dma_wait3A_394 = arith.constant 0 : i32
        %dma_wait3A_395 = tpu.memref_slice %arg9[%add3A_345, %dma_wait3A_394] : memref<157x128xi32, #tpu.memory_space<vmem>> -> memref<1x128xi32, #tpu.memory_space<vmem>>
        %dma_wait3A_396 = tpu.memref_squeeze %dma_wait3A_395 : memref<1x128xi32, #tpu.memory_space<vmem>> -> memref<128xi32, #tpu.memory_space<vmem>>
        %dma_wait3A_397 = arith.constant 0 : i32
        %dma_wait3A_398 = tpu.memref_slice %arg16[%dma_wait3A_397] : memref<10008xf32, #tpu.memory_space<vmem_shared>> -> memref<10008xf32, #tpu.memory_space<vmem_shared>>
        tpu.wait_indirect_dma semaphore(%run_scoped3A_388 : memref<!tpu.dma_semaphore, #tpu.memory_space<semaphore_mem>>) src(%arg15 : memref<128xf32, #tpu.memory_space<vmem>>) dst(%dma_wait3A_398 : memref<10008xf32, #tpu.memory_space<vmem_shared>>)
        tpu.yield
      }) : () -> ()
    }
    %scan3A_306 = arith.constant 78 : i32
    %dma_wait3A = arith.constant 156 : i32
    %dma_wait3A_307 = arith.constant 0 : i32
    %dma_wait3A_308 = tpu.memref_slice %arg8[%dma_wait3A, %dma_wait3A_307] : memref<157x128xi32, #tpu.memory_space<vmem>> -> memref<1x128xi32, #tpu.memory_space<vmem>>
    %dma_wait3A_309 = tpu.memref_squeeze %dma_wait3A_308 : memref<1x128xi32, #tpu.memory_space<vmem>> -> memref<128xi32, #tpu.memory_space<vmem>>
    %dma_wait3A_310 = arith.constant 0 : i32
    %dma_wait3A_311 = arith.constant 0 : i32
    %dma_wait3A_312 = tpu.memref_slice %arg4[%arg0, %dma_wait3A_310, %dma_wait3A_311] : memref<2x10000x64xbf16, #tpu.memory_space<hbm>> -> memref<1x10000x64xbf16, #tpu.memory_space<hbm>>
    %dma_wait3A_313 = tpu.memref_squeeze %dma_wait3A_312 : memref<1x10000x64xbf16, #tpu.memory_space<hbm>> -> memref<10000x64xbf16, #tpu.memory_space<hbm>>
    %dma_wait3A_314 = arith.constant 0 : i32
    %dma_wait3A_315 = arith.constant 0 : i32
    %dma_wait3A_316 = tpu.memref_slice %dma_wait3A_313[%dma_wait3A_314, %dma_wait3A_315] : memref<10000x64xbf16, #tpu.memory_space<hbm>> -> memref<10000x64xbf16, #tpu.memory_space<hbm>>
    tpu.wait_indirect_dma semaphore(%arg13 : memref<!tpu.dma_semaphore, #tpu.memory_space<semaphore_mem>>) src(%dma_wait3A_316 : memref<10000x64xbf16, #tpu.memory_space<hbm>>) dst(%arg10 : memref<128x64xbf16, #tpu.memory_space<vmem>>)
    %run_scoped3A = arith.constant 156 : i32
    "tpu.region"() ({
      %run_scoped3A_340 = tpu.sem_alloc : memref<!tpu.dma_semaphore, #tpu.memory_space<semaphore_mem>>
      %dma_start3A_341 = arith.constant 0 : i32
      %dma_start3A_342 = tpu.memref_slice %arg9[%run_scoped3A, %dma_start3A_341] : memref<157x128xi32, #tpu.memory_space<vmem>> -> memref<1x128xi32, #tpu.memory_space<vmem>>
      %dma_start3A_343 = tpu.memref_squeeze %dma_start3A_342 : memref<1x128xi32, #tpu.memory_space<vmem>> -> memref<128xi32, #tpu.memory_space<vmem>>
      %dma_start3A_344 = arith.constant 0 : i32
      %dma_start3A_345 = arith.constant 0 : i32
      %dma_start3A_346 = tpu.memref_slice %arg12[%dma_start3A_344, %dma_start3A_345] : memref<10008x64xbf16, #tpu.memory_space<vmem_shared>> -> memref<10008x64xbf16, #tpu.memory_space<vmem_shared>>
      tpu.enqueue_indirect_dma source(%arg10 : memref<128x64xbf16, #tpu.memory_space<vmem>>) target(%dma_start3A_346 : memref<10008x64xbf16, #tpu.memory_space<vmem_shared>>) offsets(%dma_start3A_343 : memref<128xi32, #tpu.memory_space<vmem>>) semaphore(%run_scoped3A_340 : memref<!tpu.dma_semaphore, #tpu.memory_space<semaphore_mem>>) {add = true}
      %dma_wait3A_347 = arith.constant 0 : i32
      %dma_wait3A_348 = tpu.memref_slice %arg9[%run_scoped3A, %dma_wait3A_347] : memref<157x128xi32, #tpu.memory_space<vmem>> -> memref<1x128xi32, #tpu.memory_space<vmem>>
      %dma_wait3A_349 = tpu.memref_squeeze %dma_wait3A_348 : memref<1x128xi32, #tpu.memory_space<vmem>> -> memref<128xi32, #tpu.memory_space<vmem>>
      %dma_wait3A_350 = arith.constant 0 : i32
      %dma_wait3A_351 = arith.constant 0 : i32
      %dma_wait3A_352 = tpu.memref_slice %arg12[%dma_wait3A_350, %dma_wait3A_351] : memref<10008x64xbf16, #tpu.memory_space<vmem_shared>> -> memref<10008x64xbf16, #tpu.memory_space<vmem_shared>>
      tpu.wait_indirect_dma semaphore(%run_scoped3A_340 : memref<!tpu.dma_semaphore, #tpu.memory_space<semaphore_mem>>) src(%arg10 : memref<128x64xbf16, #tpu.memory_space<vmem>>) dst(%dma_wait3A_352 : memref<10008x64xbf16, #tpu.memory_space<vmem_shared>>)
      tpu.yield
    }) : () -> ()
    %run_scoped3A_317 = arith.constant 156 : i32
    "tpu.region"() ({
      %run_scoped3A_340 = tpu.sem_alloc : memref<!tpu.dma_semaphore, #tpu.memory_space<semaphore_mem>>
      %dma_start3A_341 = arith.constant 0 : i32
      %dma_start3A_342 = tpu.memref_slice %arg9[%run_scoped3A_317, %dma_start3A_341] : memref<157x128xi32, #tpu.memory_space<vmem>> -> memref<1x128xi32, #tpu.memory_space<vmem>>
      %dma_start3A_343 = tpu.memref_squeeze %dma_start3A_342 : memref<1x128xi32, #tpu.memory_space<vmem>> -> memref<128xi32, #tpu.memory_space<vmem>>
      %dma_start3A_344 = arith.constant 0 : i32
      %dma_start3A_345 = tpu.memref_slice %arg16[%dma_start3A_344] : memref<10008xf32, #tpu.memory_space<vmem_shared>> -> memref<10008xf32, #tpu.memory_space<vmem_shared>>
      tpu.enqueue_indirect_dma source(%arg15 : memref<128xf32, #tpu.memory_space<vmem>>) target(%dma_start3A_345 : memref<10008xf32, #tpu.memory_space<vmem_shared>>) offsets(%dma_start3A_343 : memref<128xi32, #tpu.memory_space<vmem>>) semaphore(%run_scoped3A_340 : memref<!tpu.dma_semaphore, #tpu.memory_space<semaphore_mem>>) {add = true}
      %dma_wait3A_346 = arith.constant 0 : i32
      %dma_wait3A_347 = tpu.memref_slice %arg9[%run_scoped3A_317, %dma_wait3A_346] : memref<157x128xi32, #tpu.memory_space<vmem>> -> memref<1x128xi32, #tpu.memory_space<vmem>>
      %dma_wait3A_348 = tpu.memref_squeeze %dma_wait3A_347 : memref<1x128xi32, #tpu.memory_space<vmem>> -> memref<128xi32, #tpu.memory_space<vmem>>
      %dma_wait3A_349 = arith.constant 0 : i32
      %dma_wait3A_350 = tpu.memref_slice %arg16[%dma_wait3A_349] : memref<10008xf32, #tpu.memory_space<vmem_shared>> -> memref<10008xf32, #tpu.memory_space<vmem_shared>>
      tpu.wait_indirect_dma semaphore(%run_scoped3A_340 : memref<!tpu.dma_semaphore, #tpu.memory_space<semaphore_mem>>) src(%arg15 : memref<128xf32, #tpu.memory_space<vmem>>) dst(%dma_wait3A_350 : memref<10008xf32, #tpu.memory_space<vmem_shared>>)
      tpu.yield
    }) : () -> ()
    %barrier3A_318 = arith.constant 0 : index
    tpu.barrier barrier_id(%barrier3A_318)
    %mul3A_319 = arith.constant 624 : i32
    %mul3A_320 = arith.muli %arg1, %mul3A_319 : i32
    %mul3A_321 = arith.constant 624 : i32
    %mul3A_322 = arith.muli %arg1, %mul3A_321 : i32
    "tpu.region"() ({
      %run_scoped3A_340 = tpu.sem_alloc : memref<!tpu.dma_semaphore, #tpu.memory_space<semaphore_mem>>
      %dma_start3A_341 = arith.constant 0 : i32
      %dma_start3A_342 = tpu.memref_slice %arg6[%arg0, %mul3A_322, %dma_start3A_341] : memref<2x10000x64xbf16, #tpu.memory_space<hbm>> -> memref<1x624x64xbf16, #tpu.memory_space<hbm>>
      %dma_start3A_343 = tpu.memref_squeeze %dma_start3A_342 : memref<1x624x64xbf16, #tpu.memory_space<hbm>> -> memref<624x64xbf16, #tpu.memory_space<hbm>>
      %dma_start3A_344 = arith.constant 0 : i32
      %dma_start3A_345 = tpu.memref_slice %arg12[%mul3A_320, %dma_start3A_344] : memref<10008x64xbf16, #tpu.memory_space<vmem_shared>> -> memref<624x64xbf16, #tpu.memory_space<vmem_shared>>
      tpu.enqueue_dma source(%dma_start3A_345 : memref<624x64xbf16, #tpu.memory_space<vmem_shared>>) target(%dma_start3A_343 : memref<624x64xbf16, #tpu.memory_space<hbm>>) target_semaphore(%run_scoped3A_340 : memref<!tpu.dma_semaphore, #tpu.memory_space<semaphore_mem>>)
      %dma_wait3A_346 = arith.constant 0 : i32
      %dma_wait3A_347 = tpu.memref_slice %arg6[%arg0, %mul3A_322, %dma_wait3A_346] : memref<2x10000x64xbf16, #tpu.memory_space<hbm>> -> memref<1x624x64xbf16, #tpu.memory_space<hbm>>
      %dma_wait3A_348 = tpu.memref_squeeze %dma_wait3A_347 : memref<1x624x64xbf16, #tpu.memory_space<hbm>> -> memref<624x64xbf16, #tpu.memory_space<hbm>>
      %dma_wait3A_349 = arith.constant 0 : i32
      %dma_wait3A_350 = tpu.memref_slice %arg12[%mul3A_320, %dma_wait3A_349] : memref<10008x64xbf16, #tpu.memory_space<vmem_shared>> -> memref<624x64xbf16, #tpu.memory_space<vmem_shared>>
      tpu.wait_dma2 semaphore(%run_scoped3A_340 : memref<!tpu.dma_semaphore, #tpu.memory_space<semaphore_mem>>) src(%dma_wait3A_350 : memref<624x64xbf16, #tpu.memory_space<vmem_shared>>) dst(%dma_wait3A_348 : memref<624x64xbf16, #tpu.memory_space<hbm>>)
      tpu.yield
    }) : () -> ()
    %eq3A_323 = arith.constant 15 : i32
    %eq3A_324 = arith.cmpi eq, %arg1, %eq3A_323 : i32
    %convert_element_type3A_325 = arith.extui %eq3A_324 : i1 to i32
    %cond3A_326 = arith.constant 0 : i32
    %cond3A_327 = arith.cmpi ne, %convert_element_type3A_325, %cond3A_326 : i32
    scf.if %cond3A_327 {
      "tpu.region"() ({
        %run_scoped3A_340 = tpu.sem_alloc : memref<!tpu.dma_semaphore, #tpu.memory_space<semaphore_mem>>
        %dma_start3A_341 = arith.constant 9984 : i32
        %dma_start3A_342 = arith.constant 0 : i32
        %dma_start3A_343 = tpu.memref_slice %arg6[%arg0, %dma_start3A_341, %dma_start3A_342] : memref<2x10000x64xbf16, #tpu.memory_space<hbm>> -> memref<1x16x64xbf16, #tpu.memory_space<hbm>>
        %dma_start3A_344 = tpu.memref_squeeze %dma_start3A_343 : memref<1x16x64xbf16, #tpu.memory_space<hbm>> -> memref<16x64xbf16, #tpu.memory_space<hbm>>
        %dma_start3A_345 = arith.constant 9984 : i32
        %dma_start3A_346 = arith.constant 0 : i32
        %dma_start3A_347 = tpu.memref_slice %arg12[%dma_start3A_345, %dma_start3A_346] : memref<10008x64xbf16, #tpu.memory_space<vmem_shared>> -> memref<16x64xbf16, #tpu.memory_space<vmem_shared>>
        tpu.enqueue_dma source(%dma_start3A_347 : memref<16x64xbf16, #tpu.memory_space<vmem_shared>>) target(%dma_start3A_344 : memref<16x64xbf16, #tpu.memory_space<hbm>>) target_semaphore(%run_scoped3A_340 : memref<!tpu.dma_semaphore, #tpu.memory_space<semaphore_mem>>)
        %dma_wait3A_348 = arith.constant 9984 : i32
        %dma_wait3A_349 = arith.constant 0 : i32
        %dma_wait3A_350 = tpu.memref_slice %arg6[%arg0, %dma_wait3A_348, %dma_wait3A_349] : memref<2x10000x64xbf16, #tpu.memory_space<hbm>> -> memref<1x16x64xbf16, #tpu.memory_space<hbm>>
        %dma_wait3A_351 = tpu.memref_squeeze %dma_wait3A_350 : memref<1x16x64xbf16, #tpu.memory_space<hbm>> -> memref<16x64xbf16, #tpu.memory_space<hbm>>
        %dma_wait3A_352 = arith.constant 9984 : i32
        %dma_wait3A_353 = arith.constant 0 : i32
        %dma_wait3A_354 = tpu.memref_slice %arg12[%dma_wait3A_352, %dma_wait3A_353] : memref<10008x64xbf16, #tpu.memory_space<vmem_shared>> -> memref<16x64xbf16, #tpu.memory_space<vmem_shared>>
        tpu.wait_dma2 semaphore(%run_scoped3A_340 : memref<!tpu.dma_semaphore, #tpu.memory_space<semaphore_mem>>) src(%dma_wait3A_354 : memref<16x64xbf16, #tpu.memory_space<vmem_shared>>) dst(%dma_wait3A_351 : memref<16x64xbf16, #tpu.memory_space<hbm>>)
        tpu.yield
      }) : () -> ()
    } else {
    }
    %eq3A_328 = arith.constant 0 : i32
    %eq3A_329 = arith.cmpi eq, %arg0, %eq3A_328 : i32
    %convert_element_type3A_330 = arith.extui %eq3A_329 : i1 to i32
    %cond3A_331 = arith.constant 0 : i32
    %cond3A_332 = arith.cmpi ne, %convert_element_type3A_330, %cond3A_331 : i32
    scf.if %cond3A_332 {
      %mul3A_340 = arith.constant 624 : i32
      %mul3A_341 = arith.muli %arg1, %mul3A_340 : i32
      "tpu.region"() ({
        %run_scoped3A_344 = tpu.sem_alloc : memref<!tpu.dma_semaphore, #tpu.memory_space<semaphore_mem>>
        %dma_start3A_345 = tpu.memref_slice %arg16[%mul3A_341] : memref<10008xf32, #tpu.memory_space<vmem_shared>> -> memref<624xf32, #tpu.memory_space<vmem_shared>>
        %dma_start3A_346 = tpu.memref_slice %arg16[%mul3A_341] : memref<10008xf32, #tpu.memory_space<vmem_shared>> -> memref<624xf32, #tpu.memory_space<vmem_shared>>
        tpu.enqueue_dma source(%dma_start3A_346 : memref<624xf32, #tpu.memory_space<vmem_shared>>) target(%arg17 : memref<624xf32, #tpu.memory_space<vmem>>) target_semaphore(%run_scoped3A_344 : memref<!tpu.dma_semaphore, #tpu.memory_space<semaphore_mem>>)
        %dma_wait3A_347 = tpu.memref_slice %arg16[%mul3A_341] : memref<10008xf32, #tpu.memory_space<vmem_shared>> -> memref<624xf32, #tpu.memory_space<vmem_shared>>
        %dma_wait3A_348 = tpu.memref_slice %arg16[%mul3A_341] : memref<10008xf32, #tpu.memory_space<vmem_shared>> -> memref<624xf32, #tpu.memory_space<vmem_shared>>
        tpu.wait_dma2 semaphore(%run_scoped3A_344 : memref<!tpu.dma_semaphore, #tpu.memory_space<semaphore_mem>>) src(%dma_wait3A_348 : memref<624xf32, #tpu.memory_space<vmem_shared>>) dst(%arg17 : memref<624xf32, #tpu.memory_space<vmem>>)
        tpu.yield
      }) : () -> ()
      %mul3A_342 = arith.constant 624 : i32
      %mul3A_343 = arith.muli %arg1, %mul3A_342 : i32
      "tpu.region"() ({
        %run_scoped3A_344 = tpu.sem_alloc : memref<!tpu.dma_semaphore, #tpu.memory_space<semaphore_mem>>
        %dma_start3A_345 = tpu.memref_slice %arg7[%mul3A_343] : memref<10000xf32, #tpu.memory_space<hbm>> -> memref<624xf32, #tpu.memory_space<hbm>>
        %dma_start3A_346 = tpu.memref_slice %arg7[%mul3A_343] : memref<10000xf32, #tpu.memory_space<hbm>> -> memref<624xf32, #tpu.memory_space<hbm>>
        tpu.enqueue_dma source(%arg17 : memref<624xf32, #tpu.memory_space<vmem>>) target(%dma_start3A_346 : memref<624xf32, #tpu.memory_space<hbm>>) target_semaphore(%run_scoped3A_344 : memref<!tpu.dma_semaphore, #tpu.memory_space<semaphore_mem>>)
        %dma_wait3A_347 = tpu.memref_slice %arg7[%mul3A_343] : memref<10000xf32, #tpu.memory_space<hbm>> -> memref<624xf32, #tpu.memory_space<hbm>>
        %dma_wait3A_348 = tpu.memref_slice %arg7[%mul3A_343] : memref<10000xf32, #tpu.memory_space<hbm>> -> memref<624xf32, #tpu.memory_space<hbm>>
        tpu.wait_dma2 semaphore(%run_scoped3A_344 : memref<!tpu.dma_semaphore, #tpu.memory_space<semaphore_mem>>) src(%arg17 : memref<624xf32, #tpu.memory_space<vmem>>) dst(%dma_wait3A_348 : memref<624xf32, #tpu.memory_space<hbm>>)
        tpu.yield
      }) : () -> ()
    } else {
    }
    %eq3A_333 = arith.constant 0 : i32
    %eq3A_334 = arith.cmpi eq, %arg0, %eq3A_333 : i32
    %eq3A_335 = arith.constant 15 : i32
    %eq3A_336 = arith.cmpi eq, %arg1, %eq3A_335 : i32
    %and3A = arith.andi %eq3A_334, %eq3A_336 : i1
    %convert_element_type3A_337 = arith.extui %and3A : i1 to i32
    %cond3A_338 = arith.constant 0 : i32
    %cond3A_339 = arith.cmpi ne, %convert_element_type3A_337, %cond3A_338 : i32
    scf.if %cond3A_339 {
      "tpu.region"() ({
        %run_scoped3A_340 = tpu.sem_alloc : memref<!tpu.dma_semaphore, #tpu.memory_space<semaphore_mem>>
        %dma_start3A_341 = arith.constant 0 : i32
        %dma_start3A_342 = tpu.memref_slice %arg17[%dma_start3A_341] : memref<624xf32, #tpu.memory_space<vmem>> -> memref<16xf32, #tpu.memory_space<vmem>>
        %dma_start3A_343 = arith.constant 9984 : i32
        %dma_start3A_344 = tpu.memref_slice %arg16[%dma_start3A_343] : memref<10008xf32, #tpu.memory_space<vmem_shared>> -> memref<16xf32, #tpu.memory_space<vmem_shared>>
        %dma_start3A_345 = arith.constant 0 : i32
        %dma_start3A_346 = tpu.memref_slice %arg17[%dma_start3A_345] : memref<624xf32, #tpu.memory_space<vmem>> -> memref<16xf32, #tpu.memory_space<vmem>>
        %dma_start3A_347 = arith.constant 9984 : i32
        %dma_start3A_348 = tpu.memref_slice %arg16[%dma_start3A_347] : memref<10008xf32, #tpu.memory_space<vmem_shared>> -> memref<16xf32, #tpu.memory_space<vmem_shared>>
        tpu.enqueue_dma source(%dma_start3A_348 : memref<16xf32, #tpu.memory_space<vmem_shared>>) target(%dma_start3A_346 : memref<16xf32, #tpu.memory_space<vmem>>) target_semaphore(%run_scoped3A_340 : memref<!tpu.dma_semaphore, #tpu.memory_space<semaphore_mem>>)
        %dma_wait3A_349 = arith.constant 0 : i32
        %dma_wait3A_350 = tpu.memref_slice %arg17[%dma_wait3A_349] : memref<624xf32, #tpu.memory_space<vmem>> -> memref<16xf32, #tpu.memory_space<vmem>>
        %dma_wait3A_351 = arith.constant 9984 : i32
        %dma_wait3A_352 = tpu.memref_slice %arg16[%dma_wait3A_351] : memref<10008xf32, #tpu.memory_space<vmem_shared>> -> memref<16xf32, #tpu.memory_space<vmem_shared>>
        %dma_wait3A_353 = arith.constant 0 : i32
        %dma_wait3A_354 = tpu.memref_slice %arg17[%dma_wait3A_353] : memref<624xf32, #tpu.memory_space<vmem>> -> memref<16xf32, #tpu.memory_space<vmem>>
        %dma_wait3A_355 = arith.constant 9984 : i32
        %dma_wait3A_356 = tpu.memref_slice %arg16[%dma_wait3A_355] : memref<10008xf32, #tpu.memory_space<vmem_shared>> -> memref<16xf32, #tpu.memory_space<vmem_shared>>
        tpu.wait_dma2 semaphore(%run_scoped3A_340 : memref<!tpu.dma_semaphore, #tpu.memory_space<semaphore_mem>>) src(%dma_wait3A_356 : memref<16xf32, #tpu.memory_space<vmem_shared>>) dst(%dma_wait3A_354 : memref<16xf32, #tpu.memory_space<vmem>>)
        tpu.yield
      }) : () -> ()
      "tpu.region"() ({
        %run_scoped3A_340 = tpu.sem_alloc : memref<!tpu.dma_semaphore, #tpu.memory_space<semaphore_mem>>
        %dma_start3A_341 = arith.constant 0 : i32
        %dma_start3A_342 = tpu.memref_slice %arg17[%dma_start3A_341] : memref<624xf32, #tpu.memory_space<vmem>> -> memref<16xf32, #tpu.memory_space<vmem>>
        %dma_start3A_343 = arith.constant 9984 : i32
        %dma_start3A_344 = tpu.memref_slice %arg7[%dma_start3A_343] : memref<10000xf32, #tpu.memory_space<hbm>> -> memref<16xf32, #tpu.memory_space<hbm>>
        %dma_start3A_345 = arith.constant 9984 : i32
        %dma_start3A_346 = tpu.memref_slice %arg7[%dma_start3A_345] : memref<10000xf32, #tpu.memory_space<hbm>> -> memref<16xf32, #tpu.memory_space<hbm>>
        %dma_start3A_347 = arith.constant 0 : i32
        %dma_start3A_348 = tpu.memref_slice %arg17[%dma_start3A_347] : memref<624xf32, #tpu.memory_space<vmem>> -> memref<16xf32, #tpu.memory_space<vmem>>
        tpu.enqueue_dma source(%dma_start3A_348 : memref<16xf32, #tpu.memory_space<vmem>>) target(%dma_start3A_346 : memref<16xf32, #tpu.memory_space<hbm>>) target_semaphore(%run_scoped3A_340 : memref<!tpu.dma_semaphore, #tpu.memory_space<semaphore_mem>>)
        %dma_wait3A_349 = arith.constant 0 : i32
        %dma_wait3A_350 = tpu.memref_slice %arg17[%dma_wait3A_349] : memref<624xf32, #tpu.memory_space<vmem>> -> memref<16xf32, #tpu.memory_space<vmem>>
        %dma_wait3A_351 = arith.constant 9984 : i32
        %dma_wait3A_352 = tpu.memref_slice %arg7[%dma_wait3A_351] : memref<10000xf32, #tpu.memory_space<hbm>> -> memref<16xf32, #tpu.memory_space<hbm>>
        %dma_wait3A_353 = arith.constant 9984 : i32
        %dma_wait3A_354 = tpu.memref_slice %arg7[%dma_wait3A_353] : memref<10000xf32, #tpu.memory_space<hbm>> -> memref<16xf32, #tpu.memory_space<hbm>>
        %dma_wait3A_355 = arith.constant 0 : i32
        %dma_wait3A_356 = tpu.memref_slice %arg17[%dma_wait3A_355] : memref<624xf32, #tpu.memory_space<vmem>> -> memref<16xf32, #tpu.memory_space<vmem>>
        tpu.wait_dma2 semaphore(%run_scoped3A_340 : memref<!tpu.dma_semaphore, #tpu.memory_space<semaphore_mem>>) src(%dma_wait3A_356 : memref<16xf32, #tpu.memory_space<vmem>>) dst(%dma_wait3A_354 : memref<16xf32, #tpu.memory_space<hbm>>)
        tpu.yield
      }) : () -> ()
    } else {
    }
    return
  }
}

#map = affine_map<(d0, d1) -> (0, 0, 0)>
#map1 = affine_map<(d0, d1) -> (0, 0)>
module attributes {stable_mosaic.version = 14 : i64} {
  func.func @_sc_agg_body(%arg0: i32, %arg1: i32, %arg2: memref<16x157x128xi32, #tpu.memory_space<hbm>>, %arg3: memref<16x157x128xi32, #tpu.memory_space<hbm>>, %arg4: memref<2x10000x64xbf16, #tpu.memory_space<hbm>>, %arg5: memref<10008x64xbf16, #tpu.memory_space<hbm>>, %arg6: memref<2x10000x64xbf16, #tpu.memory_space<hbm>>, %arg7: memref<157x128xi32, #tpu.memory_space<vmem>>, %arg8: memref<157x128xi32, #tpu.memory_space<vmem>>, %arg9: memref<128x64xbf16, #tpu.memory_space<vmem>>, %arg10: memref<128x64xbf16, #tpu.memory_space<vmem>>, %arg11: memref<10008x64xbf16, #tpu.memory_space<vmem_shared>>, %arg12: memref<!tpu.dma_semaphore, #tpu.memory_space<semaphore_mem>>, %arg13: memref<!tpu.dma_semaphore, #tpu.memory_space<semaphore_mem>>) attributes {dimension_semantics = [#tpu.dimension_semantics<core_parallel>, #tpu.dimension_semantics<subcore_parallel>], iteration_bounds = array<i64: 2, 16>, scalar_prefetch = 0 : i64, scratch_operands = 7 : i64, tpu.core_type = #tpu.core_type<sc_vector_subcore>, window_params = [{transform_indices = #map}, {transform_indices = #map}, {transform_indices = #map}, {transform_indices = #map1}, {transform_indices = #map}]} {
    %mul3A = arith.constant 624 : i32
    %mul3A_0 = arith.muli %arg1, %mul3A : i32
    %mul3A_1 = arith.constant 624 : i32
    %mul3A_2 = arith.muli %arg1, %mul3A_1 : i32
    "tpu.region"() ({
      %run_scoped3A_40 = tpu.sem_alloc : memref<!tpu.dma_semaphore, #tpu.memory_space<semaphore_mem>>
      %dma_start3A_41 = arith.constant 0 : i32
      %dma_start3A_42 = tpu.memref_slice %arg11[%mul3A_2, %dma_start3A_41] : memref<10008x64xbf16, #tpu.memory_space<vmem_shared>> -> memref<624x64xbf16, #tpu.memory_space<vmem_shared>>
      %dma_start3A_43 = arith.constant 0 : i32
      %dma_start3A_44 = tpu.memref_slice %arg5[%mul3A_0, %dma_start3A_43] : memref<10008x64xbf16, #tpu.memory_space<hbm>> -> memref<624x64xbf16, #tpu.memory_space<hbm>>
      tpu.enqueue_dma source(%dma_start3A_44 : memref<624x64xbf16, #tpu.memory_space<hbm>>) target(%dma_start3A_42 : memref<624x64xbf16, #tpu.memory_space<vmem_shared>>) target_semaphore(%run_scoped3A_40 : memref<!tpu.dma_semaphore, #tpu.memory_space<semaphore_mem>>)
      %dma_wait3A_45 = arith.constant 0 : i32
      %dma_wait3A_46 = tpu.memref_slice %arg11[%mul3A_2, %dma_wait3A_45] : memref<10008x64xbf16, #tpu.memory_space<vmem_shared>> -> memref<624x64xbf16, #tpu.memory_space<vmem_shared>>
      %dma_wait3A_47 = arith.constant 0 : i32
      %dma_wait3A_48 = tpu.memref_slice %arg5[%mul3A_0, %dma_wait3A_47] : memref<10008x64xbf16, #tpu.memory_space<hbm>> -> memref<624x64xbf16, #tpu.memory_space<hbm>>
      tpu.wait_dma2 semaphore(%run_scoped3A_40 : memref<!tpu.dma_semaphore, #tpu.memory_space<semaphore_mem>>) src(%dma_wait3A_48 : memref<624x64xbf16, #tpu.memory_space<hbm>>) dst(%dma_wait3A_46 : memref<624x64xbf16, #tpu.memory_space<vmem_shared>>)
      tpu.yield
    }) : () -> ()
    %eq3A = arith.constant 15 : i32
    %eq3A_3 = arith.cmpi eq, %arg1, %eq3A : i32
    %convert_element_type3A = arith.extui %eq3A_3 : i1 to i32
    %cond3A = arith.constant 0 : i32
    %cond3A_4 = arith.cmpi ne, %convert_element_type3A, %cond3A : i32
    scf.if %cond3A_4 {
      "tpu.region"() ({
        %run_scoped3A_40 = tpu.sem_alloc : memref<!tpu.dma_semaphore, #tpu.memory_space<semaphore_mem>>
        %dma_start3A_41 = arith.constant 9984 : i32
        %dma_start3A_42 = arith.constant 0 : i32
        %dma_start3A_43 = tpu.memref_slice %arg11[%dma_start3A_41, %dma_start3A_42] : memref<10008x64xbf16, #tpu.memory_space<vmem_shared>> -> memref<24x64xbf16, #tpu.memory_space<vmem_shared>>
        %dma_start3A_44 = arith.constant 9984 : i32
        %dma_start3A_45 = arith.constant 0 : i32
        %dma_start3A_46 = tpu.memref_slice %arg5[%dma_start3A_44, %dma_start3A_45] : memref<10008x64xbf16, #tpu.memory_space<hbm>> -> memref<24x64xbf16, #tpu.memory_space<hbm>>
        tpu.enqueue_dma source(%dma_start3A_46 : memref<24x64xbf16, #tpu.memory_space<hbm>>) target(%dma_start3A_43 : memref<24x64xbf16, #tpu.memory_space<vmem_shared>>) target_semaphore(%run_scoped3A_40 : memref<!tpu.dma_semaphore, #tpu.memory_space<semaphore_mem>>)
        %dma_wait3A_47 = arith.constant 9984 : i32
        %dma_wait3A_48 = arith.constant 0 : i32
        %dma_wait3A_49 = tpu.memref_slice %arg11[%dma_wait3A_47, %dma_wait3A_48] : memref<10008x64xbf16, #tpu.memory_space<vmem_shared>> -> memref<24x64xbf16, #tpu.memory_space<vmem_shared>>
        %dma_wait3A_50 = arith.constant 9984 : i32
        %dma_wait3A_51 = arith.constant 0 : i32
        %dma_wait3A_52 = tpu.memref_slice %arg5[%dma_wait3A_50, %dma_wait3A_51] : memref<10008x64xbf16, #tpu.memory_space<hbm>> -> memref<24x64xbf16, #tpu.memory_space<hbm>>
        tpu.wait_dma2 semaphore(%run_scoped3A_40 : memref<!tpu.dma_semaphore, #tpu.memory_space<semaphore_mem>>) src(%dma_wait3A_52 : memref<24x64xbf16, #tpu.memory_space<hbm>>) dst(%dma_wait3A_49 : memref<24x64xbf16, #tpu.memory_space<vmem_shared>>)
        tpu.yield
      }) : () -> ()
    } else {
    }
    "tpu.region"() ({
      %run_scoped3A_40 = tpu.sem_alloc : memref<!tpu.dma_semaphore, #tpu.memory_space<semaphore_mem>>
      %dma_start3A_41 = arith.constant 0 : i32
      %dma_start3A_42 = arith.constant 0 : i32
      %dma_start3A_43 = tpu.memref_slice %arg2[%arg1, %dma_start3A_41, %dma_start3A_42] : memref<16x157x128xi32, #tpu.memory_space<hbm>> -> memref<1x157x128xi32, #tpu.memory_space<hbm>>
      %dma_start3A_44 = tpu.memref_squeeze %dma_start3A_43 : memref<1x157x128xi32, #tpu.memory_space<hbm>> -> memref<157x128xi32, #tpu.memory_space<hbm>>
      %dma_start3A_45 = arith.constant 0 : i32
      %dma_start3A_46 = arith.constant 0 : i32
      %dma_start3A_47 = tpu.memref_slice %arg2[%arg1, %dma_start3A_45, %dma_start3A_46] : memref<16x157x128xi32, #tpu.memory_space<hbm>> -> memref<1x157x128xi32, #tpu.memory_space<hbm>>
      %dma_start3A_48 = tpu.memref_squeeze %dma_start3A_47 : memref<1x157x128xi32, #tpu.memory_space<hbm>> -> memref<157x128xi32, #tpu.memory_space<hbm>>
      tpu.enqueue_dma source(%dma_start3A_48 : memref<157x128xi32, #tpu.memory_space<hbm>>) target(%arg7 : memref<157x128xi32, #tpu.memory_space<vmem>>) target_semaphore(%run_scoped3A_40 : memref<!tpu.dma_semaphore, #tpu.memory_space<semaphore_mem>>)
      %dma_wait3A_49 = arith.constant 0 : i32
      %dma_wait3A_50 = arith.constant 0 : i32
      %dma_wait3A_51 = tpu.memref_slice %arg2[%arg1, %dma_wait3A_49, %dma_wait3A_50] : memref<16x157x128xi32, #tpu.memory_space<hbm>> -> memref<1x157x128xi32, #tpu.memory_space<hbm>>
      %dma_wait3A_52 = tpu.memref_squeeze %dma_wait3A_51 : memref<1x157x128xi32, #tpu.memory_space<hbm>> -> memref<157x128xi32, #tpu.memory_space<hbm>>
      %dma_wait3A_53 = arith.constant 0 : i32
      %dma_wait3A_54 = arith.constant 0 : i32
      %dma_wait3A_55 = tpu.memref_slice %arg2[%arg1, %dma_wait3A_53, %dma_wait3A_54] : memref<16x157x128xi32, #tpu.memory_space<hbm>> -> memref<1x157x128xi32, #tpu.memory_space<hbm>>
      %dma_wait3A_56 = tpu.memref_squeeze %dma_wait3A_55 : memref<1x157x128xi32, #tpu.memory_space<hbm>> -> memref<157x128xi32, #tpu.memory_space<hbm>>
      tpu.wait_dma2 semaphore(%run_scoped3A_40 : memref<!tpu.dma_semaphore, #tpu.memory_space<semaphore_mem>>) src(%dma_wait3A_56 : memref<157x128xi32, #tpu.memory_space<hbm>>) dst(%arg7 : memref<157x128xi32, #tpu.memory_space<vmem>>)
      tpu.yield
    }) : () -> ()
    "tpu.region"() ({
      %run_scoped3A_40 = tpu.sem_alloc : memref<!tpu.dma_semaphore, #tpu.memory_space<semaphore_mem>>
      %dma_start3A_41 = arith.constant 0 : i32
      %dma_start3A_42 = arith.constant 0 : i32
      %dma_start3A_43 = tpu.memref_slice %arg3[%arg1, %dma_start3A_41, %dma_start3A_42] : memref<16x157x128xi32, #tpu.memory_space<hbm>> -> memref<1x157x128xi32, #tpu.memory_space<hbm>>
      %dma_start3A_44 = tpu.memref_squeeze %dma_start3A_43 : memref<1x157x128xi32, #tpu.memory_space<hbm>> -> memref<157x128xi32, #tpu.memory_space<hbm>>
      %dma_start3A_45 = arith.constant 0 : i32
      %dma_start3A_46 = arith.constant 0 : i32
      %dma_start3A_47 = tpu.memref_slice %arg3[%arg1, %dma_start3A_45, %dma_start3A_46] : memref<16x157x128xi32, #tpu.memory_space<hbm>> -> memref<1x157x128xi32, #tpu.memory_space<hbm>>
      %dma_start3A_48 = tpu.memref_squeeze %dma_start3A_47 : memref<1x157x128xi32, #tpu.memory_space<hbm>> -> memref<157x128xi32, #tpu.memory_space<hbm>>
      tpu.enqueue_dma source(%dma_start3A_48 : memref<157x128xi32, #tpu.memory_space<hbm>>) target(%arg8 : memref<157x128xi32, #tpu.memory_space<vmem>>) target_semaphore(%run_scoped3A_40 : memref<!tpu.dma_semaphore, #tpu.memory_space<semaphore_mem>>)
      %dma_wait3A_49 = arith.constant 0 : i32
      %dma_wait3A_50 = arith.constant 0 : i32
      %dma_wait3A_51 = tpu.memref_slice %arg3[%arg1, %dma_wait3A_49, %dma_wait3A_50] : memref<16x157x128xi32, #tpu.memory_space<hbm>> -> memref<1x157x128xi32, #tpu.memory_space<hbm>>
      %dma_wait3A_52 = tpu.memref_squeeze %dma_wait3A_51 : memref<1x157x128xi32, #tpu.memory_space<hbm>> -> memref<157x128xi32, #tpu.memory_space<hbm>>
      %dma_wait3A_53 = arith.constant 0 : i32
      %dma_wait3A_54 = arith.constant 0 : i32
      %dma_wait3A_55 = tpu.memref_slice %arg3[%arg1, %dma_wait3A_53, %dma_wait3A_54] : memref<16x157x128xi32, #tpu.memory_space<hbm>> -> memref<1x157x128xi32, #tpu.memory_space<hbm>>
      %dma_wait3A_56 = tpu.memref_squeeze %dma_wait3A_55 : memref<1x157x128xi32, #tpu.memory_space<hbm>> -> memref<157x128xi32, #tpu.memory_space<hbm>>
      tpu.wait_dma2 semaphore(%run_scoped3A_40 : memref<!tpu.dma_semaphore, #tpu.memory_space<semaphore_mem>>) src(%dma_wait3A_56 : memref<157x128xi32, #tpu.memory_space<hbm>>) dst(%arg8 : memref<157x128xi32, #tpu.memory_space<vmem>>)
      tpu.yield
    }) : () -> ()
    %barrier3A = arith.constant 0 : index
    tpu.barrier barrier_id(%barrier3A)
    %dma_start3A = arith.constant 0 : i32
    %dma_start3A_5 = arith.constant 0 : i32
    %dma_start3A_6 = tpu.memref_slice %arg7[%dma_start3A, %dma_start3A_5] : memref<157x128xi32, #tpu.memory_space<vmem>> -> memref<1x128xi32, #tpu.memory_space<vmem>>
    %dma_start3A_7 = tpu.memref_squeeze %dma_start3A_6 : memref<1x128xi32, #tpu.memory_space<vmem>> -> memref<128xi32, #tpu.memory_space<vmem>>
    %dma_start3A_8 = arith.constant 0 : i32
    %dma_start3A_9 = arith.constant 0 : i32
    %dma_start3A_10 = tpu.memref_slice %arg4[%arg0, %dma_start3A_8, %dma_start3A_9] : memref<2x10000x64xbf16, #tpu.memory_space<hbm>> -> memref<1x10000x64xbf16, #tpu.memory_space<hbm>>
    %dma_start3A_11 = tpu.memref_squeeze %dma_start3A_10 : memref<1x10000x64xbf16, #tpu.memory_space<hbm>> -> memref<10000x64xbf16, #tpu.memory_space<hbm>>
    %dma_start3A_12 = arith.constant 0 : i32
    %dma_start3A_13 = arith.constant 0 : i32
    %dma_start3A_14 = tpu.memref_slice %dma_start3A_11[%dma_start3A_12, %dma_start3A_13] : memref<10000x64xbf16, #tpu.memory_space<hbm>> -> memref<10000x64xbf16, #tpu.memory_space<hbm>>
    tpu.enqueue_indirect_dma source(%dma_start3A_14 : memref<10000x64xbf16, #tpu.memory_space<hbm>>) target(%arg9 : memref<128x64xbf16, #tpu.memory_space<vmem>>) offsets(%dma_start3A_7 : memref<128xi32, #tpu.memory_space<vmem>>) semaphore(%arg12 : memref<!tpu.dma_semaphore, #tpu.memory_space<semaphore_mem>>)
    %scan3A = arith.constant 0 : i32
    %scan3A_15 = arith.constant 0 : i32
    %scan3A_16 = arith.constant 78 : i32
    %scan3A_17 = arith.addi %scan3A_15, %scan3A_16 : i32
    %scan3A_18 = arith.constant 1 : i32
    scf.for %scan3A_40 = %scan3A_15 to %scan3A_17 step %scan3A_18  : i32 {
      %mul3A_41 = arith.constant 2 : i32
      %mul3A_42 = arith.muli %mul3A_41, %scan3A_40 : i32
      %mul3A_43 = arith.constant 2 : i32
      %mul3A_44 = arith.muli %mul3A_43, %scan3A_40 : i32
      %add3A = arith.constant 1 : i32
      %add3A_45 = arith.addi %mul3A_44, %add3A : i32
      %dma_start3A_46 = arith.constant 0 : i32
      %dma_start3A_47 = tpu.memref_slice %arg7[%add3A_45, %dma_start3A_46] : memref<157x128xi32, #tpu.memory_space<vmem>> -> memref<1x128xi32, #tpu.memory_space<vmem>>
      %dma_start3A_48 = tpu.memref_squeeze %dma_start3A_47 : memref<1x128xi32, #tpu.memory_space<vmem>> -> memref<128xi32, #tpu.memory_space<vmem>>
      %dma_start3A_49 = arith.constant 0 : i32
      %dma_start3A_50 = arith.constant 0 : i32
      %dma_start3A_51 = tpu.memref_slice %arg4[%arg0, %dma_start3A_49, %dma_start3A_50] : memref<2x10000x64xbf16, #tpu.memory_space<hbm>> -> memref<1x10000x64xbf16, #tpu.memory_space<hbm>>
      %dma_start3A_52 = tpu.memref_squeeze %dma_start3A_51 : memref<1x10000x64xbf16, #tpu.memory_space<hbm>> -> memref<10000x64xbf16, #tpu.memory_space<hbm>>
      %dma_start3A_53 = arith.constant 0 : i32
      %dma_start3A_54 = arith.constant 0 : i32
      %dma_start3A_55 = tpu.memref_slice %dma_start3A_52[%dma_start3A_53, %dma_start3A_54] : memref<10000x64xbf16, #tpu.memory_space<hbm>> -> memref<10000x64xbf16, #tpu.memory_space<hbm>>
      tpu.enqueue_indirect_dma source(%dma_start3A_55 : memref<10000x64xbf16, #tpu.memory_space<hbm>>) target(%arg10 : memref<128x64xbf16, #tpu.memory_space<vmem>>) offsets(%dma_start3A_48 : memref<128xi32, #tpu.memory_space<vmem>>) semaphore(%arg13 : memref<!tpu.dma_semaphore, #tpu.memory_space<semaphore_mem>>)
      %dma_wait3A_56 = arith.constant 0 : i32
      %dma_wait3A_57 = tpu.memref_slice %arg7[%mul3A_42, %dma_wait3A_56] : memref<157x128xi32, #tpu.memory_space<vmem>> -> memref<1x128xi32, #tpu.memory_space<vmem>>
      %dma_wait3A_58 = tpu.memref_squeeze %dma_wait3A_57 : memref<1x128xi32, #tpu.memory_space<vmem>> -> memref<128xi32, #tpu.memory_space<vmem>>
      %dma_wait3A_59 = arith.constant 0 : i32
      %dma_wait3A_60 = arith.constant 0 : i32
      %dma_wait3A_61 = tpu.memref_slice %arg4[%arg0, %dma_wait3A_59, %dma_wait3A_60] : memref<2x10000x64xbf16, #tpu.memory_space<hbm>> -> memref<1x10000x64xbf16, #tpu.memory_space<hbm>>
      %dma_wait3A_62 = tpu.memref_squeeze %dma_wait3A_61 : memref<1x10000x64xbf16, #tpu.memory_space<hbm>> -> memref<10000x64xbf16, #tpu.memory_space<hbm>>
      %dma_wait3A_63 = arith.constant 0 : i32
      %dma_wait3A_64 = arith.constant 0 : i32
      %dma_wait3A_65 = tpu.memref_slice %dma_wait3A_62[%dma_wait3A_63, %dma_wait3A_64] : memref<10000x64xbf16, #tpu.memory_space<hbm>> -> memref<10000x64xbf16, #tpu.memory_space<hbm>>
      tpu.wait_indirect_dma semaphore(%arg12 : memref<!tpu.dma_semaphore, #tpu.memory_space<semaphore_mem>>) src(%dma_wait3A_65 : memref<10000x64xbf16, #tpu.memory_space<hbm>>) dst(%arg9 : memref<128x64xbf16, #tpu.memory_space<vmem>>)
      "tpu.region"() ({
        %run_scoped3A_88 = tpu.sem_alloc : memref<!tpu.dma_semaphore, #tpu.memory_space<semaphore_mem>>
        %dma_start3A_89 = arith.constant 0 : i32
        %dma_start3A_90 = tpu.memref_slice %arg8[%mul3A_42, %dma_start3A_89] : memref<157x128xi32, #tpu.memory_space<vmem>> -> memref<1x128xi32, #tpu.memory_space<vmem>>
        %dma_start3A_91 = tpu.memref_squeeze %dma_start3A_90 : memref<1x128xi32, #tpu.memory_space<vmem>> -> memref<128xi32, #tpu.memory_space<vmem>>
        %dma_start3A_92 = arith.constant 0 : i32
        %dma_start3A_93 = arith.constant 0 : i32
        %dma_start3A_94 = tpu.memref_slice %arg11[%dma_start3A_92, %dma_start3A_93] : memref<10008x64xbf16, #tpu.memory_space<vmem_shared>> -> memref<10008x64xbf16, #tpu.memory_space<vmem_shared>>
        tpu.enqueue_indirect_dma source(%arg9 : memref<128x64xbf16, #tpu.memory_space<vmem>>) target(%dma_start3A_94 : memref<10008x64xbf16, #tpu.memory_space<vmem_shared>>) offsets(%dma_start3A_91 : memref<128xi32, #tpu.memory_space<vmem>>) semaphore(%run_scoped3A_88 : memref<!tpu.dma_semaphore, #tpu.memory_space<semaphore_mem>>) {add = true}
        %dma_wait3A_95 = arith.constant 0 : i32
        %dma_wait3A_96 = tpu.memref_slice %arg8[%mul3A_42, %dma_wait3A_95] : memref<157x128xi32, #tpu.memory_space<vmem>> -> memref<1x128xi32, #tpu.memory_space<vmem>>
        %dma_wait3A_97 = tpu.memref_squeeze %dma_wait3A_96 : memref<1x128xi32, #tpu.memory_space<vmem>> -> memref<128xi32, #tpu.memory_space<vmem>>
        %dma_wait3A_98 = arith.constant 0 : i32
        %dma_wait3A_99 = arith.constant 0 : i32
        %dma_wait3A_100 = tpu.memref_slice %arg11[%dma_wait3A_98, %dma_wait3A_99] : memref<10008x64xbf16, #tpu.memory_space<vmem_shared>> -> memref<10008x64xbf16, #tpu.memory_space<vmem_shared>>
        tpu.wait_indirect_dma semaphore(%run_scoped3A_88 : memref<!tpu.dma_semaphore, #tpu.memory_space<semaphore_mem>>) src(%arg9 : memref<128x64xbf16, #tpu.memory_space<vmem>>) dst(%dma_wait3A_100 : memref<10008x64xbf16, #tpu.memory_space<vmem_shared>>)
        tpu.yield
      }) : () -> ()
      %add3A_66 = arith.constant 2 : i32
      %add3A_67 = arith.addi %mul3A_42, %add3A_66 : i32
      %dma_start3A_68 = arith.constant 0 : i32
      %dma_start3A_69 = tpu.memref_slice %arg7[%add3A_67, %dma_start3A_68] : memref<157x128xi32, #tpu.memory_space<vmem>> -> memref<1x128xi32, #tpu.memory_space<vmem>>
      %dma_start3A_70 = tpu.memref_squeeze %dma_start3A_69 : memref<1x128xi32, #tpu.memory_space<vmem>> -> memref<128xi32, #tpu.memory_space<vmem>>
      %dma_start3A_71 = arith.constant 0 : i32
      %dma_start3A_72 = arith.constant 0 : i32
      %dma_start3A_73 = tpu.memref_slice %arg4[%arg0, %dma_start3A_71, %dma_start3A_72] : memref<2x10000x64xbf16, #tpu.memory_space<hbm>> -> memref<1x10000x64xbf16, #tpu.memory_space<hbm>>
      %dma_start3A_74 = tpu.memref_squeeze %dma_start3A_73 : memref<1x10000x64xbf16, #tpu.memory_space<hbm>> -> memref<10000x64xbf16, #tpu.memory_space<hbm>>
      %dma_start3A_75 = arith.constant 0 : i32
      %dma_start3A_76 = arith.constant 0 : i32
      %dma_start3A_77 = tpu.memref_slice %dma_start3A_74[%dma_start3A_75, %dma_start3A_76] : memref<10000x64xbf16, #tpu.memory_space<hbm>> -> memref<10000x64xbf16, #tpu.memory_space<hbm>>
      tpu.enqueue_indirect_dma source(%dma_start3A_77 : memref<10000x64xbf16, #tpu.memory_space<hbm>>) target(%arg9 : memref<128x64xbf16, #tpu.memory_space<vmem>>) offsets(%dma_start3A_70 : memref<128xi32, #tpu.memory_space<vmem>>) semaphore(%arg12 : memref<!tpu.dma_semaphore, #tpu.memory_space<semaphore_mem>>)
      %dma_wait3A_78 = arith.constant 0 : i32
      %dma_wait3A_79 = tpu.memref_slice %arg7[%add3A_45, %dma_wait3A_78] : memref<157x128xi32, #tpu.memory_space<vmem>> -> memref<1x128xi32, #tpu.memory_space<vmem>>
      %dma_wait3A_80 = tpu.memref_squeeze %dma_wait3A_79 : memref<1x128xi32, #tpu.memory_space<vmem>> -> memref<128xi32, #tpu.memory_space<vmem>>
      %dma_wait3A_81 = arith.constant 0 : i32
      %dma_wait3A_82 = arith.constant 0 : i32
      %dma_wait3A_83 = tpu.memref_slice %arg4[%arg0, %dma_wait3A_81, %dma_wait3A_82] : memref<2x10000x64xbf16, #tpu.memory_space<hbm>> -> memref<1x10000x64xbf16, #tpu.memory_space<hbm>>
      %dma_wait3A_84 = tpu.memref_squeeze %dma_wait3A_83 : memref<1x10000x64xbf16, #tpu.memory_space<hbm>> -> memref<10000x64xbf16, #tpu.memory_space<hbm>>
      %dma_wait3A_85 = arith.constant 0 : i32
      %dma_wait3A_86 = arith.constant 0 : i32
      %dma_wait3A_87 = tpu.memref_slice %dma_wait3A_84[%dma_wait3A_85, %dma_wait3A_86] : memref<10000x64xbf16, #tpu.memory_space<hbm>> -> memref<10000x64xbf16, #tpu.memory_space<hbm>>
      tpu.wait_indirect_dma semaphore(%arg13 : memref<!tpu.dma_semaphore, #tpu.memory_space<semaphore_mem>>) src(%dma_wait3A_87 : memref<10000x64xbf16, #tpu.memory_space<hbm>>) dst(%arg10 : memref<128x64xbf16, #tpu.memory_space<vmem>>)
      "tpu.region"() ({
        %run_scoped3A_88 = tpu.sem_alloc : memref<!tpu.dma_semaphore, #tpu.memory_space<semaphore_mem>>
        %dma_start3A_89 = arith.constant 0 : i32
        %dma_start3A_90 = tpu.memref_slice %arg8[%add3A_45, %dma_start3A_89] : memref<157x128xi32, #tpu.memory_space<vmem>> -> memref<1x128xi32, #tpu.memory_space<vmem>>
        %dma_start3A_91 = tpu.memref_squeeze %dma_start3A_90 : memref<1x128xi32, #tpu.memory_space<vmem>> -> memref<128xi32, #tpu.memory_space<vmem>>
        %dma_start3A_92 = arith.constant 0 : i32
        %dma_start3A_93 = arith.constant 0 : i32
        %dma_start3A_94 = tpu.memref_slice %arg11[%dma_start3A_92, %dma_start3A_93] : memref<10008x64xbf16, #tpu.memory_space<vmem_shared>> -> memref<10008x64xbf16, #tpu.memory_space<vmem_shared>>
        tpu.enqueue_indirect_dma source(%arg10 : memref<128x64xbf16, #tpu.memory_space<vmem>>) target(%dma_start3A_94 : memref<10008x64xbf16, #tpu.memory_space<vmem_shared>>) offsets(%dma_start3A_91 : memref<128xi32, #tpu.memory_space<vmem>>) semaphore(%run_scoped3A_88 : memref<!tpu.dma_semaphore, #tpu.memory_space<semaphore_mem>>) {add = true}
        %dma_wait3A_95 = arith.constant 0 : i32
        %dma_wait3A_96 = tpu.memref_slice %arg8[%add3A_45, %dma_wait3A_95] : memref<157x128xi32, #tpu.memory_space<vmem>> -> memref<1x128xi32, #tpu.memory_space<vmem>>
        %dma_wait3A_97 = tpu.memref_squeeze %dma_wait3A_96 : memref<1x128xi32, #tpu.memory_space<vmem>> -> memref<128xi32, #tpu.memory_space<vmem>>
        %dma_wait3A_98 = arith.constant 0 : i32
        %dma_wait3A_99 = arith.constant 0 : i32
        %dma_wait3A_100 = tpu.memref_slice %arg11[%dma_wait3A_98, %dma_wait3A_99] : memref<10008x64xbf16, #tpu.memory_space<vmem_shared>> -> memref<10008x64xbf16, #tpu.memory_space<vmem_shared>>
        tpu.wait_indirect_dma semaphore(%run_scoped3A_88 : memref<!tpu.dma_semaphore, #tpu.memory_space<semaphore_mem>>) src(%arg10 : memref<128x64xbf16, #tpu.memory_space<vmem>>) dst(%dma_wait3A_100 : memref<10008x64xbf16, #tpu.memory_space<vmem_shared>>)
        tpu.yield
      }) : () -> ()
    }
    %scan3A_19 = arith.constant 78 : i32
    %dma_wait3A = arith.constant 156 : i32
    %dma_wait3A_20 = arith.constant 0 : i32
    %dma_wait3A_21 = tpu.memref_slice %arg7[%dma_wait3A, %dma_wait3A_20] : memref<157x128xi32, #tpu.memory_space<vmem>> -> memref<1x128xi32, #tpu.memory_space<vmem>>
    %dma_wait3A_22 = tpu.memref_squeeze %dma_wait3A_21 : memref<1x128xi32, #tpu.memory_space<vmem>> -> memref<128xi32, #tpu.memory_space<vmem>>
    %dma_wait3A_23 = arith.constant 0 : i32
    %dma_wait3A_24 = arith.constant 0 : i32
    %dma_wait3A_25 = tpu.memref_slice %arg4[%arg0, %dma_wait3A_23, %dma_wait3A_24] : memref<2x10000x64xbf16, #tpu.memory_space<hbm>> -> memref<1x10000x64xbf16, #tpu.memory_space<hbm>>
    %dma_wait3A_26 = tpu.memref_squeeze %dma_wait3A_25 : memref<1x10000x64xbf16, #tpu.memory_space<hbm>> -> memref<10000x64xbf16, #tpu.memory_space<hbm>>
    %dma_wait3A_27 = arith.constant 0 : i32
    %dma_wait3A_28 = arith.constant 0 : i32
    %dma_wait3A_29 = tpu.memref_slice %dma_wait3A_26[%dma_wait3A_27, %dma_wait3A_28] : memref<10000x64xbf16, #tpu.memory_space<hbm>> -> memref<10000x64xbf16, #tpu.memory_space<hbm>>
    tpu.wait_indirect_dma semaphore(%arg12 : memref<!tpu.dma_semaphore, #tpu.memory_space<semaphore_mem>>) src(%dma_wait3A_29 : memref<10000x64xbf16, #tpu.memory_space<hbm>>) dst(%arg9 : memref<128x64xbf16, #tpu.memory_space<vmem>>)
    %run_scoped3A = arith.constant 156 : i32
    "tpu.region"() ({
      %run_scoped3A_40 = tpu.sem_alloc : memref<!tpu.dma_semaphore, #tpu.memory_space<semaphore_mem>>
      %dma_start3A_41 = arith.constant 0 : i32
      %dma_start3A_42 = tpu.memref_slice %arg8[%run_scoped3A, %dma_start3A_41] : memref<157x128xi32, #tpu.memory_space<vmem>> -> memref<1x128xi32, #tpu.memory_space<vmem>>
      %dma_start3A_43 = tpu.memref_squeeze %dma_start3A_42 : memref<1x128xi32, #tpu.memory_space<vmem>> -> memref<128xi32, #tpu.memory_space<vmem>>
      %dma_start3A_44 = arith.constant 0 : i32
      %dma_start3A_45 = arith.constant 0 : i32
      %dma_start3A_46 = tpu.memref_slice %arg11[%dma_start3A_44, %dma_start3A_45] : memref<10008x64xbf16, #tpu.memory_space<vmem_shared>> -> memref<10008x64xbf16, #tpu.memory_space<vmem_shared>>
      tpu.enqueue_indirect_dma source(%arg9 : memref<128x64xbf16, #tpu.memory_space<vmem>>) target(%dma_start3A_46 : memref<10008x64xbf16, #tpu.memory_space<vmem_shared>>) offsets(%dma_start3A_43 : memref<128xi32, #tpu.memory_space<vmem>>) semaphore(%run_scoped3A_40 : memref<!tpu.dma_semaphore, #tpu.memory_space<semaphore_mem>>) {add = true}
      %dma_wait3A_47 = arith.constant 0 : i32
      %dma_wait3A_48 = tpu.memref_slice %arg8[%run_scoped3A, %dma_wait3A_47] : memref<157x128xi32, #tpu.memory_space<vmem>> -> memref<1x128xi32, #tpu.memory_space<vmem>>
      %dma_wait3A_49 = tpu.memref_squeeze %dma_wait3A_48 : memref<1x128xi32, #tpu.memory_space<vmem>> -> memref<128xi32, #tpu.memory_space<vmem>>
      %dma_wait3A_50 = arith.constant 0 : i32
      %dma_wait3A_51 = arith.constant 0 : i32
      %dma_wait3A_52 = tpu.memref_slice %arg11[%dma_wait3A_50, %dma_wait3A_51] : memref<10008x64xbf16, #tpu.memory_space<vmem_shared>> -> memref<10008x64xbf16, #tpu.memory_space<vmem_shared>>
      tpu.wait_indirect_dma semaphore(%run_scoped3A_40 : memref<!tpu.dma_semaphore, #tpu.memory_space<semaphore_mem>>) src(%arg9 : memref<128x64xbf16, #tpu.memory_space<vmem>>) dst(%dma_wait3A_52 : memref<10008x64xbf16, #tpu.memory_space<vmem_shared>>)
      tpu.yield
    }) : () -> ()
    %barrier3A_30 = arith.constant 0 : index
    tpu.barrier barrier_id(%barrier3A_30)
    %mul3A_31 = arith.constant 624 : i32
    %mul3A_32 = arith.muli %arg1, %mul3A_31 : i32
    %mul3A_33 = arith.constant 624 : i32
    %mul3A_34 = arith.muli %arg1, %mul3A_33 : i32
    "tpu.region"() ({
      %run_scoped3A_40 = tpu.sem_alloc : memref<!tpu.dma_semaphore, #tpu.memory_space<semaphore_mem>>
      %dma_start3A_41 = arith.constant 0 : i32
      %dma_start3A_42 = tpu.memref_slice %arg6[%arg0, %mul3A_34, %dma_start3A_41] : memref<2x10000x64xbf16, #tpu.memory_space<hbm>> -> memref<1x624x64xbf16, #tpu.memory_space<hbm>>
      %dma_start3A_43 = tpu.memref_squeeze %dma_start3A_42 : memref<1x624x64xbf16, #tpu.memory_space<hbm>> -> memref<624x64xbf16, #tpu.memory_space<hbm>>
      %dma_start3A_44 = arith.constant 0 : i32
      %dma_start3A_45 = tpu.memref_slice %arg11[%mul3A_32, %dma_start3A_44] : memref<10008x64xbf16, #tpu.memory_space<vmem_shared>> -> memref<624x64xbf16, #tpu.memory_space<vmem_shared>>
      tpu.enqueue_dma source(%dma_start3A_45 : memref<624x64xbf16, #tpu.memory_space<vmem_shared>>) target(%dma_start3A_43 : memref<624x64xbf16, #tpu.memory_space<hbm>>) target_semaphore(%run_scoped3A_40 : memref<!tpu.dma_semaphore, #tpu.memory_space<semaphore_mem>>)
      %dma_wait3A_46 = arith.constant 0 : i32
      %dma_wait3A_47 = tpu.memref_slice %arg6[%arg0, %mul3A_34, %dma_wait3A_46] : memref<2x10000x64xbf16, #tpu.memory_space<hbm>> -> memref<1x624x64xbf16, #tpu.memory_space<hbm>>
      %dma_wait3A_48 = tpu.memref_squeeze %dma_wait3A_47 : memref<1x624x64xbf16, #tpu.memory_space<hbm>> -> memref<624x64xbf16, #tpu.memory_space<hbm>>
      %dma_wait3A_49 = arith.constant 0 : i32
      %dma_wait3A_50 = tpu.memref_slice %arg11[%mul3A_32, %dma_wait3A_49] : memref<10008x64xbf16, #tpu.memory_space<vmem_shared>> -> memref<624x64xbf16, #tpu.memory_space<vmem_shared>>
      tpu.wait_dma2 semaphore(%run_scoped3A_40 : memref<!tpu.dma_semaphore, #tpu.memory_space<semaphore_mem>>) src(%dma_wait3A_50 : memref<624x64xbf16, #tpu.memory_space<vmem_shared>>) dst(%dma_wait3A_48 : memref<624x64xbf16, #tpu.memory_space<hbm>>)
      tpu.yield
    }) : () -> ()
    %eq3A_35 = arith.constant 15 : i32
    %eq3A_36 = arith.cmpi eq, %arg1, %eq3A_35 : i32
    %convert_element_type3A_37 = arith.extui %eq3A_36 : i1 to i32
    %cond3A_38 = arith.constant 0 : i32
    %cond3A_39 = arith.cmpi ne, %convert_element_type3A_37, %cond3A_38 : i32
    scf.if %cond3A_39 {
      "tpu.region"() ({
        %run_scoped3A_40 = tpu.sem_alloc : memref<!tpu.dma_semaphore, #tpu.memory_space<semaphore_mem>>
        %dma_start3A_41 = arith.constant 9984 : i32
        %dma_start3A_42 = arith.constant 0 : i32
        %dma_start3A_43 = tpu.memref_slice %arg6[%arg0, %dma_start3A_41, %dma_start3A_42] : memref<2x10000x64xbf16, #tpu.memory_space<hbm>> -> memref<1x16x64xbf16, #tpu.memory_space<hbm>>
        %dma_start3A_44 = tpu.memref_squeeze %dma_start3A_43 : memref<1x16x64xbf16, #tpu.memory_space<hbm>> -> memref<16x64xbf16, #tpu.memory_space<hbm>>
        %dma_start3A_45 = arith.constant 9984 : i32
        %dma_start3A_46 = arith.constant 0 : i32
        %dma_start3A_47 = tpu.memref_slice %arg11[%dma_start3A_45, %dma_start3A_46] : memref<10008x64xbf16, #tpu.memory_space<vmem_shared>> -> memref<16x64xbf16, #tpu.memory_space<vmem_shared>>
        tpu.enqueue_dma source(%dma_start3A_47 : memref<16x64xbf16, #tpu.memory_space<vmem_shared>>) target(%dma_start3A_44 : memref<16x64xbf16, #tpu.memory_space<hbm>>) target_semaphore(%run_scoped3A_40 : memref<!tpu.dma_semaphore, #tpu.memory_space<semaphore_mem>>)
        %dma_wait3A_48 = arith.constant 9984 : i32
        %dma_wait3A_49 = arith.constant 0 : i32
        %dma_wait3A_50 = tpu.memref_slice %arg6[%arg0, %dma_wait3A_48, %dma_wait3A_49] : memref<2x10000x64xbf16, #tpu.memory_space<hbm>> -> memref<1x16x64xbf16, #tpu.memory_space<hbm>>
        %dma_wait3A_51 = tpu.memref_squeeze %dma_wait3A_50 : memref<1x16x64xbf16, #tpu.memory_space<hbm>> -> memref<16x64xbf16, #tpu.memory_space<hbm>>
        %dma_wait3A_52 = arith.constant 9984 : i32
        %dma_wait3A_53 = arith.constant 0 : i32
        %dma_wait3A_54 = tpu.memref_slice %arg11[%dma_wait3A_52, %dma_wait3A_53] : memref<10008x64xbf16, #tpu.memory_space<vmem_shared>> -> memref<16x64xbf16, #tpu.memory_space<vmem_shared>>
        tpu.wait_dma2 semaphore(%run_scoped3A_40 : memref<!tpu.dma_semaphore, #tpu.memory_space<semaphore_mem>>) src(%dma_wait3A_54 : memref<16x64xbf16, #tpu.memory_space<vmem_shared>>) dst(%dma_wait3A_51 : memref<16x64xbf16, #tpu.memory_space<hbm>>)
        tpu.yield
      }) : () -> ()
    } else {
    }
    return
  }
}

#map = affine_map<(d0, d1) -> (0, 0, 0)>
#map1 = affine_map<(d0, d1) -> (0, 0)>
module attributes {stable_mosaic.version = 14 : i64} {
  func.func @_sc_agg_body(%arg0: i32, %arg1: i32, %arg2: memref<16x157x128xi32, #tpu.memory_space<hbm>>, %arg3: memref<16x157x128xi32, #tpu.memory_space<hbm>>, %arg4: memref<2x10000x64xbf16, #tpu.memory_space<hbm>>, %arg5: memref<10008x64xbf16, #tpu.memory_space<hbm>>, %arg6: memref<2x10000x64xbf16, #tpu.memory_space<hbm>>, %arg7: memref<157x128xi32, #tpu.memory_space<vmem>>, %arg8: memref<157x128xi32, #tpu.memory_space<vmem>>, %arg9: memref<128x64xbf16, #tpu.memory_space<vmem>>, %arg10: memref<128x64xbf16, #tpu.memory_space<vmem>>, %arg11: memref<10008x64xbf16, #tpu.memory_space<vmem_shared>>, %arg12: memref<!tpu.dma_semaphore, #tpu.memory_space<semaphore_mem>>, %arg13: memref<!tpu.dma_semaphore, #tpu.memory_space<semaphore_mem>>) attributes {dimension_semantics = [#tpu.dimension_semantics<core_parallel>, #tpu.dimension_semantics<subcore_parallel>], iteration_bounds = array<i64: 2, 16>, scalar_prefetch = 0 : i64, scratch_operands = 7 : i64, tpu.core_type = #tpu.core_type<sc_vector_subcore>, window_params = [{transform_indices = #map}, {transform_indices = #map}, {transform_indices = #map}, {transform_indices = #map1}, {transform_indices = #map}]} {
    %mul3A = arith.constant 624 : i32
    %mul3A_0 = arith.muli %arg1, %mul3A : i32
    %mul3A_1 = arith.constant 624 : i32
    %mul3A_2 = arith.muli %arg1, %mul3A_1 : i32
    "tpu.region"() ({
      %run_scoped3A_40 = tpu.sem_alloc : memref<!tpu.dma_semaphore, #tpu.memory_space<semaphore_mem>>
      %dma_start3A_41 = arith.constant 0 : i32
      %dma_start3A_42 = tpu.memref_slice %arg11[%mul3A_2, %dma_start3A_41] : memref<10008x64xbf16, #tpu.memory_space<vmem_shared>> -> memref<624x64xbf16, #tpu.memory_space<vmem_shared>>
      %dma_start3A_43 = arith.constant 0 : i32
      %dma_start3A_44 = tpu.memref_slice %arg5[%mul3A_0, %dma_start3A_43] : memref<10008x64xbf16, #tpu.memory_space<hbm>> -> memref<624x64xbf16, #tpu.memory_space<hbm>>
      tpu.enqueue_dma source(%dma_start3A_44 : memref<624x64xbf16, #tpu.memory_space<hbm>>) target(%dma_start3A_42 : memref<624x64xbf16, #tpu.memory_space<vmem_shared>>) target_semaphore(%run_scoped3A_40 : memref<!tpu.dma_semaphore, #tpu.memory_space<semaphore_mem>>)
      %dma_wait3A_45 = arith.constant 0 : i32
      %dma_wait3A_46 = tpu.memref_slice %arg11[%mul3A_2, %dma_wait3A_45] : memref<10008x64xbf16, #tpu.memory_space<vmem_shared>> -> memref<624x64xbf16, #tpu.memory_space<vmem_shared>>
      %dma_wait3A_47 = arith.constant 0 : i32
      %dma_wait3A_48 = tpu.memref_slice %arg5[%mul3A_0, %dma_wait3A_47] : memref<10008x64xbf16, #tpu.memory_space<hbm>> -> memref<624x64xbf16, #tpu.memory_space<hbm>>
      tpu.wait_dma2 semaphore(%run_scoped3A_40 : memref<!tpu.dma_semaphore, #tpu.memory_space<semaphore_mem>>) src(%dma_wait3A_48 : memref<624x64xbf16, #tpu.memory_space<hbm>>) dst(%dma_wait3A_46 : memref<624x64xbf16, #tpu.memory_space<vmem_shared>>)
      tpu.yield
    }) : () -> ()
    %eq3A = arith.constant 15 : i32
    %eq3A_3 = arith.cmpi eq, %arg1, %eq3A : i32
    %convert_element_type3A = arith.extui %eq3A_3 : i1 to i32
    %cond3A = arith.constant 0 : i32
    %cond3A_4 = arith.cmpi ne, %convert_element_type3A, %cond3A : i32
    scf.if %cond3A_4 {
      "tpu.region"() ({
        %run_scoped3A_40 = tpu.sem_alloc : memref<!tpu.dma_semaphore, #tpu.memory_space<semaphore_mem>>
        %dma_start3A_41 = arith.constant 9984 : i32
        %dma_start3A_42 = arith.constant 0 : i32
        %dma_start3A_43 = tpu.memref_slice %arg11[%dma_start3A_41, %dma_start3A_42] : memref<10008x64xbf16, #tpu.memory_space<vmem_shared>> -> memref<24x64xbf16, #tpu.memory_space<vmem_shared>>
        %dma_start3A_44 = arith.constant 9984 : i32
        %dma_start3A_45 = arith.constant 0 : i32
        %dma_start3A_46 = tpu.memref_slice %arg5[%dma_start3A_44, %dma_start3A_45] : memref<10008x64xbf16, #tpu.memory_space<hbm>> -> memref<24x64xbf16, #tpu.memory_space<hbm>>
        tpu.enqueue_dma source(%dma_start3A_46 : memref<24x64xbf16, #tpu.memory_space<hbm>>) target(%dma_start3A_43 : memref<24x64xbf16, #tpu.memory_space<vmem_shared>>) target_semaphore(%run_scoped3A_40 : memref<!tpu.dma_semaphore, #tpu.memory_space<semaphore_mem>>)
        %dma_wait3A_47 = arith.constant 9984 : i32
        %dma_wait3A_48 = arith.constant 0 : i32
        %dma_wait3A_49 = tpu.memref_slice %arg11[%dma_wait3A_47, %dma_wait3A_48] : memref<10008x64xbf16, #tpu.memory_space<vmem_shared>> -> memref<24x64xbf16, #tpu.memory_space<vmem_shared>>
        %dma_wait3A_50 = arith.constant 9984 : i32
        %dma_wait3A_51 = arith.constant 0 : i32
        %dma_wait3A_52 = tpu.memref_slice %arg5[%dma_wait3A_50, %dma_wait3A_51] : memref<10008x64xbf16, #tpu.memory_space<hbm>> -> memref<24x64xbf16, #tpu.memory_space<hbm>>
        tpu.wait_dma2 semaphore(%run_scoped3A_40 : memref<!tpu.dma_semaphore, #tpu.memory_space<semaphore_mem>>) src(%dma_wait3A_52 : memref<24x64xbf16, #tpu.memory_space<hbm>>) dst(%dma_wait3A_49 : memref<24x64xbf16, #tpu.memory_space<vmem_shared>>)
        tpu.yield
      }) : () -> ()
    } else {
    }
    "tpu.region"() ({
      %run_scoped3A_40 = tpu.sem_alloc : memref<!tpu.dma_semaphore, #tpu.memory_space<semaphore_mem>>
      %dma_start3A_41 = arith.constant 0 : i32
      %dma_start3A_42 = arith.constant 0 : i32
      %dma_start3A_43 = tpu.memref_slice %arg2[%arg1, %dma_start3A_41, %dma_start3A_42] : memref<16x157x128xi32, #tpu.memory_space<hbm>> -> memref<1x157x128xi32, #tpu.memory_space<hbm>>
      %dma_start3A_44 = tpu.memref_squeeze %dma_start3A_43 : memref<1x157x128xi32, #tpu.memory_space<hbm>> -> memref<157x128xi32, #tpu.memory_space<hbm>>
      %dma_start3A_45 = arith.constant 0 : i32
      %dma_start3A_46 = arith.constant 0 : i32
      %dma_start3A_47 = tpu.memref_slice %arg2[%arg1, %dma_start3A_45, %dma_start3A_46] : memref<16x157x128xi32, #tpu.memory_space<hbm>> -> memref<1x157x128xi32, #tpu.memory_space<hbm>>
      %dma_start3A_48 = tpu.memref_squeeze %dma_start3A_47 : memref<1x157x128xi32, #tpu.memory_space<hbm>> -> memref<157x128xi32, #tpu.memory_space<hbm>>
      tpu.enqueue_dma source(%dma_start3A_48 : memref<157x128xi32, #tpu.memory_space<hbm>>) target(%arg7 : memref<157x128xi32, #tpu.memory_space<vmem>>) target_semaphore(%run_scoped3A_40 : memref<!tpu.dma_semaphore, #tpu.memory_space<semaphore_mem>>)
      %dma_wait3A_49 = arith.constant 0 : i32
      %dma_wait3A_50 = arith.constant 0 : i32
      %dma_wait3A_51 = tpu.memref_slice %arg2[%arg1, %dma_wait3A_49, %dma_wait3A_50] : memref<16x157x128xi32, #tpu.memory_space<hbm>> -> memref<1x157x128xi32, #tpu.memory_space<hbm>>
      %dma_wait3A_52 = tpu.memref_squeeze %dma_wait3A_51 : memref<1x157x128xi32, #tpu.memory_space<hbm>> -> memref<157x128xi32, #tpu.memory_space<hbm>>
      %dma_wait3A_53 = arith.constant 0 : i32
      %dma_wait3A_54 = arith.constant 0 : i32
      %dma_wait3A_55 = tpu.memref_slice %arg2[%arg1, %dma_wait3A_53, %dma_wait3A_54] : memref<16x157x128xi32, #tpu.memory_space<hbm>> -> memref<1x157x128xi32, #tpu.memory_space<hbm>>
      %dma_wait3A_56 = tpu.memref_squeeze %dma_wait3A_55 : memref<1x157x128xi32, #tpu.memory_space<hbm>> -> memref<157x128xi32, #tpu.memory_space<hbm>>
      tpu.wait_dma2 semaphore(%run_scoped3A_40 : memref<!tpu.dma_semaphore, #tpu.memory_space<semaphore_mem>>) src(%dma_wait3A_56 : memref<157x128xi32, #tpu.memory_space<hbm>>) dst(%arg7 : memref<157x128xi32, #tpu.memory_space<vmem>>)
      tpu.yield
    }) : () -> ()
    "tpu.region"() ({
      %run_scoped3A_40 = tpu.sem_alloc : memref<!tpu.dma_semaphore, #tpu.memory_space<semaphore_mem>>
      %dma_start3A_41 = arith.constant 0 : i32
      %dma_start3A_42 = arith.constant 0 : i32
      %dma_start3A_43 = tpu.memref_slice %arg3[%arg1, %dma_start3A_41, %dma_start3A_42] : memref<16x157x128xi32, #tpu.memory_space<hbm>> -> memref<1x157x128xi32, #tpu.memory_space<hbm>>
      %dma_start3A_44 = tpu.memref_squeeze %dma_start3A_43 : memref<1x157x128xi32, #tpu.memory_space<hbm>> -> memref<157x128xi32, #tpu.memory_space<hbm>>
      %dma_start3A_45 = arith.constant 0 : i32
      %dma_start3A_46 = arith.constant 0 : i32
      %dma_start3A_47 = tpu.memref_slice %arg3[%arg1, %dma_start3A_45, %dma_start3A_46] : memref<16x157x128xi32, #tpu.memory_space<hbm>> -> memref<1x157x128xi32, #tpu.memory_space<hbm>>
      %dma_start3A_48 = tpu.memref_squeeze %dma_start3A_47 : memref<1x157x128xi32, #tpu.memory_space<hbm>> -> memref<157x128xi32, #tpu.memory_space<hbm>>
      tpu.enqueue_dma source(%dma_start3A_48 : memref<157x128xi32, #tpu.memory_space<hbm>>) target(%arg8 : memref<157x128xi32, #tpu.memory_space<vmem>>) target_semaphore(%run_scoped3A_40 : memref<!tpu.dma_semaphore, #tpu.memory_space<semaphore_mem>>)
      %dma_wait3A_49 = arith.constant 0 : i32
      %dma_wait3A_50 = arith.constant 0 : i32
      %dma_wait3A_51 = tpu.memref_slice %arg3[%arg1, %dma_wait3A_49, %dma_wait3A_50] : memref<16x157x128xi32, #tpu.memory_space<hbm>> -> memref<1x157x128xi32, #tpu.memory_space<hbm>>
      %dma_wait3A_52 = tpu.memref_squeeze %dma_wait3A_51 : memref<1x157x128xi32, #tpu.memory_space<hbm>> -> memref<157x128xi32, #tpu.memory_space<hbm>>
      %dma_wait3A_53 = arith.constant 0 : i32
      %dma_wait3A_54 = arith.constant 0 : i32
      %dma_wait3A_55 = tpu.memref_slice %arg3[%arg1, %dma_wait3A_53, %dma_wait3A_54] : memref<16x157x128xi32, #tpu.memory_space<hbm>> -> memref<1x157x128xi32, #tpu.memory_space<hbm>>
      %dma_wait3A_56 = tpu.memref_squeeze %dma_wait3A_55 : memref<1x157x128xi32, #tpu.memory_space<hbm>> -> memref<157x128xi32, #tpu.memory_space<hbm>>
      tpu.wait_dma2 semaphore(%run_scoped3A_40 : memref<!tpu.dma_semaphore, #tpu.memory_space<semaphore_mem>>) src(%dma_wait3A_56 : memref<157x128xi32, #tpu.memory_space<hbm>>) dst(%arg8 : memref<157x128xi32, #tpu.memory_space<vmem>>)
      tpu.yield
    }) : () -> ()
    %barrier3A = arith.constant 0 : index
    tpu.barrier barrier_id(%barrier3A)
    %dma_start3A = arith.constant 0 : i32
    %dma_start3A_5 = arith.constant 0 : i32
    %dma_start3A_6 = tpu.memref_slice %arg7[%dma_start3A, %dma_start3A_5] : memref<157x128xi32, #tpu.memory_space<vmem>> -> memref<1x128xi32, #tpu.memory_space<vmem>>
    %dma_start3A_7 = tpu.memref_squeeze %dma_start3A_6 : memref<1x128xi32, #tpu.memory_space<vmem>> -> memref<128xi32, #tpu.memory_space<vmem>>
    %dma_start3A_8 = arith.constant 0 : i32
    %dma_start3A_9 = arith.constant 0 : i32
    %dma_start3A_10 = tpu.memref_slice %arg4[%arg0, %dma_start3A_8, %dma_start3A_9] : memref<2x10000x64xbf16, #tpu.memory_space<hbm>> -> memref<1x10000x64xbf16, #tpu.memory_space<hbm>>
    %dma_start3A_11 = tpu.memref_squeeze %dma_start3A_10 : memref<1x10000x64xbf16, #tpu.memory_space<hbm>> -> memref<10000x64xbf16, #tpu.memory_space<hbm>>
    %dma_start3A_12 = arith.constant 0 : i32
    %dma_start3A_13 = arith.constant 0 : i32
    %dma_start3A_14 = tpu.memref_slice %dma_start3A_11[%dma_start3A_12, %dma_start3A_13] : memref<10000x64xbf16, #tpu.memory_space<hbm>> -> memref<10000x64xbf16, #tpu.memory_space<hbm>>
    tpu.enqueue_indirect_dma source(%dma_start3A_14 : memref<10000x64xbf16, #tpu.memory_space<hbm>>) target(%arg9 : memref<128x64xbf16, #tpu.memory_space<vmem>>) offsets(%dma_start3A_7 : memref<128xi32, #tpu.memory_space<vmem>>) semaphore(%arg12 : memref<!tpu.dma_semaphore, #tpu.memory_space<semaphore_mem>>)
    %scan3A = arith.constant 0 : i32
    %scan3A_15 = arith.constant 0 : i32
    %scan3A_16 = arith.constant 78 : i32
    %scan3A_17 = arith.addi %scan3A_15, %scan3A_16 : i32
    %scan3A_18 = arith.constant 1 : i32
    scf.for %scan3A_40 = %scan3A_15 to %scan3A_17 step %scan3A_18  : i32 {
      %mul3A_41 = arith.constant 2 : i32
      %mul3A_42 = arith.muli %mul3A_41, %scan3A_40 : i32
      %mul3A_43 = arith.constant 2 : i32
      %mul3A_44 = arith.muli %mul3A_43, %scan3A_40 : i32
      %add3A = arith.constant 1 : i32
      %add3A_45 = arith.addi %mul3A_44, %add3A : i32
      %dma_start3A_46 = arith.constant 0 : i32
      %dma_start3A_47 = tpu.memref_slice %arg7[%add3A_45, %dma_start3A_46] : memref<157x128xi32, #tpu.memory_space<vmem>> -> memref<1x128xi32, #tpu.memory_space<vmem>>
      %dma_start3A_48 = tpu.memref_squeeze %dma_start3A_47 : memref<1x128xi32, #tpu.memory_space<vmem>> -> memref<128xi32, #tpu.memory_space<vmem>>
      %dma_start3A_49 = arith.constant 0 : i32
      %dma_start3A_50 = arith.constant 0 : i32
      %dma_start3A_51 = tpu.memref_slice %arg4[%arg0, %dma_start3A_49, %dma_start3A_50] : memref<2x10000x64xbf16, #tpu.memory_space<hbm>> -> memref<1x10000x64xbf16, #tpu.memory_space<hbm>>
      %dma_start3A_52 = tpu.memref_squeeze %dma_start3A_51 : memref<1x10000x64xbf16, #tpu.memory_space<hbm>> -> memref<10000x64xbf16, #tpu.memory_space<hbm>>
      %dma_start3A_53 = arith.constant 0 : i32
      %dma_start3A_54 = arith.constant 0 : i32
      %dma_start3A_55 = tpu.memref_slice %dma_start3A_52[%dma_start3A_53, %dma_start3A_54] : memref<10000x64xbf16, #tpu.memory_space<hbm>> -> memref<10000x64xbf16, #tpu.memory_space<hbm>>
      tpu.enqueue_indirect_dma source(%dma_start3A_55 : memref<10000x64xbf16, #tpu.memory_space<hbm>>) target(%arg10 : memref<128x64xbf16, #tpu.memory_space<vmem>>) offsets(%dma_start3A_48 : memref<128xi32, #tpu.memory_space<vmem>>) semaphore(%arg13 : memref<!tpu.dma_semaphore, #tpu.memory_space<semaphore_mem>>)
      %dma_wait3A_56 = arith.constant 0 : i32
      %dma_wait3A_57 = tpu.memref_slice %arg7[%mul3A_42, %dma_wait3A_56] : memref<157x128xi32, #tpu.memory_space<vmem>> -> memref<1x128xi32, #tpu.memory_space<vmem>>
      %dma_wait3A_58 = tpu.memref_squeeze %dma_wait3A_57 : memref<1x128xi32, #tpu.memory_space<vmem>> -> memref<128xi32, #tpu.memory_space<vmem>>
      %dma_wait3A_59 = arith.constant 0 : i32
      %dma_wait3A_60 = arith.constant 0 : i32
      %dma_wait3A_61 = tpu.memref_slice %arg4[%arg0, %dma_wait3A_59, %dma_wait3A_60] : memref<2x10000x64xbf16, #tpu.memory_space<hbm>> -> memref<1x10000x64xbf16, #tpu.memory_space<hbm>>
      %dma_wait3A_62 = tpu.memref_squeeze %dma_wait3A_61 : memref<1x10000x64xbf16, #tpu.memory_space<hbm>> -> memref<10000x64xbf16, #tpu.memory_space<hbm>>
      %dma_wait3A_63 = arith.constant 0 : i32
      %dma_wait3A_64 = arith.constant 0 : i32
      %dma_wait3A_65 = tpu.memref_slice %dma_wait3A_62[%dma_wait3A_63, %dma_wait3A_64] : memref<10000x64xbf16, #tpu.memory_space<hbm>> -> memref<10000x64xbf16, #tpu.memory_space<hbm>>
      tpu.wait_indirect_dma semaphore(%arg12 : memref<!tpu.dma_semaphore, #tpu.memory_space<semaphore_mem>>) src(%dma_wait3A_65 : memref<10000x64xbf16, #tpu.memory_space<hbm>>) dst(%arg9 : memref<128x64xbf16, #tpu.memory_space<vmem>>)
      "tpu.region"() ({
        %run_scoped3A_88 = tpu.sem_alloc : memref<!tpu.dma_semaphore, #tpu.memory_space<semaphore_mem>>
        %dma_start3A_89 = arith.constant 0 : i32
        %dma_start3A_90 = tpu.memref_slice %arg8[%mul3A_42, %dma_start3A_89] : memref<157x128xi32, #tpu.memory_space<vmem>> -> memref<1x128xi32, #tpu.memory_space<vmem>>
        %dma_start3A_91 = tpu.memref_squeeze %dma_start3A_90 : memref<1x128xi32, #tpu.memory_space<vmem>> -> memref<128xi32, #tpu.memory_space<vmem>>
        %dma_start3A_92 = arith.constant 0 : i32
        %dma_start3A_93 = arith.constant 0 : i32
        %dma_start3A_94 = tpu.memref_slice %arg11[%dma_start3A_92, %dma_start3A_93] : memref<10008x64xbf16, #tpu.memory_space<vmem_shared>> -> memref<10008x64xbf16, #tpu.memory_space<vmem_shared>>
        tpu.enqueue_indirect_dma source(%arg9 : memref<128x64xbf16, #tpu.memory_space<vmem>>) target(%dma_start3A_94 : memref<10008x64xbf16, #tpu.memory_space<vmem_shared>>) offsets(%dma_start3A_91 : memref<128xi32, #tpu.memory_space<vmem>>) semaphore(%run_scoped3A_88 : memref<!tpu.dma_semaphore, #tpu.memory_space<semaphore_mem>>) {add = true}
        %dma_wait3A_95 = arith.constant 0 : i32
        %dma_wait3A_96 = tpu.memref_slice %arg8[%mul3A_42, %dma_wait3A_95] : memref<157x128xi32, #tpu.memory_space<vmem>> -> memref<1x128xi32, #tpu.memory_space<vmem>>
        %dma_wait3A_97 = tpu.memref_squeeze %dma_wait3A_96 : memref<1x128xi32, #tpu.memory_space<vmem>> -> memref<128xi32, #tpu.memory_space<vmem>>
        %dma_wait3A_98 = arith.constant 0 : i32
        %dma_wait3A_99 = arith.constant 0 : i32
        %dma_wait3A_100 = tpu.memref_slice %arg11[%dma_wait3A_98, %dma_wait3A_99] : memref<10008x64xbf16, #tpu.memory_space<vmem_shared>> -> memref<10008x64xbf16, #tpu.memory_space<vmem_shared>>
        tpu.wait_indirect_dma semaphore(%run_scoped3A_88 : memref<!tpu.dma_semaphore, #tpu.memory_space<semaphore_mem>>) src(%arg9 : memref<128x64xbf16, #tpu.memory_space<vmem>>) dst(%dma_wait3A_100 : memref<10008x64xbf16, #tpu.memory_space<vmem_shared>>)
        tpu.yield
      }) : () -> ()
      %add3A_66 = arith.constant 2 : i32
      %add3A_67 = arith.addi %mul3A_42, %add3A_66 : i32
      %dma_start3A_68 = arith.constant 0 : i32
      %dma_start3A_69 = tpu.memref_slice %arg7[%add3A_67, %dma_start3A_68] : memref<157x128xi32, #tpu.memory_space<vmem>> -> memref<1x128xi32, #tpu.memory_space<vmem>>
      %dma_start3A_70 = tpu.memref_squeeze %dma_start3A_69 : memref<1x128xi32, #tpu.memory_space<vmem>> -> memref<128xi32, #tpu.memory_space<vmem>>
      %dma_start3A_71 = arith.constant 0 : i32
      %dma_start3A_72 = arith.constant 0 : i32
      %dma_start3A_73 = tpu.memref_slice %arg4[%arg0, %dma_start3A_71, %dma_start3A_72] : memref<2x10000x64xbf16, #tpu.memory_space<hbm>> -> memref<1x10000x64xbf16, #tpu.memory_space<hbm>>
      %dma_start3A_74 = tpu.memref_squeeze %dma_start3A_73 : memref<1x10000x64xbf16, #tpu.memory_space<hbm>> -> memref<10000x64xbf16, #tpu.memory_space<hbm>>
      %dma_start3A_75 = arith.constant 0 : i32
      %dma_start3A_76 = arith.constant 0 : i32
      %dma_start3A_77 = tpu.memref_slice %dma_start3A_74[%dma_start3A_75, %dma_start3A_76] : memref<10000x64xbf16, #tpu.memory_space<hbm>> -> memref<10000x64xbf16, #tpu.memory_space<hbm>>
      tpu.enqueue_indirect_dma source(%dma_start3A_77 : memref<10000x64xbf16, #tpu.memory_space<hbm>>) target(%arg9 : memref<128x64xbf16, #tpu.memory_space<vmem>>) offsets(%dma_start3A_70 : memref<128xi32, #tpu.memory_space<vmem>>) semaphore(%arg12 : memref<!tpu.dma_semaphore, #tpu.memory_space<semaphore_mem>>)
      %dma_wait3A_78 = arith.constant 0 : i32
      %dma_wait3A_79 = tpu.memref_slice %arg7[%add3A_45, %dma_wait3A_78] : memref<157x128xi32, #tpu.memory_space<vmem>> -> memref<1x128xi32, #tpu.memory_space<vmem>>
      %dma_wait3A_80 = tpu.memref_squeeze %dma_wait3A_79 : memref<1x128xi32, #tpu.memory_space<vmem>> -> memref<128xi32, #tpu.memory_space<vmem>>
      %dma_wait3A_81 = arith.constant 0 : i32
      %dma_wait3A_82 = arith.constant 0 : i32
      %dma_wait3A_83 = tpu.memref_slice %arg4[%arg0, %dma_wait3A_81, %dma_wait3A_82] : memref<2x10000x64xbf16, #tpu.memory_space<hbm>> -> memref<1x10000x64xbf16, #tpu.memory_space<hbm>>
      %dma_wait3A_84 = tpu.memref_squeeze %dma_wait3A_83 : memref<1x10000x64xbf16, #tpu.memory_space<hbm>> -> memref<10000x64xbf16, #tpu.memory_space<hbm>>
      %dma_wait3A_85 = arith.constant 0 : i32
      %dma_wait3A_86 = arith.constant 0 : i32
      %dma_wait3A_87 = tpu.memref_slice %dma_wait3A_84[%dma_wait3A_85, %dma_wait3A_86] : memref<10000x64xbf16, #tpu.memory_space<hbm>> -> memref<10000x64xbf16, #tpu.memory_space<hbm>>
      tpu.wait_indirect_dma semaphore(%arg13 : memref<!tpu.dma_semaphore, #tpu.memory_space<semaphore_mem>>) src(%dma_wait3A_87 : memref<10000x64xbf16, #tpu.memory_space<hbm>>) dst(%arg10 : memref<128x64xbf16, #tpu.memory_space<vmem>>)
      "tpu.region"() ({
        %run_scoped3A_88 = tpu.sem_alloc : memref<!tpu.dma_semaphore, #tpu.memory_space<semaphore_mem>>
        %dma_start3A_89 = arith.constant 0 : i32
        %dma_start3A_90 = tpu.memref_slice %arg8[%add3A_45, %dma_start3A_89] : memref<157x128xi32, #tpu.memory_space<vmem>> -> memref<1x128xi32, #tpu.memory_space<vmem>>
        %dma_start3A_91 = tpu.memref_squeeze %dma_start3A_90 : memref<1x128xi32, #tpu.memory_space<vmem>> -> memref<128xi32, #tpu.memory_space<vmem>>
        %dma_start3A_92 = arith.constant 0 : i32
        %dma_start3A_93 = arith.constant 0 : i32
        %dma_start3A_94 = tpu.memref_slice %arg11[%dma_start3A_92, %dma_start3A_93] : memref<10008x64xbf16, #tpu.memory_space<vmem_shared>> -> memref<10008x64xbf16, #tpu.memory_space<vmem_shared>>
        tpu.enqueue_indirect_dma source(%arg10 : memref<128x64xbf16, #tpu.memory_space<vmem>>) target(%dma_start3A_94 : memref<10008x64xbf16, #tpu.memory_space<vmem_shared>>) offsets(%dma_start3A_91 : memref<128xi32, #tpu.memory_space<vmem>>) semaphore(%run_scoped3A_88 : memref<!tpu.dma_semaphore, #tpu.memory_space<semaphore_mem>>) {add = true}
        %dma_wait3A_95 = arith.constant 0 : i32
        %dma_wait3A_96 = tpu.memref_slice %arg8[%add3A_45, %dma_wait3A_95] : memref<157x128xi32, #tpu.memory_space<vmem>> -> memref<1x128xi32, #tpu.memory_space<vmem>>
        %dma_wait3A_97 = tpu.memref_squeeze %dma_wait3A_96 : memref<1x128xi32, #tpu.memory_space<vmem>> -> memref<128xi32, #tpu.memory_space<vmem>>
        %dma_wait3A_98 = arith.constant 0 : i32
        %dma_wait3A_99 = arith.constant 0 : i32
        %dma_wait3A_100 = tpu.memref_slice %arg11[%dma_wait3A_98, %dma_wait3A_99] : memref<10008x64xbf16, #tpu.memory_space<vmem_shared>> -> memref<10008x64xbf16, #tpu.memory_space<vmem_shared>>
        tpu.wait_indirect_dma semaphore(%run_scoped3A_88 : memref<!tpu.dma_semaphore, #tpu.memory_space<semaphore_mem>>) src(%arg10 : memref<128x64xbf16, #tpu.memory_space<vmem>>) dst(%dma_wait3A_100 : memref<10008x64xbf16, #tpu.memory_space<vmem_shared>>)
        tpu.yield
      }) : () -> ()
    }
    %scan3A_19 = arith.constant 78 : i32
    %dma_wait3A = arith.constant 156 : i32
    %dma_wait3A_20 = arith.constant 0 : i32
    %dma_wait3A_21 = tpu.memref_slice %arg7[%dma_wait3A, %dma_wait3A_20] : memref<157x128xi32, #tpu.memory_space<vmem>> -> memref<1x128xi32, #tpu.memory_space<vmem>>
    %dma_wait3A_22 = tpu.memref_squeeze %dma_wait3A_21 : memref<1x128xi32, #tpu.memory_space<vmem>> -> memref<128xi32, #tpu.memory_space<vmem>>
    %dma_wait3A_23 = arith.constant 0 : i32
    %dma_wait3A_24 = arith.constant 0 : i32
    %dma_wait3A_25 = tpu.memref_slice %arg4[%arg0, %dma_wait3A_23, %dma_wait3A_24] : memref<2x10000x64xbf16, #tpu.memory_space<hbm>> -> memref<1x10000x64xbf16, #tpu.memory_space<hbm>>
    %dma_wait3A_26 = tpu.memref_squeeze %dma_wait3A_25 : memref<1x10000x64xbf16, #tpu.memory_space<hbm>> -> memref<10000x64xbf16, #tpu.memory_space<hbm>>
    %dma_wait3A_27 = arith.constant 0 : i32
    %dma_wait3A_28 = arith.constant 0 : i32
    %dma_wait3A_29 = tpu.memref_slice %dma_wait3A_26[%dma_wait3A_27, %dma_wait3A_28] : memref<10000x64xbf16, #tpu.memory_space<hbm>> -> memref<10000x64xbf16, #tpu.memory_space<hbm>>
    tpu.wait_indirect_dma semaphore(%arg12 : memref<!tpu.dma_semaphore, #tpu.memory_space<semaphore_mem>>) src(%dma_wait3A_29 : memref<10000x64xbf16, #tpu.memory_space<hbm>>) dst(%arg9 : memref<128x64xbf16, #tpu.memory_space<vmem>>)
    %run_scoped3A = arith.constant 156 : i32
    "tpu.region"() ({
      %run_scoped3A_40 = tpu.sem_alloc : memref<!tpu.dma_semaphore, #tpu.memory_space<semaphore_mem>>
      %dma_start3A_41 = arith.constant 0 : i32
      %dma_start3A_42 = tpu.memref_slice %arg8[%run_scoped3A, %dma_start3A_41] : memref<157x128xi32, #tpu.memory_space<vmem>> -> memref<1x128xi32, #tpu.memory_space<vmem>>
      %dma_start3A_43 = tpu.memref_squeeze %dma_start3A_42 : memref<1x128xi32, #tpu.memory_space<vmem>> -> memref<128xi32, #tpu.memory_space<vmem>>
      %dma_start3A_44 = arith.constant 0 : i32
      %dma_start3A_45 = arith.constant 0 : i32
      %dma_start3A_46 = tpu.memref_slice %arg11[%dma_start3A_44, %dma_start3A_45] : memref<10008x64xbf16, #tpu.memory_space<vmem_shared>> -> memref<10008x64xbf16, #tpu.memory_space<vmem_shared>>
      tpu.enqueue_indirect_dma source(%arg9 : memref<128x64xbf16, #tpu.memory_space<vmem>>) target(%dma_start3A_46 : memref<10008x64xbf16, #tpu.memory_space<vmem_shared>>) offsets(%dma_start3A_43 : memref<128xi32, #tpu.memory_space<vmem>>) semaphore(%run_scoped3A_40 : memref<!tpu.dma_semaphore, #tpu.memory_space<semaphore_mem>>) {add = true}
      %dma_wait3A_47 = arith.constant 0 : i32
      %dma_wait3A_48 = tpu.memref_slice %arg8[%run_scoped3A, %dma_wait3A_47] : memref<157x128xi32, #tpu.memory_space<vmem>> -> memref<1x128xi32, #tpu.memory_space<vmem>>
      %dma_wait3A_49 = tpu.memref_squeeze %dma_wait3A_48 : memref<1x128xi32, #tpu.memory_space<vmem>> -> memref<128xi32, #tpu.memory_space<vmem>>
      %dma_wait3A_50 = arith.constant 0 : i32
      %dma_wait3A_51 = arith.constant 0 : i32
      %dma_wait3A_52 = tpu.memref_slice %arg11[%dma_wait3A_50, %dma_wait3A_51] : memref<10008x64xbf16, #tpu.memory_space<vmem_shared>> -> memref<10008x64xbf16, #tpu.memory_space<vmem_shared>>
      tpu.wait_indirect_dma semaphore(%run_scoped3A_40 : memref<!tpu.dma_semaphore, #tpu.memory_space<semaphore_mem>>) src(%arg9 : memref<128x64xbf16, #tpu.memory_space<vmem>>) dst(%dma_wait3A_52 : memref<10008x64xbf16, #tpu.memory_space<vmem_shared>>)
      tpu.yield
    }) : () -> ()
    %barrier3A_30 = arith.constant 0 : index
    tpu.barrier barrier_id(%barrier3A_30)
    %mul3A_31 = arith.constant 624 : i32
    %mul3A_32 = arith.muli %arg1, %mul3A_31 : i32
    %mul3A_33 = arith.constant 624 : i32
    %mul3A_34 = arith.muli %arg1, %mul3A_33 : i32
    "tpu.region"() ({
      %run_scoped3A_40 = tpu.sem_alloc : memref<!tpu.dma_semaphore, #tpu.memory_space<semaphore_mem>>
      %dma_start3A_41 = arith.constant 0 : i32
      %dma_start3A_42 = tpu.memref_slice %arg6[%arg0, %mul3A_34, %dma_start3A_41] : memref<2x10000x64xbf16, #tpu.memory_space<hbm>> -> memref<1x624x64xbf16, #tpu.memory_space<hbm>>
      %dma_start3A_43 = tpu.memref_squeeze %dma_start3A_42 : memref<1x624x64xbf16, #tpu.memory_space<hbm>> -> memref<624x64xbf16, #tpu.memory_space<hbm>>
      %dma_start3A_44 = arith.constant 0 : i32
      %dma_start3A_45 = tpu.memref_slice %arg11[%mul3A_32, %dma_start3A_44] : memref<10008x64xbf16, #tpu.memory_space<vmem_shared>> -> memref<624x64xbf16, #tpu.memory_space<vmem_shared>>
      tpu.enqueue_dma source(%dma_start3A_45 : memref<624x64xbf16, #tpu.memory_space<vmem_shared>>) target(%dma_start3A_43 : memref<624x64xbf16, #tpu.memory_space<hbm>>) target_semaphore(%run_scoped3A_40 : memref<!tpu.dma_semaphore, #tpu.memory_space<semaphore_mem>>)
      %dma_wait3A_46 = arith.constant 0 : i32
      %dma_wait3A_47 = tpu.memref_slice %arg6[%arg0, %mul3A_34, %dma_wait3A_46] : memref<2x10000x64xbf16, #tpu.memory_space<hbm>> -> memref<1x624x64xbf16, #tpu.memory_space<hbm>>
      %dma_wait3A_48 = tpu.memref_squeeze %dma_wait3A_47 : memref<1x624x64xbf16, #tpu.memory_space<hbm>> -> memref<624x64xbf16, #tpu.memory_space<hbm>>
      %dma_wait3A_49 = arith.constant 0 : i32
      %dma_wait3A_50 = tpu.memref_slice %arg11[%mul3A_32, %dma_wait3A_49] : memref<10008x64xbf16, #tpu.memory_space<vmem_shared>> -> memref<624x64xbf16, #tpu.memory_space<vmem_shared>>
      tpu.wait_dma2 semaphore(%run_scoped3A_40 : memref<!tpu.dma_semaphore, #tpu.memory_space<semaphore_mem>>) src(%dma_wait3A_50 : memref<624x64xbf16, #tpu.memory_space<vmem_shared>>) dst(%dma_wait3A_48 : memref<624x64xbf16, #tpu.memory_space<hbm>>)
      tpu.yield
    }) : () -> ()
    %eq3A_35 = arith.constant 15 : i32
    %eq3A_36 = arith.cmpi eq, %arg1, %eq3A_35 : i32
    %convert_element_type3A_37 = arith.extui %eq3A_36 : i1 to i32
    %cond3A_38 = arith.constant 0 : i32
    %cond3A_39 = arith.cmpi ne, %convert_element_type3A_37, %cond3A_38 : i32
    scf.if %cond3A_39 {
      "tpu.region"() ({
        %run_scoped3A_40 = tpu.sem_alloc : memref<!tpu.dma_semaphore, #tpu.memory_space<semaphore_mem>>
        %dma_start3A_41 = arith.constant 9984 : i32
        %dma_start3A_42 = arith.constant 0 : i32
        %dma_start3A_43 = tpu.memref_slice %arg6[%arg0, %dma_start3A_41, %dma_start3A_42] : memref<2x10000x64xbf16, #tpu.memory_space<hbm>> -> memref<1x16x64xbf16, #tpu.memory_space<hbm>>
        %dma_start3A_44 = tpu.memref_squeeze %dma_start3A_43 : memref<1x16x64xbf16, #tpu.memory_space<hbm>> -> memref<16x64xbf16, #tpu.memory_space<hbm>>
        %dma_start3A_45 = arith.constant 9984 : i32
        %dma_start3A_46 = arith.constant 0 : i32
        %dma_start3A_47 = tpu.memref_slice %arg11[%dma_start3A_45, %dma_start3A_46] : memref<10008x64xbf16, #tpu.memory_space<vmem_shared>> -> memref<16x64xbf16, #tpu.memory_space<vmem_shared>>
        tpu.enqueue_dma source(%dma_start3A_47 : memref<16x64xbf16, #tpu.memory_space<vmem_shared>>) target(%dma_start3A_44 : memref<16x64xbf16, #tpu.memory_space<hbm>>) target_semaphore(%run_scoped3A_40 : memref<!tpu.dma_semaphore, #tpu.memory_space<semaphore_mem>>)
        %dma_wait3A_48 = arith.constant 9984 : i32
        %dma_wait3A_49 = arith.constant 0 : i32
        %dma_wait3A_50 = tpu.memref_slice %arg6[%arg0, %dma_wait3A_48, %dma_wait3A_49] : memref<2x10000x64xbf16, #tpu.memory_space<hbm>> -> memref<1x16x64xbf16, #tpu.memory_space<hbm>>
        %dma_wait3A_51 = tpu.memref_squeeze %dma_wait3A_50 : memref<1x16x64xbf16, #tpu.memory_space<hbm>> -> memref<16x64xbf16, #tpu.memory_space<hbm>>
        %dma_wait3A_52 = arith.constant 9984 : i32
        %dma_wait3A_53 = arith.constant 0 : i32
        %dma_wait3A_54 = tpu.memref_slice %arg11[%dma_wait3A_52, %dma_wait3A_53] : memref<10008x64xbf16, #tpu.memory_space<vmem_shared>> -> memref<16x64xbf16, #tpu.memory_space<vmem_shared>>
        tpu.wait_dma2 semaphore(%run_scoped3A_40 : memref<!tpu.dma_semaphore, #tpu.memory_space<semaphore_mem>>) src(%dma_wait3A_54 : memref<16x64xbf16, #tpu.memory_space<vmem_shared>>) dst(%dma_wait3A_51 : memref<16x64xbf16, #tpu.memory_space<hbm>>)
        tpu.yield
      }) : () -> ()
    } else {
    }
    return
  }
}

module attributes {stable_mosaic.version = 14 : i64} {
  func.func @_tc_layer0_body(%arg0: i32, %arg1: memref<2000x128xf32, #tpu.memory_space<vmem>>, %arg2: memref<128x128xf32, #tpu.memory_space<vmem>>, %arg3: memref<128x128xf32, #tpu.memory_space<vmem>>, %arg4: memref<1x128xf32, #tpu.memory_space<vmem>>, %arg5: memref<2000x128xf32, #tpu.memory_space<vmem>>, %arg6: memref<2x2000x64xbf16, #tpu.memory_space<vmem>>) attributes {dimension_semantics = [#tpu.dimension_semantics<arbitrary>], iteration_bounds = array<i64: 5>, scalar_prefetch = 0 : i64, scratch_operands = 0 : i64, tpu.core_type = #tpu.core_type<tc>, window_params = [{transform_indices = @transform_0, window_bounds = array<i64: 2000, 128>}, {pipeline_mode = #tpu.pipeline_mode<synchronous>, transform_indices = @transform_1, window_bounds = array<i64: 128, 128>}, {pipeline_mode = #tpu.pipeline_mode<synchronous>, transform_indices = @transform_2, window_bounds = array<i64: 128, 128>}, {pipeline_mode = #tpu.pipeline_mode<synchronous>, transform_indices = @transform_3, window_bounds = array<i64: 1, 128>}, {transform_indices = @transform_4, window_bounds = array<i64: 2000, 128>}, {transform_indices = @transform_5, window_bounds = array<i64: 2, 2000, 64>}]} {
    %get3A = arith.constant 0 : index
    %get3A_0 = arith.constant 0 : index
    %get3A_1 = vector.load %arg1[%get3A, %get3A_0] : memref<2000x128xf32, #tpu.memory_space<vmem>>, vector<2000x128xf32>
    %get3A_2 = arith.constant 0 : index
    %get3A_3 = arith.constant 0 : index
    %get3A_4 = vector.load %arg2[%get3A_2, %get3A_3] : memref<128x128xf32, #tpu.memory_space<vmem>>, vector<128x128xf32>
    %dot_general3A = arith.constant dense<0.000000e+00> : vector<2000x128xf32>
    %dot_general3A_5 = tpu.matmul %get3A_1, %get3A_4, %dot_general3A {dimension_numbers = #tpu.dot_dimension_numbers<[1], [0], [0], [1], [0, 0, 1, 1], [], []>, transpose_lhs_hint = false} : vector<2000x128xf32>, vector<128x128xf32>, vector<2000x128xf32> -> vector<2000x128xf32>
    %get3A_6 = arith.constant 0 : index
    %get3A_7 = arith.constant 0 : index
    %get3A_8 = vector.load %arg4[%get3A_6, %get3A_7] : memref<1x128xf32, #tpu.memory_space<vmem>>, vector<1x128xf32>
    %add3A = vector.broadcast %get3A_8 : vector<1x128xf32> to vector<2000x128xf32>
    %add3A_9 = arith.addf %dot_general3A_5, %add3A : vector<2000x128xf32>
    %swap3A = arith.constant 0 : index
    %swap3A_10 = arith.constant 0 : index
    %swap3A_11 = vector.load %arg5[%swap3A, %swap3A_10] : memref<2000x128xf32, #tpu.memory_space<vmem>>, vector<2000x128xf32>
    tpu.vector_store %arg5[%swap3A, %swap3A_10], %add3A_9 {strides = array<i32>} : memref<2000x128xf32, #tpu.memory_space<vmem>>, vector<2000x128xf32>,
    %get3A_12 = arith.constant 0 : index
    %get3A_13 = arith.constant 0 : index
    %get3A_14 = vector.load %arg3[%get3A_12, %get3A_13] : memref<128x128xf32, #tpu.memory_space<vmem>>, vector<128x128xf32>
    %dot_general3A_15 = arith.constant dense<0.000000e+00> : vector<2000x128xf32>
    %dot_general3A_16 = tpu.matmul %get3A_1, %get3A_14, %dot_general3A_15 {dimension_numbers = #tpu.dot_dimension_numbers<[1], [0], [0], [1], [0, 0, 1, 1], [], []>, transpose_lhs_hint = false} : vector<2000x128xf32>, vector<128x128xf32>, vector<2000x128xf32> -> vector<2000x128xf32>
    %convert_element_type3A = arith.truncf %dot_general3A_16 : vector<2000x128xf32> to vector<2000x128xbf16>
    %slice3A = vector.extract_strided_slice %convert_element_type3A {offsets = [0, 0], sizes = [2000, 64], strides = [1, 1]} : vector<2000x128xbf16> to vector<2000x64xbf16>
    %swap3A_17 = arith.constant 0 : index
    %swap3A_18 = arith.constant 0 : index
    %swap3A_19 = arith.constant 0 : index
    %swap3A_20 = vector.load %arg6[%swap3A_17, %swap3A_18, %swap3A_19] : memref<2x2000x64xbf16, #tpu.memory_space<vmem>>, vector<1x2000x64xbf16>
    %swap3A_21 = vector.shape_cast %swap3A_20 : vector<1x2000x64xbf16> to vector<2000x64xbf16>
    %swap3A_22 = vector.shape_cast %slice3A : vector<2000x64xbf16> to vector<1x2000x64xbf16>
    tpu.vector_store %arg6[%swap3A_17, %swap3A_18, %swap3A_19], %swap3A_22 {strides = array<i32>} : memref<2x2000x64xbf16, #tpu.memory_space<vmem>>, vector<1x2000x64xbf16>,
    %slice3A_23 = vector.extract_strided_slice %convert_element_type3A {offsets = [0, 64], sizes = [2000, 64], strides = [1, 1]} : vector<2000x128xbf16> to vector<2000x64xbf16>
    %swap3A_24 = arith.constant 1 : index
    %swap3A_25 = arith.constant 0 : index
    %swap3A_26 = arith.constant 0 : index
    %swap3A_27 = vector.load %arg6[%swap3A_24, %swap3A_25, %swap3A_26] : memref<2x2000x64xbf16, #tpu.memory_space<vmem>>, vector<1x2000x64xbf16>
    %swap3A_28 = vector.shape_cast %swap3A_27 : vector<1x2000x64xbf16> to vector<2000x64xbf16>
    %swap3A_29 = vector.shape_cast %slice3A_23 : vector<2000x64xbf16> to vector<1x2000x64xbf16>
    tpu.vector_store %arg6[%swap3A_24, %swap3A_25, %swap3A_26], %swap3A_29 {strides = array<i32>} : memref<2x2000x64xbf16, #tpu.memory_space<vmem>>, vector<1x2000x64xbf16>,
    return
  }
  func.func @transform_0(%arg0: i32) -> (i32, i32) {
    %c0_i32 = arith.constant 0 : i32
    %c0_i32_0 = arith.constant 0 : i32
    return %arg0, %c0_i32 : i32, i32
  }
  func.func @transform_1(%arg0: i32) -> (i32, i32) {
    %c0_i32 = arith.constant 0 : i32
    %c0_i32_0 = arith.constant 0 : i32
    %c0_i32_1 = arith.constant 0 : i32
    return %c0_i32, %c0_i32_0 : i32, i32
  }
  func.func @transform_2(%arg0: i32) -> (i32, i32) {
    %c0_i32 = arith.constant 0 : i32
    %c0_i32_0 = arith.constant 0 : i32
    %c0_i32_1 = arith.constant 0 : i32
    return %c0_i32, %c0_i32_0 : i32, i32
  }
  func.func @transform_3(%arg0: i32) -> (i32, i32) {
    %c0_i32 = arith.constant 0 : i32
    %c0_i32_0 = arith.constant 0 : i32
    %c0_i32_1 = arith.constant 0 : i32
    return %c0_i32, %c0_i32_0 : i32, i32
  }
  func.func @transform_4(%arg0: i32) -> (i32, i32) {
    %c0_i32 = arith.constant 0 : i32
    %c0_i32_0 = arith.constant 0 : i32
    return %arg0, %c0_i32 : i32, i32
  }
  func.func @transform_5(%arg0: i32) -> (i32, i32, i32) {
    %c0_i32 = arith.constant 0 : i32
    %c0_i32_0 = arith.constant 0 : i32
    %c0_i32_1 = arith.constant 0 : i32
    return %c0_i32, %arg0, %c0_i32_0 : i32, i32, i32
  }
}

module attributes {stable_mosaic.version = 14 : i64} {
  func.func @_tc_layer_body(%arg0: i32, %arg1: memref<2000x128xf32, #tpu.memory_space<vmem>>, %arg2: memref<2x2000x64xbf16, #tpu.memory_space<vmem>>, %arg3: memref<2000x1xf32, #tpu.memory_space<vmem>>, %arg4: memref<128x128xf32, #tpu.memory_space<vmem>>, %arg5: memref<128x128xf32, #tpu.memory_space<vmem>>, %arg6: memref<1x128xf32, #tpu.memory_space<vmem>>, %arg7: memref<2000x128xf32, #tpu.memory_space<vmem>>, %arg8: memref<2x2000x64xbf16, #tpu.memory_space<vmem>>) attributes {dimension_semantics = [#tpu.dimension_semantics<arbitrary>], iteration_bounds = array<i64: 5>, scalar_prefetch = 0 : i64, scratch_operands = 0 : i64, tpu.core_type = #tpu.core_type<tc>, window_params = [{transform_indices = @transform_0, window_bounds = array<i64: 2000, 128>}, {transform_indices = @transform_1, window_bounds = array<i64: 2, 2000, 64>}, {transform_indices = @transform_2, window_bounds = array<i64: 2000, 1>}, {pipeline_mode = #tpu.pipeline_mode<synchronous>, transform_indices = @transform_3, window_bounds = array<i64: 128, 128>}, {pipeline_mode = #tpu.pipeline_mode<synchronous>, transform_indices = @transform_4, window_bounds = array<i64: 128, 128>}, {pipeline_mode = #tpu.pipeline_mode<synchronous>, transform_indices = @transform_5, window_bounds = array<i64: 1, 128>}, {transform_indices = @transform_6, window_bounds = array<i64: 2000, 128>}, {transform_indices = @transform_7, window_bounds = array<i64: 2, 2000, 64>}]} {
    %get3A = arith.constant 0 : index
    %get3A_0 = arith.constant 0 : index
    %get3A_1 = vector.load %arg3[%get3A, %get3A_0] : memref<2000x1xf32, #tpu.memory_space<vmem>>, vector<2000x1xf32>
    %max3A = arith.constant 1.000000e+00 : f32
    %max3A_2 = vector.broadcast %max3A : f32 to vector<2000x1xf32>
    %max3A_3 = arith.maximumf %get3A_1, %max3A_2 : vector<2000x1xf32>
    %get3A_4 = arith.constant 0 : index
    %get3A_5 = arith.constant 0 : index
    %get3A_6 = arith.constant 0 : index
    %get3A_7 = vector.load %arg2[%get3A_4, %get3A_5, %get3A_6] : memref<2x2000x64xbf16, #tpu.memory_space<vmem>>, vector<1x2000x64xbf16>
    %get3A_8 = vector.shape_cast %get3A_7 : vector<1x2000x64xbf16> to vector<2000x64xbf16>
    %get3A_9 = arith.constant 1 : index
    %get3A_10 = arith.constant 0 : index
    %get3A_11 = arith.constant 0 : index
    %get3A_12 = vector.load %arg2[%get3A_9, %get3A_10, %get3A_11] : memref<2x2000x64xbf16, #tpu.memory_space<vmem>>, vector<1x2000x64xbf16>
    %get3A_13 = vector.shape_cast %get3A_12 : vector<1x2000x64xbf16> to vector<2000x64xbf16>
    %concatenate3A = tpu.concatenate %get3A_8, %get3A_13 in 1 : vector<2000x64xbf16>, vector<2000x64xbf16> -> vector<2000x128xbf16>
    %convert_element_type3A = arith.extf %concatenate3A : vector<2000x128xbf16> to vector<2000x128xf32>
    %div3A = vector.broadcast %max3A_3 : vector<2000x1xf32> to vector<2000x128xf32>
    %div3A_14 = arith.divf %convert_element_type3A, %div3A : vector<2000x128xf32>
    %get3A_15 = arith.constant 0 : index
    %get3A_16 = arith.constant 0 : index
    %get3A_17 = vector.load %arg1[%get3A_15, %get3A_16] : memref<2000x128xf32, #tpu.memory_space<vmem>>, vector<2000x128xf32>
    %add3A = arith.addf %get3A_17, %div3A_14 : vector<2000x128xf32>
    %max3A_18 = arith.constant 0.000000e+00 : f32
    %max3A_19 = vector.broadcast %max3A_18 : f32 to vector<2000x128xf32>
    %max3A_20 = arith.maximumf %add3A, %max3A_19 : vector<2000x128xf32>
    %get3A_21 = arith.constant 0 : index
    %get3A_22 = arith.constant 0 : index
    %get3A_23 = vector.load %arg4[%get3A_21, %get3A_22] : memref<128x128xf32, #tpu.memory_space<vmem>>, vector<128x128xf32>
    %dot_general3A = arith.constant dense<0.000000e+00> : vector<2000x128xf32>
    %dot_general3A_24 = tpu.matmul %max3A_20, %get3A_23, %dot_general3A {dimension_numbers = #tpu.dot_dimension_numbers<[1], [0], [0], [1], [0, 0, 1, 1], [], []>, transpose_lhs_hint = false} : vector<2000x128xf32>, vector<128x128xf32>, vector<2000x128xf32> -> vector<2000x128xf32>
    %get3A_25 = arith.constant 0 : index
    %get3A_26 = arith.constant 0 : index
    %get3A_27 = vector.load %arg6[%get3A_25, %get3A_26] : memref<1x128xf32, #tpu.memory_space<vmem>>, vector<1x128xf32>
    %add3A_28 = vector.broadcast %get3A_27 : vector<1x128xf32> to vector<2000x128xf32>
    %add3A_29 = arith.addf %dot_general3A_24, %add3A_28 : vector<2000x128xf32>
    %swap3A = arith.constant 0 : index
    %swap3A_30 = arith.constant 0 : index
    %swap3A_31 = vector.load %arg7[%swap3A, %swap3A_30] : memref<2000x128xf32, #tpu.memory_space<vmem>>, vector<2000x128xf32>
    tpu.vector_store %arg7[%swap3A, %swap3A_30], %add3A_29 {strides = array<i32>} : memref<2000x128xf32, #tpu.memory_space<vmem>>, vector<2000x128xf32>,
    %get3A_32 = arith.constant 0 : index
    %get3A_33 = arith.constant 0 : index
    %get3A_34 = vector.load %arg5[%get3A_32, %get3A_33] : memref<128x128xf32, #tpu.memory_space<vmem>>, vector<128x128xf32>
    %dot_general3A_35 = arith.constant dense<0.000000e+00> : vector<2000x128xf32>
    %dot_general3A_36 = tpu.matmul %max3A_20, %get3A_34, %dot_general3A_35 {dimension_numbers = #tpu.dot_dimension_numbers<[1], [0], [0], [1], [0, 0, 1, 1], [], []>, transpose_lhs_hint = false} : vector<2000x128xf32>, vector<128x128xf32>, vector<2000x128xf32> -> vector<2000x128xf32>
    %convert_element_type3A_37 = arith.truncf %dot_general3A_36 : vector<2000x128xf32> to vector<2000x128xbf16>
    %slice3A = vector.extract_strided_slice %convert_element_type3A_37 {offsets = [0, 0], sizes = [2000, 64], strides = [1, 1]} : vector<2000x128xbf16> to vector<2000x64xbf16>
    %swap3A_38 = arith.constant 0 : index
    %swap3A_39 = arith.constant 0 : index
    %swap3A_40 = arith.constant 0 : index
    %swap3A_41 = vector.load %arg8[%swap3A_38, %swap3A_39, %swap3A_40] : memref<2x2000x64xbf16, #tpu.memory_space<vmem>>, vector<1x2000x64xbf16>
    %swap3A_42 = vector.shape_cast %swap3A_41 : vector<1x2000x64xbf16> to vector<2000x64xbf16>
    %swap3A_43 = vector.shape_cast %slice3A : vector<2000x64xbf16> to vector<1x2000x64xbf16>
    tpu.vector_store %arg8[%swap3A_38, %swap3A_39, %swap3A_40], %swap3A_43 {strides = array<i32>} : memref<2x2000x64xbf16, #tpu.memory_space<vmem>>, vector<1x2000x64xbf16>,
    %slice3A_44 = vector.extract_strided_slice %convert_element_type3A_37 {offsets = [0, 64], sizes = [2000, 64], strides = [1, 1]} : vector<2000x128xbf16> to vector<2000x64xbf16>
    %swap3A_45 = arith.constant 1 : index
    %swap3A_46 = arith.constant 0 : index
    %swap3A_47 = arith.constant 0 : index
    %swap3A_48 = vector.load %arg8[%swap3A_45, %swap3A_46, %swap3A_47] : memref<2x2000x64xbf16, #tpu.memory_space<vmem>>, vector<1x2000x64xbf16>
    %swap3A_49 = vector.shape_cast %swap3A_48 : vector<1x2000x64xbf16> to vector<2000x64xbf16>
    %swap3A_50 = vector.shape_cast %slice3A_44 : vector<2000x64xbf16> to vector<1x2000x64xbf16>
    tpu.vector_store %arg8[%swap3A_45, %swap3A_46, %swap3A_47], %swap3A_50 {strides = array<i32>} : memref<2x2000x64xbf16, #tpu.memory_space<vmem>>, vector<1x2000x64xbf16>,
    return
  }
  func.func @transform_0(%arg0: i32) -> (i32, i32) {
    %c0_i32 = arith.constant 0 : i32
    %c0_i32_0 = arith.constant 0 : i32
    return %arg0, %c0_i32 : i32, i32
  }
  func.func @transform_1(%arg0: i32) -> (i32, i32, i32) {
    %c0_i32 = arith.constant 0 : i32
    %c0_i32_0 = arith.constant 0 : i32
    %c0_i32_1 = arith.constant 0 : i32
    return %c0_i32, %arg0, %c0_i32_0 : i32, i32, i32
  }
  func.func @transform_2(%arg0: i32) -> (i32, i32) {
    %c0_i32 = arith.constant 0 : i32
    %c0_i32_0 = arith.constant 0 : i32
    return %arg0, %c0_i32 : i32, i32
  }
  func.func @transform_3(%arg0: i32) -> (i32, i32) {
    %c0_i32 = arith.constant 0 : i32
    %c0_i32_0 = arith.constant 0 : i32
    %c0_i32_1 = arith.constant 0 : i32
    return %c0_i32, %c0_i32_0 : i32, i32
  }
  func.func @transform_4(%arg0: i32) -> (i32, i32) {
    %c0_i32 = arith.constant 0 : i32
    %c0_i32_0 = arith.constant 0 : i32
    %c0_i32_1 = arith.constant 0 : i32
    return %c0_i32, %c0_i32_0 : i32, i32
  }
  func.func @transform_5(%arg0: i32) -> (i32, i32) {
    %c0_i32 = arith.constant 0 : i32
    %c0_i32_0 = arith.constant 0 : i32
    %c0_i32_1 = arith.constant 0 : i32
    return %c0_i32, %c0_i32_0 : i32, i32
  }
  func.func @transform_6(%arg0: i32) -> (i32, i32) {
    %c0_i32 = arith.constant 0 : i32
    %c0_i32_0 = arith.constant 0 : i32
    return %arg0, %c0_i32 : i32, i32
  }
  func.func @transform_7(%arg0: i32) -> (i32, i32, i32) {
    %c0_i32 = arith.constant 0 : i32
    %c0_i32_0 = arith.constant 0 : i32
    %c0_i32_1 = arith.constant 0 : i32
    return %c0_i32, %arg0, %c0_i32_0 : i32, i32, i32
  }
}

module attributes {stable_mosaic.version = 14 : i64} {
  func.func @_tc_final_body(%arg0: i32, %arg1: memref<2000x128xf32, #tpu.memory_space<vmem>>, %arg2: memref<2x2000x64xbf16, #tpu.memory_space<vmem>>, %arg3: memref<2000x1xf32, #tpu.memory_space<vmem>>, %arg4: memref<128x64xf32, #tpu.memory_space<vmem>>, %arg5: memref<1x64xf32, #tpu.memory_space<vmem>>, %arg6: memref<1x64xf32, #tpu.memory_space<vmem>>) attributes {dimension_semantics = [#tpu.dimension_semantics<arbitrary>], iteration_bounds = array<i64: 5>, scalar_prefetch = 0 : i64, scratch_operands = 0 : i64, tpu.core_type = #tpu.core_type<tc>, window_params = [{transform_indices = @transform_0, window_bounds = array<i64: 2000, 128>}, {transform_indices = @transform_1, window_bounds = array<i64: 2, 2000, 64>}, {transform_indices = @transform_2, window_bounds = array<i64: 2000, 1>}, {pipeline_mode = #tpu.pipeline_mode<synchronous>, transform_indices = @transform_3, window_bounds = array<i64: 128, 64>}, {pipeline_mode = #tpu.pipeline_mode<synchronous>, transform_indices = @transform_4, window_bounds = array<i64: 1, 64>}, {pipeline_mode = #tpu.pipeline_mode<synchronous>, transform_indices = @transform_5, window_bounds = array<i64: 1, 64>}]} {
    %get3A = arith.constant 0 : index
    %get3A_0 = arith.constant 0 : index
    %get3A_1 = vector.load %arg3[%get3A, %get3A_0] : memref<2000x1xf32, #tpu.memory_space<vmem>>, vector<2000x1xf32>
    %max3A = arith.constant 1.000000e+00 : f32
    %max3A_2 = vector.broadcast %max3A : f32 to vector<2000x1xf32>
    %max3A_3 = arith.maximumf %get3A_1, %max3A_2 : vector<2000x1xf32>
    %get3A_4 = arith.constant 0 : index
    %get3A_5 = arith.constant 0 : index
    %get3A_6 = arith.constant 0 : index
    %get3A_7 = vector.load %arg2[%get3A_4, %get3A_5, %get3A_6] : memref<2x2000x64xbf16, #tpu.memory_space<vmem>>, vector<1x2000x64xbf16>
    %get3A_8 = vector.shape_cast %get3A_7 : vector<1x2000x64xbf16> to vector<2000x64xbf16>
    %get3A_9 = arith.constant 1 : index
    %get3A_10 = arith.constant 0 : index
    %get3A_11 = arith.constant 0 : index
    %get3A_12 = vector.load %arg2[%get3A_9, %get3A_10, %get3A_11] : memref<2x2000x64xbf16, #tpu.memory_space<vmem>>, vector<1x2000x64xbf16>
    %get3A_13 = vector.shape_cast %get3A_12 : vector<1x2000x64xbf16> to vector<2000x64xbf16>
    %concatenate3A = tpu.concatenate %get3A_8, %get3A_13 in 1 : vector<2000x64xbf16>, vector<2000x64xbf16> -> vector<2000x128xbf16>
    %convert_element_type3A = arith.extf %concatenate3A : vector<2000x128xbf16> to vector<2000x128xf32>
    %div3A = vector.broadcast %max3A_3 : vector<2000x1xf32> to vector<2000x128xf32>
    %div3A_14 = arith.divf %convert_element_type3A, %div3A : vector<2000x128xf32>
    %get3A_15 = arith.constant 0 : index
    %get3A_16 = arith.constant 0 : index
    %get3A_17 = vector.load %arg1[%get3A_15, %get3A_16] : memref<2000x128xf32, #tpu.memory_space<vmem>>, vector<2000x128xf32>
    %add3A = arith.addf %get3A_17, %div3A_14 : vector<2000x128xf32>
    %max3A_18 = arith.constant 0.000000e+00 : f32
    %max3A_19 = vector.broadcast %max3A_18 : f32 to vector<2000x128xf32>
    %max3A_20 = arith.maximumf %add3A, %max3A_19 : vector<2000x128xf32>
    %reduce_sum3A = arith.constant dense<0.000000e+00> : vector<128xf32>
    %reduce_sum3A_21 = vector.multi_reduction <add>, %max3A_20, %reduce_sum3A [0] : vector<2000x128xf32> to vector<128xf32>
    %broadcast_in_dim3A = vector.shape_cast %reduce_sum3A_21 : vector<128xf32> to vector<1x128xf32>
    %mul3A = arith.constant 9.99999974E-5 : f32
    %mul3A_22 = vector.broadcast %mul3A : f32 to vector<1x128xf32>
    %mul3A_23 = arith.mulf %broadcast_in_dim3A, %mul3A_22 : vector<1x128xf32>
    %get3A_24 = arith.constant 0 : index
    %get3A_25 = arith.constant 0 : index
    %get3A_26 = vector.load %arg4[%get3A_24, %get3A_25] : memref<128x64xf32, #tpu.memory_space<vmem>>, vector<128x64xf32>
    %dot_general3A = arith.constant dense<0.000000e+00> : vector<1x64xf32>
    %dot_general3A_27 = tpu.matmul %mul3A_23, %get3A_26, %dot_general3A {dimension_numbers = #tpu.dot_dimension_numbers<[1], [0], [0], [1], [0, 0, 1, 1], [], []>, transpose_lhs_hint = false} : vector<1x128xf32>, vector<128x64xf32>, vector<1x64xf32> -> vector<1x64xf32>
    %eq3A = arith.constant 0 : i32
    %eq3A_28 = arith.cmpi eq, %arg0, %eq3A : i32
    %convert_element_type3A_29 = arith.extui %eq3A_28 : i1 to i32
    %cond3A = arith.constant 0 : i32
    %cond3A_30 = arith.cmpi ne, %convert_element_type3A_29, %cond3A : i32
    scf.if %cond3A_30 {
      %get3A_37 = arith.constant 0 : index
      %get3A_38 = arith.constant 0 : index
      %get3A_39 = vector.load %arg5[%get3A_37, %get3A_38] : memref<1x64xf32, #tpu.memory_space<vmem>>, vector<1x64xf32>
      %swap3A_40 = arith.constant 0 : index
      %swap3A_41 = arith.constant 0 : index
      %swap3A_42 = vector.load %arg6[%swap3A_40, %swap3A_41] : memref<1x64xf32, #tpu.memory_space<vmem>>, vector<1x64xf32>
      tpu.vector_store %arg6[%swap3A_40, %swap3A_41], %get3A_39 {strides = array<i32>} : memref<1x64xf32, #tpu.memory_space<vmem>>, vector<1x64xf32>,
    } else {
    }
    %get3A_31 = arith.constant 0 : index
    %get3A_32 = arith.constant 0 : index
    %get3A_33 = vector.load %arg6[%get3A_31, %get3A_32] : memref<1x64xf32, #tpu.memory_space<vmem>>, vector<1x64xf32>
    %add3A_34 = arith.addf %get3A_33, %dot_general3A_27 : vector<1x64xf32>
    %swap3A = arith.constant 0 : index
    %swap3A_35 = arith.constant 0 : index
    %swap3A_36 = vector.load %arg6[%swap3A, %swap3A_35] : memref<1x64xf32, #tpu.memory_space<vmem>>, vector<1x64xf32>
    tpu.vector_store %arg6[%swap3A, %swap3A_35], %add3A_34 {strides = array<i32>} : memref<1x64xf32, #tpu.memory_space<vmem>>, vector<1x64xf32>,
    return
  }
  func.func @transform_0(%arg0: i32) -> (i32, i32) {
    %c0_i32 = arith.constant 0 : i32
    %c0_i32_0 = arith.constant 0 : i32
    return %arg0, %c0_i32 : i32, i32
  }
  func.func @transform_1(%arg0: i32) -> (i32, i32, i32) {
    %c0_i32 = arith.constant 0 : i32
    %c0_i32_0 = arith.constant 0 : i32
    %c0_i32_1 = arith.constant 0 : i32
    return %c0_i32, %arg0, %c0_i32_0 : i32, i32, i32
  }
  func.func @transform_2(%arg0: i32) -> (i32, i32) {
    %c0_i32 = arith.constant 0 : i32
    %c0_i32_0 = arith.constant 0 : i32
    return %arg0, %c0_i32 : i32, i32
  }
  func.func @transform_3(%arg0: i32) -> (i32, i32) {
    %c0_i32 = arith.constant 0 : i32
    %c0_i32_0 = arith.constant 0 : i32
    %c0_i32_1 = arith.constant 0 : i32
    return %c0_i32, %c0_i32_0 : i32, i32
  }
  func.func @transform_4(%arg0: i32) -> (i32, i32) {
    %c0_i32 = arith.constant 0 : i32
    %c0_i32_0 = arith.constant 0 : i32
    %c0_i32_1 = arith.constant 0 : i32
    return %c0_i32, %c0_i32_0 : i32, i32
  }
  func.func @transform_5(%arg0: i32) -> (i32, i32) {
    %c0_i32 = arith.constant 0 : i32
    %c0_i32_0 = arith.constant 0 : i32
    %c0_i32_1 = arith.constant 0 : i32
    return %c0_i32, %c0_i32_0 : i32, i32
  }
}

</mosaic_0001>

<sc_bundles>
// kernel: kernel.12.cloned.1.call-start
scs
__scs_entry_jumppad:
0x0: {  	(pc) =	sbr.rel $0x88, $3  }
0x1: {  	(tag) =	ssettag $0x0;
	lr =	simm.s32 $0x1  }
0x2: {  	[smem:$0x3F94] =	sst lr;
	_ =	strace $0xD0000000  }
0x3: {  	_ = 	snop  }
0x4: {  	_ = 	snop  }
0x5: {  	_ = 	snop  }
0x6: {  	_ = 	snop  }
0x7: {  	_ = 	snop  }
__scs_overlays_trampoline_lowered:
0x8: {  	[smem:$0x3FA3] =	sst s0  }
0x9: {  	[smem:$0x3FA4] =	sst s1  }
0xa: {  	[smem:$0x3FA5] =	sst s2  }
0xb: {  	[smem:$0x3FA6] =	sst s3  }
0xc: {  	[smem:$0x3FA7] =	sst s4  }
0xd: {  	[smem:$0x3FA8] =	sst s5  }
0xe: {  	[smem:$0x3FA9] =	sst s6  }
0xf: {  	[smem:$0x3FAA] =	sst s7  }
0x10: {  	[smem:$0x3FAB] =	sst s8  }
0x11: {  	[smem:$0x3FAC] =	sst s9;
	s0 =	simm.s32 @!p0 $0x0  }
0x12: {  	s1 =	sld [smem:$0x3F92];
	s0 =	simm.s32 @p0 $0x1  }
0x13: {  	[smem:$0x3FAD] =	sst s0;
	s0 =	simm.s32 @!p1 $0x0  }
0x14: {  	s2 =	sld [smem:$0x3F91];
	s0 =	simm.s32 @p1 $0x1  }
0x15: {  	[smem:$0x3FAE] =	sst s0;
	s0 =	simm.s32 @!p2 $0x0  }
0x16: {  	s3 =	sld [smem:$0x3FDB];
	s0 =	simm.s32 @p2 $0x1  }
0x17: {  	s4 =	simm.s32 $0x1BF5;
	[smem:$0x3FB0] =	sst s0  }
0x18: {  	s0 =	sld [smem:$0x3F93];
	_ =	swait.ge [sflag:s4], $0x0  }
0x19: {  	s7 =	sld [smem:$0x3F94]  }
0x1a: {  	s8 =	sadd.s32 $0xFFFFE003, lr  }
0x1b: {  	s9 =	sadd.s32 $0xFFFFFEF7, lr;
	s5 =	simm.s32 $0xFFFFFFFF;
	p2 =	slt.u32 s8, $0xFFFFF086  }
0x1c: {  	p1 =	slt.u32 s9, $0xF7A;
	s5 =	simm.s32 @!p2 $0x0  }
0x1d: {  	s5 =	simm.s32 @p1 $0x1;
	p0 =	seq.s32 s7, s2  }
0x1e: {  	s7 =	smul.u32 @!p0 $0xF7A, s2;
	p2 =	seq.s32 @!p0 s5, $0x0  }
0x1f: {  	s9 =	smul.u32 $0xF7A, s1;
	s8 =	simm.s32 @!p0 $0x1BF5;
	p2 =	por !p2, p0  }
0x20: {  	[sflag:s8] =	ssyncset.s32 @!p0 $0xFFFFF086;
	s6 =	sadd.s32 @!p0 s3, s7;
	s7 =	simm.s32 @!p0 $0x108  }
0x21: {  	s3 =	sadd.s32 s3, s9;
	s6 =	sadd.s32 @!p0 $0x88, s6;
	s7 =	simm.s32 @p2 $0x1082  }
0x22: {  	[simem:s7], [sflag:s8] =	dma.local @!p0 [hbm:s6], $0xF7A  }
0x23: {  	s9 =	sor.u32 $0xD0000000, s2;
	s6 =	simm.s32 $0x108;
	_ =	swait.ge @!p0 [sflag:s8], $0x0  }
0x24: {  	s3 =	sadd.s32 $0x88, s3;
	s6 =	simm.s32 @!p1 $0x1082;
	[sflag:s4] =	ssyncset.s32 $0xFFFFF086  }
0x25: {  	[simem:s6], [sflag:s4] =	dma.local [hbm:s3], $0xF7A  }
0x26: {  	[smem:$0x3F94] =	sst s1;
	(tag) =	ssettag s2;
	_ =	strace s9  }
0x27: {  	s1 =	sld [smem:$0x3FA4]  }
0x28: {  	s2 =	sld [smem:$0x3FA5]  }
0x29: {  	s4 =	sld [smem:$0x3FA7]  }
0x2a: {  	p0 =	seq.s32 s5, $0x0;
	s5 =	sld [smem:$0x3FA8]  }
0x2b: {  	s6 =	sld [smem:$0x3FA9]  }
0x2c: {  	s7 =	sld [smem:$0x3FAA]  }
0x2d: {  	s3 =	simm.s32 $0x108;
	s8 =	sld [smem:$0x3FAB]  }
0x2e: {  	s3 =	simm.s32 @!p0 $0x1082;
	s9 =	sld [smem:$0x3FAC]  }
0x2f: {  	lr =	sadd.s32 s0, s3;
	s0 =	sld [smem:$0x3FA3]  }
0x30: {  	s3 =	sld [smem:$0x3FA6]  }
0x31: {  	[smem:$0x3FAF] =	sst s10  }
0x32: {  	s10 =	sld [smem:$0x3FAD];
	_ =	sdelay $0x3  }
0x33: {  	p0 =	seq.s32 s10, $0x1;
	s10 =	sld [smem:$0x3FAF];
	_ =	sdelay $0x3  }
0x34: {  	[smem:$0x3FAF] =	sst s10  }
0x35: {  	s10 =	sld [smem:$0x3FAE];
	_ =	sdelay $0x3  }
0x36: {  	p1 =	seq.s32 s10, $0x1;
	s10 =	sld [smem:$0x3FAF];
	_ =	sdelay $0x3  }
0x37: {  	[smem:$0x3FAF] =	sst s10  }
0x38: {  	s10 =	sld [smem:$0x3FB0]  }
0x39: {  	_ = 	snop;
	(pc) =	sbr.ind lr, $3  }
0x3a: {  	_ = 	snop  }
0x3b: {  	_ = 	snop  }
0x3c: {  	p2 =	seq.s32 s10, $0x1;
	s10 =	sld [smem:$0x3FAF]  }
0x3d: {  	_ =	shalt  }
0x3e: {  	_ =	shalt  }
0x3f: {  	_ =	shalt  }
0x40: {  	_ =	shalt  }
0x41: {  	_ =	shalt  }
0x42: {  	_ =	shalt  }
0x43: {  	_ =	shalt  }
0x44: {  	_ =	shalt  }
0x45: {  	_ =	shalt  }
0x46: {  	_ =	shalt  }
0x47: {  	_ =	shalt  }
0x48: {  	_ =	shalt  }
0x49: {  	_ =	shalt  }
0x4a: {  	_ =	shalt  }
0x4b: {  	_ =	shalt  }
0x4c: {  	_ =	shalt  }
0x4d: {  	_ =	shalt  }
0x4e: {  	_ =	shalt  }
0x4f: {  	_ =	shalt  }
0x50: {  	_ =	shalt  }
0x51: {  	_ =	shalt  }
0x52: {  	_ =	shalt  }
0x53: {  	_ =	shalt  }
0x54: {  	_ =	shalt  }
0x55: {  	_ =	shalt  }
0x56: {  	_ =	shalt  }
0x57: {  	_ =	shalt  }
0x58: {  	_ =	shalt  }
0x59: {  	_ =	shalt  }
0x5a: {  	_ =	shalt  }
0x5b: {  	_ =	shalt  }
0x5c: {  	_ =	shalt  }
0x5d: {  	_ =	shalt  }
0x5e: {  	_ =	shalt  }
0x5f: {  	_ =	shalt  }
0x60: {  	_ =	shalt  }
0x61: {  	_ =	shalt  }
0x62: {  	_ =	shalt  }
0x63: {  	_ =	shalt  }
0x64: {  	_ =	shalt  }
0x65: {  	_ =	shalt  }
0x66: {  	_ =	shalt  }
0x67: {  	_ =	shalt  }
0x68: {  	_ =	shalt  }
0x69: {  	_ =	shalt  }
0x6a: {  	_ =	shalt  }
0x6b: {  	_ =	shalt  }
0x6c: {  	_ =	shalt  }
0x6d: {  	_ =	shalt  }
0x6e: {  	_ =	shalt  }
0x6f: {  	_ =	shalt  }
0x70: {  	_ =	shalt  }
0x71: {  	_ =	shalt  }
0x72: {  	_ =	shalt  }
0x73: {  	_ =	shalt  }
0x74: {  	_ =	shalt  }
0x75: {  	_ =	shalt  }
0x76: {  	_ =	shalt  }
0x77: {  	_ =	shalt  }
0x78: {  	_ =	shalt  }
0x79: {  	_ =	shalt  }
0x7a: {  	_ =	shalt  }
0x7b: {  	_ =	shalt  }
0x7c: {  	_ =	shalt  }
0x7d: {  	_ =	shalt  }
0x7e: {  	_ =	shalt  }
0x7f: {  	_ =	shalt  }
0x80: {  	_ =	shalt  }
0x81: {  	_ =	shalt  }
0x82: {  	_ =	shalt  }
0x83: {  	_ =	shalt  }
0x84: {  	_ =	shalt  }
0x85: {  	_ =	shalt  }
0x86: {  	_ =	shalt  }
0x87: {  	_ =	shalt  }
.Lfunc_end0:
.L_simem_size_0:
called_computation.1_lowered:
.L_overlay_start_0:
0x88: {  	s2 =	sld [smem:$0x3FD9]  }
0x89: {  	s3 =	sld [smem:$0x3FFE];
	_ =	sdelay $0x1  }
0x8a: {  	s1 =	srdreg.scid  }
0x8b: {  	s0 =	sand.u32 $0x1, s1  }
0x8c: {  	s16 =	sshll.u32 s0, $0xA;
	s2 =	sadd.s32 s3, s2  }
0x8d: {  	s2 =	sadd.s32 s2, s16  }
0x8e: {  	[smem:$0x3FBB] =	sst s2  }
0x8f: {  	_ = 	snop  }
0x90: {  	(tm) =	ssettm $0x1  }
0x91: {  	s17 =	sld [smem:$0x3FFB];
	_ =	sdelay $0x3  }
0x92: {  	_ =	strace s17  }
0x93: {  	s2 =	sld [smem:$0x3FFC];
	_ =	sdelay $0x3  }
0x94: {  	_ =	strace s2  }
0x95: {  	s2 =	sld [smem:$0x3FFD];
	_ =	sdelay $0x3  }
0x96: {  	_ =	strace s2  }
0x97: {  	_ =	strace $0x8FFFFFFF  }
0x98: {  	s18 =	sld [smem:$0x3FDB];
	_ =	sdelay $0x1  }
0x99: {  	s19 =	simm.s32 $_scs_section_size  }
0x9a: {  	s4 =	simm.s32 $_size__tile_overlayer_lowered;
	s5 =	simm.s32 $_tile_overlayer_lowered  }
0x9b: {  	s22 =	simm.s32 $0x1BFF;
	s21 =	sshll.u32 s5, $0x1;
	s2 =	sadd.s32 s19, s18  }
0x9c: {  	s6 =	simm.s32 $0x0;
	s20 =	sshll.u32 s4, $0x1;
	s4 =	sadd.s32 s21, s2  }
0x9d: {  	[timem:s6], [sflag:s22] =	dma.local [hbm:s4], s20  }
0x9e: {  	_ =	swait.ge [sflag:s22], s20  }
0x9f: {  	s3 =	ssub.s32 $0x0, s20;
	[sflag:s22] =	ssyncset.done $0x0  }
0xa0: {  	[sflag:s22] =	ssyncadd.s32 s3;
	_ =	sdelay $0x1  }
0xa1: {  	s23 =	simm.s32 $0x1B8B  }
0xa2: {  	_ =	swait.ge [sflag:s23], $0x1  }
0xa3: {  	[sflag:s23] =	ssyncset.done $0x0  }
0xa4: {  	s25 =	simm.s32 $0x1B8E;
	s24 =	sld [smem:$0x3FFE];
	[sflag:s23] =	ssyncadd.s32 $0xFFFFFFFF  }
0xa5: {  	s26 =	simm.s32 $execute0_lowered;
	[smem:$0x3FD2] =	sst s25  }
0xa6: {  	s4 =	sshll.u32 s26, $0x1;
	_ =	strace $0x80000049;
	[dreg:$0x1] =	wrdreg $0xFFFFFFFF  }
0xa7: {  	s28 =	simm.s32 $_size_execute0_lowered;
	s2 =	sadd.s32 s2, s4;
	[dreg:$0x0] =	wrdreg $0x0  }
0xa8: {  	s4 =	sshll.u32 s28, $0x1;
	[dreg:$0x2] =	wrdreg s2  }
0xa9: {  	[dreg:$0x3] =	wrdreg s4  }
0xaa: {  	[dreg:$0x4] =	wrdreg $0xC0  }
0xab: {  	_ =	task [dreg:s6], $0x5FFFF  }
0xac: {  	[dreg:$0x1] =	wrdreg $0xFFFFFFFF  }
0xad: {  	[dreg:$0x0] =	wrdreg $0x60  }
0xae: {  	[dreg:$0x2] =	wrdreg s24  }
0xaf: {  	[dreg:$0x3] =	wrdreg $0xBD000  }
0xb0: {  	[dreg:$0x4] =	wrdreg $0x9  }
0xb1: {  	_ =	task.clear_ibuf [dreg:s6], $0x5FFFF;
	_ =	strace $0x90000049  }
0xb2: {  	s29 =	simm.s32 $0x9;
	_ =	strace $0x8000004B  }
0xb3: {  	_ =	swait.ge [sflag:s29], $0x1  }
0xb4: {  	[sflag:s29] =	ssyncadd.s32 $0xFFFFFFFF  }
0xb5: {  	_ =	strace $0x9000004B  }
0xb6: {  	_ =	sfence  }
0xb7: {  	s30 =	sld [smem:$0x0];
	_ =	sdelay $0x2  }
0xb8: {  	s31 =	sshll.u32 s1, $0xD;
	s1 =	sshrl.u32 s1, $0x2  }
0xb9: {  	s3 =	sand.u32 $0x4000, s31;
	s1 =	sadd.s32 s1, s30  }
0xba: {  	s0 =	sor.u32 s3, s0;
	s1 =	sshll.u32 s1, $0x11  }
0xbb: {  	s0 =	sor.u32 s1, s0  }
0xbc: {  	s0 =	sadd.s32 $0x8F2B, s0  }
0xbd: {  	[sflag:s0] =	ssyncadd.remote.s32 $0x1  }
0xbe: {  	_ =	sfence.sel $0xFFFF  }
0xbf: {  	[dreg:$0x0] =	wrdreg $0xFFFFFFFF;
	(pc) =	sbr.abs _section_cstart, $3  }
0xc0: {  	[dreg:$0x1] =	wrdreg $0xFFFFFFFF  }
0xc1: {  	_ =	task.clear_ibuf [dreg:s6], $0x2FFFF;
	_ =	strace $0x9FFFFFFF  }
0xc2: {  	(tm) =	ssettm $0x7FFFFFFF  }
0xc3: {  	_ =	shalt  }
tec
execute0_lowered:
.L_overlay_start_1:
0x0: {  	(tag) =	ssettag $0x1  }
0x1: {  	s6 =	rddreg [dreg:$0x0];
	s0 =	stileid.u32  }
0x2: {  	s1 =	srdreg.scid;
	s2 =	rddreg [dreg:$0x1]  }
0x3: {  	s3 =	simm.s32 $0x0;
	s17 =	simm.s32 $0x80;
	s18 =	simm.s32 $0x9D00  }
0x4: {  	s19 =	simm.s32 $0xAD00;
	s20 =	simm.s32 $0x1;
	s21 =	simm.s32 $0x2  }
0x5: {  	s22 =	simm.s32 $0x9C80;
	s5 =	sand.u32 $0x1, s1;
	s1 =	rddreg [dreg:$0x2]  }
0x6: {  	s23 =	simm.s32 $0x0;
	s4 =	smul.u32 $0x9D0, s0;
	[smem:$0x7FF] =	sst s3  }
0x7: {  	s10 =	smul.u32 $0x9C00, s0;
	s13 =	sadd.s32 $0x34400, s6;
	s31 =	sshll.u32 s0, $0x6  }
0x8: {  	s16 =	sadd.s32 $0x4E000, s2;
	p0 =	sne.s32 s0, $0xF;
	s9 =	smul.u32 $0x9C400, s5  }
0x9: {  	_ =	strace $0x8000004A;
	s5 =	ssub.s32 $0x2, s5;
	s8 =	sadd.s32 s4, s6  }
0xa: {  	s29 =	sshrl.u32 s10, $0x4;
	s7 =	sshrl.u32 s5, $0x1;
	s30 =	sshrl.u32 s10, $0x1  }
0xb: {  	s11 =	sshrl.u32 s9, $0x4;
	s4 =	sadd.s32 s29, s6;
	s14 =	ssub.s32 s5, s7  }
0xc: {  	s15 =	sadd.s32 s30, s2;
	s5 =	sor.u32 $0x1C03, s31;
	s7 =	sadd.s32 $0x2A600, s8  }
0xd: {  	s8 =	sadd.s32 $0x20800, s8;
	s10 =	sadd.s32 s10, s9;
	s12 =	sadd.s32 s11, s6  }
0xe: {  	s4 =	sadd.s32 $0x3000, s4;
	s6 =	sadd.s32 $0xCC00, s6;
	s10 =	sshrl.u32 s10, $0x4  }
0xf: {  	s11 =	sadd.s32 s13, s11;
	s9 =	sadd.s32 $0xCE00, s12;
	s10 =	sadd.s32 s13, s10  }
0x10: {  	s11 =	sadd.s32 $0x9C00, s11;
	s12 =	smax.u32 s14, $0x1;
	s13 =	sshrl.u32 s15, $0x3  }
0x11: {  	s14 =	simm.s32 $0x3;
	s15 =	sshrl.u32 @!p0 s16, $0x3;
	s16 =	simm.s32 $0x4E80  }
.LBB2_1:
0x12: {  	[spmem:s13], [sflag:s5] =	dma.local [hbm:s4], $0x9C0  }
0x13: {  	_ =	swait.ge [sflag:s14], $0x9C0  }
0x14: {  	[sflag:s14] =	ssyncset.done $0x0  }
0x15: {  	s24 =	simm.s32 @!p0 $0x3;
	[sflag:s14] =	ssyncadd.s32 $0xFFFFF640  }
0x16: {  	[spmem:s15], [sflag:s5] =	dma.local @!p0 [hbm:s6], $0x60  }
0x17: {  	_ =	swait.ge @!p0 [sflag:s24], $0x60  }
0x18: {  	[sflag:s24] =	ssyncset.done @!p0 $0x0  }
0x19: {  	[sflag:s24] =	ssyncadd.s32 @!p0 $0xFFFFFFA0  }
0x1a: {  	[tilespmem:s3], [sflag:$0x3] =	stream.linear.gather [hbm4b:s7+s3], $0x4E80, $0x38;
	[tilespmem:$0x10B30] =	vst v63  }
0x1b: {  	_ =	swait.ge [sflag:s14], $0x4E80  }
0x1c: {  	[sflag:s14] =	ssyncset.done $0x0  }
0x1d: {  	[sflag:s14] =	ssyncadd.s32 $0xFFFFB180  }
0x1e: {  	[tilespmem:s16], [sflag:$0x3] =	stream.linear.gather [hbm4b:s8+s3], $0x4E80, $0x38;
	[tilespmem:$0x10B30] =	vst v63  }
0x1f: {  	_ =	swait.ge [sflag:s14], $0x4E80  }
0x20: {  	[sflag:s14] =	ssyncset.done $0x0  }
0x21: {  	[sflag:s14] =	ssyncadd.s32 $0xFFFFB180  }
0x22: {  	[bflag:$0x0] =	sbarrier.arrive $0xFFFF  }
0x23: {  	[tilespmem:s18], [sflag:$0x1] =	stream.indirect.gather [hbm4b:s9+s17], $0x20, s3, s17, $0xb8;
	[tilespmem:$0x10B30] =	vst v63  }
0x24: {  	s28 =	simm.s32 $0x80  }
0x25: {  	[tilespmem:s19], [sflag:$0x2] =	stream.indirect.gather [hbm4b:s9+s17], $0x20, s28, s17, $0xb8;
	[tilespmem:$0x10B30] =	vst v63  }
0x26: {  	_ =	swait.ge [sflag:s20], $0x1000  }
0x27: {  	[sflag:s20] =	ssyncset.done $0x0  }
0x28: {  	s29 =	simm.s32 $0x4E80;
	[sflag:s20] =	ssyncadd.s32 $0xFFFFF000  }
0x29: {  	[spmem:s2] =	stream.indirect.scatter.add.bf16 [tilespmem:s18], [sflag:$0x3], $0x20, s29, s17, $0xb8;
	[tilespmem:$0x10B30] =	vst v63  }
0x2a: {  	_ =	swait.ge [sflag:s14], $0x1000  }
0x2b: {  	[sflag:s14] =	ssyncset.done $0x0  }
0x2c: {  	s30 =	simm.s32 $0x100;
	[sflag:s14] =	ssyncadd.s32 $0xFFFFF000  }
0x2d: {  	[tilespmem:s18], [sflag:$0x1] =	stream.indirect.gather [hbm4b:s9+s17], $0x20, s30, s17, $0xb8;
	[tilespmem:$0x10B30] =	vst v63  }
0x2e: {  	_ =	swait.ge [sflag:s21], $0x1000  }
0x2f: {  	[sflag:s21] =	ssyncset.done $0x0  }
0x30: {  	s31 =	simm.s32 $0x4F00;
	[sflag:s21] =	ssyncadd.s32 $0xFFFFF000  }
0x31: {  	[spmem:s2] =	stream.indirect.scatter.add.bf16 [tilespmem:s19], [sflag:$0x3], $0x20, s31, s17, $0xb8;
	[tilespmem:$0x10B30] =	vst v63  }
0x32: {  	_ =	swait.ge [sflag:s14], $0x1000  }
0x33: {  	s25 =	simm.s32 $0x800;
	s24 =	simm.s32 $0x100;
	[sflag:s14] =	ssyncset.done $0x0  }
.LBB2_2:
0x34: {  	s26 =	sadd.s32 $0x80, s24  }
0x35: {  	[sflag:s14] =	ssyncadd.s32 $0xFFFFF000;
	s28 =	smov.u32 s25;
	s29 =	sadd.s32 $0x400, s25  }
0x36: {  	[tilespmem:s19], [sflag:$0x2] =	stream.indirect.gather [hbm4b:s9+s17], $0x20, s26, s17, $0xb8;
	[tilespmem:$0x10B30] =	vst v63  }
0x37: {  	p1 =	sne.s32 s25, $0x13400;
	_ =	swait.ge [sflag:s20], $0x1000  }
0x38: {  	[sflag:s20] =	ssyncset.done $0x0  }
0x39: {  	s25 =	sadd.s32 $0x4E80, s24;
	[sflag:s20] =	ssyncadd.s32 $0xFFFFF000  }
0x3a: {  	[spmem:s2] =	stream.indirect.scatter.add.bf16 [tilespmem:s18], [sflag:$0x3], $0x20, s25, s17, $0xb8;
	[tilespmem:$0x10B30] =	vst v63  }
0x3b: {  	_ =	swait.ge [sflag:s14], $0x1000  }
0x3c: {  	[sflag:s14] =	ssyncset.done $0x0  }
0x3d: {  	s25 =	sadd.s32 $0x100, s24;
	[sflag:s14] =	ssyncadd.s32 $0xFFFFF000  }
0x3e: {  	[tilespmem:s18], [sflag:$0x1] =	stream.indirect.gather [hbm4b:s9+s17], $0x20, s25, s17, $0xb8;
	[tilespmem:$0x10B30] =	vst v63  }
0x3f: {  	_ =	swait.ge [sflag:s21], $0x1000  }
.Ltmp0:
0x40: {  	[sflag:s21] =	ssyncset.done $0x0;
	(pc) =	sbr.rel @p1 .LBB2_2-.Ltmp0, $4  }
0x41: {  	s24 =	sadd.s32 $0x4F00, s24;
	[sflag:s21] =	ssyncadd.s32 $0xFFFFF000  }
0x42: {  	[spmem:s2] =	stream.indirect.scatter.add.bf16 [tilespmem:s19], [sflag:$0x3], $0x20, s24, s17, $0xb8;
	[tilespmem:$0x10B30] =	vst v63  }
0x43: {  	_ =	swait.ge [sflag:s14], $0x1000  }
0x44: {  	s25 =	smov.u32 s29;
	s24 =	sshra.s32 s28, $0x2;
	[sflag:s14] =	ssyncset.done $0x0  }
0x45: {  	s25 =	sadd.s32 $0x80, s24;
	[sflag:s14] =	ssyncadd.s32 $0xFFFFF000  }
0x46: {  	[tilespmem:s19], [sflag:$0x2] =	stream.indirect.gather [hbm4b:s9+s17], $0x20, s25, s17, $0xb8;
	[tilespmem:$0x10B30] =	vst v63  }
0x47: {  	_ =	swait.ge [sflag:s20], $0x1000  }
0x48: {  	[sflag:s20] =	ssyncset.done $0x0  }
0x49: {  	s29 =	sadd.s32 $0x4E80, s24;
	[sflag:s20] =	ssyncadd.s32 $0xFFFFF000  }
0x4a: {  	[spmem:s2] =	stream.indirect.scatter.add.bf16 [tilespmem:s18], [sflag:$0x3], $0x20, s29, s17, $0xb8;
	[tilespmem:$0x10B30] =	vst v63  }
0x4b: {  	_ =	swait.ge [sflag:s14], $0x1000  }
0x4c: {  	[sflag:s14] =	ssyncset.done $0x0  }
0x4d: {  	s30 =	sadd.s32 $0x100, s24;
	[sflag:s14] =	ssyncadd.s32 $0xFFFFF000  }
0x4e: {  	[tilespmem:s18], [sflag:$0x1] =	stream.indirect.gather [hbm4b:s9+s17], $0x20, s30, s17, $0xb8;
	[tilespmem:$0x10B30] =	vst v63  }
0x4f: {  	_ =	swait.ge [sflag:s21], $0x1000  }
0x50: {  	[sflag:s21] =	ssyncset.done $0x0  }
0x51: {  	s31 =	sadd.s32 $0x4F00, s24;
	[sflag:s21] =	ssyncadd.s32 $0xFFFFF000  }
0x52: {  	[spmem:s2] =	stream.indirect.scatter.add.bf16 [tilespmem:s19], [sflag:$0x3], $0x20, s31, s17, $0xb8;
	[tilespmem:$0x10B30] =	vst v63  }
0x53: {  	_ =	swait.ge [sflag:s14], $0x1000  }
0x54: {  	[sflag:s14] =	ssyncset.done $0x0  }
0x55: {  	[sflag:s14] =	ssyncadd.s32 $0xFFFFF000  }
0x56: {  	_ =	swait.ge [sflag:s20], $0x1000  }
0x57: {  	[sflag:s20] =	ssyncset.done $0x0  }
0x58: {  	[sflag:s20] =	ssyncadd.s32 $0xFFFFF000  }
0x59: {  	[spmem:s2] =	stream.indirect.scatter.add.bf16 [tilespmem:s18], [sflag:$0x3], $0x20, s22, s17, $0xb8;
	[tilespmem:$0x10B30] =	vst v63  }
0x5a: {  	_ =	swait.ge [sflag:s14], $0x1000  }
0x5b: {  	[sflag:s14] =	ssyncset.done $0x0  }
0x5c: {  	[sflag:s14] =	ssyncadd.s32 $0xFFFFF000  }
0x5d: {  	[bflag:$0x0] =	sbarrier.arrive $0xFFFF  }
0x5e: {  	[hbm:s10], [sflag:s5] =	dma.local [spmem:s13], $0x9C0  }
0x5f: {  	s23 =	sadd.s32 $0x1, s23;
	_ =	swait.ge [sflag:s14], $0x9C0  }
0x60: {  	p1 =	sne.s32 s23, s12;
	[sflag:s14] =	ssyncset.done $0x0  }
.Ltmp1:
0x61: {  	s24 =	simm.s32 @!p0 $0x3;
	[sflag:s14] =	ssyncadd.s32 $0xFFFFF640;
	(pc) =	sbr.rel @p1 .LBB2_1-.Ltmp1, $4  }
0x62: {  	[hbm:s11], [sflag:s5] =	dma.local @!p0 [spmem:s15], $0x40  }
0x63: {  	_ =	swait.ge @!p0 [sflag:s24], $0x40  }
0x64: {  	[sflag:s24] =	ssyncset.done @!p0 $0x0  }
0x65: {  	[sflag:s24] =	ssyncadd.s32 @!p0 $0xFFFFFFC0  }
0x66: {  	_ =	sfence.sel $0x180000  }
0x67: {  	[bflag:$0x0] =	sbarrier.arrive $0xFFFF  }
0x68: {  	p0 =	sne.s32 s0, $0x0;
	_ =	strace $0x9000004A  }
0x69: {  	s0 =	sadd.s32 @!p0 $0x100000, s1;
	[bflag:$0x2] =	sbarrier.arrive $0xFFFF  }
0x6a: {  	[sflag:s0] =	ssyncadd.tile.s32 @!p0 $0x1;
	_ =	shalt  }
.Lfunc_end2:
_tile_overlayer_lowered:
.L_overlay_start_2:
0x6b: {  	(tag) =	ssettag $0x2  }
0x6c: {  	s0 =	rddreg [dreg:$0x0];
	s2 =	stileid.u32  }
0x6d: {  	s1 =	rddreg [dreg:$0x1];
	p0 =	sne.s32 s2, $0x0  }
0x6e: {  	s3 =	rddreg [dreg:$0x2];
	[bflag:$0x3] =	sbarrier.arrive $0xFFFF;
	s2 =	simm.s32 @!p0 $0x1C03  }
0x6f: {  	[timem:s3], [sflag:s2] =	dma.local @!p0 [hbm:s0], s1  }
0x70: {  	s0 =	simm.s32 @!p0 $0x3  }
0x71: {  	_ =	swait.ge @!p0 [sflag:s0], s1  }
0x72: {  	s1 =	ssub.s32 @!p0 $0x0, s1;
	[sflag:s0] =	ssyncset.done @!p0 $0x0  }
0x73: {  	[sflag:s0] =	ssyncadd.s32 @!p0 s1  }
0x74: {  	[bflag:$0x3] =	sbarrier.arrive $0xFFFF  }
0x75: {  	_ =	shalt  }

// kernel: kernel.15.cloned.1.call-start
scs
__scs_entry_jumppad:
0x0: {  	(pc) =	sbr.rel $0x88, $3  }
0x1: {  	(tag) =	ssettag $0x0;
	lr =	simm.s32 $0x1  }
0x2: {  	[smem:$0x3F94] =	sst lr;
	_ =	strace $0xD0000000  }
0x3: {  	_ = 	snop  }
0x4: {  	_ = 	snop  }
0x5: {  	_ = 	snop  }
0x6: {  	_ = 	snop  }
0x7: {  	_ = 	snop  }
__scs_overlays_trampoline_lowered:
0x8: {  	[smem:$0x3FA3] =	sst s0  }
0x9: {  	[smem:$0x3FA4] =	sst s1  }
0xa: {  	[smem:$0x3FA5] =	sst s2  }
0xb: {  	[smem:$0x3FA6] =	sst s3  }
0xc: {  	[smem:$0x3FA7] =	sst s4  }
0xd: {  	[smem:$0x3FA8] =	sst s5  }
0xe: {  	[smem:$0x3FA9] =	sst s6  }
0xf: {  	[smem:$0x3FAA] =	sst s7  }
0x10: {  	[smem:$0x3FAB] =	sst s8  }
0x11: {  	[smem:$0x3FAC] =	sst s9;
	s0 =	simm.s32 @!p0 $0x0  }
0x12: {  	s1 =	sld [smem:$0x3F92];
	s0 =	simm.s32 @p0 $0x1  }
0x13: {  	[smem:$0x3FAD] =	sst s0;
	s0 =	simm.s32 @!p1 $0x0  }
0x14: {  	s2 =	sld [smem:$0x3F91];
	s0 =	simm.s32 @p1 $0x1  }
0x15: {  	[smem:$0x3FAE] =	sst s0;
	s0 =	simm.s32 @!p2 $0x0  }
0x16: {  	s3 =	sld [smem:$0x3FDB];
	s0 =	simm.s32 @p2 $0x1  }
0x17: {  	s4 =	simm.s32 $0x1BF5;
	[smem:$0x3FB0] =	sst s0  }
0x18: {  	s0 =	sld [smem:$0x3F93];
	_ =	swait.ge [sflag:s4], $0x0  }
0x19: {  	s7 =	sld [smem:$0x3F94]  }
0x1a: {  	s8 =	sadd.s32 $0xFFFFE003, lr  }
0x1b: {  	s9 =	sadd.s32 $0xFFFFFEF7, lr;
	s5 =	simm.s32 $0xFFFFFFFF;
	p2 =	slt.u32 s8, $0xFFFFF086  }
0x1c: {  	p1 =	slt.u32 s9, $0xF7A;
	s5 =	simm.s32 @!p2 $0x0  }
0x1d: {  	s5 =	simm.s32 @p1 $0x1;
	p0 =	seq.s32 s7, s2  }
0x1e: {  	s7 =	smul.u32 @!p0 $0xF7A, s2;
	p2 =	seq.s32 @!p0 s5, $0x0  }
0x1f: {  	s9 =	smul.u32 $0xF7A, s1;
	s8 =	simm.s32 @!p0 $0x1BF5;
	p2 =	por !p2, p0  }
0x20: {  	[sflag:s8] =	ssyncset.s32 @!p0 $0xFFFFF086;
	s6 =	sadd.s32 @!p0 s3, s7;
	s7 =	simm.s32 @!p0 $0x108  }
0x21: {  	s3 =	sadd.s32 s3, s9;
	s6 =	sadd.s32 @!p0 $0x88, s6;
	s7 =	simm.s32 @p2 $0x1082  }
0x22: {  	[simem:s7], [sflag:s8] =	dma.local @!p0 [hbm:s6], $0xF7A  }
0x23: {  	s9 =	sor.u32 $0xD0000000, s2;
	s6 =	simm.s32 $0x108;
	_ =	swait.ge @!p0 [sflag:s8], $0x0  }
0x24: {  	s3 =	sadd.s32 $0x88, s3;
	s6 =	simm.s32 @!p1 $0x1082;
	[sflag:s4] =	ssyncset.s32 $0xFFFFF086  }
0x25: {  	[simem:s6], [sflag:s4] =	dma.local [hbm:s3], $0xF7A  }
0x26: {  	[smem:$0x3F94] =	sst s1;
	(tag) =	ssettag s2;
	_ =	strace s9  }
0x27: {  	s1 =	sld [smem:$0x3FA4]  }
0x28: {  	s2 =	sld [smem:$0x3FA5]  }
0x29: {  	s4 =	sld [smem:$0x3FA7]  }
0x2a: {  	p0 =	seq.s32 s5, $0x0;
	s5 =	sld [smem:$0x3FA8]  }
0x2b: {  	s6 =	sld [smem:$0x3FA9]  }
0x2c: {  	s7 =	sld [smem:$0x3FAA]  }
0x2d: {  	s3 =	simm.s32 $0x108;
	s8 =	sld [smem:$0x3FAB]  }
0x2e: {  	s3 =	simm.s32 @!p0 $0x1082;
	s9 =	sld [smem:$0x3FAC]  }
0x2f: {  	lr =	sadd.s32 s0, s3;
	s0 =	sld [smem:$0x3FA3]  }
0x30: {  	s3 =	sld [smem:$0x3FA6]  }
0x31: {  	[smem:$0x3FAF] =	sst s10  }
0x32: {  	s10 =	sld [smem:$0x3FAD];
	_ =	sdelay $0x3  }
0x33: {  	p0 =	seq.s32 s10, $0x1;
	s10 =	sld [smem:$0x3FAF];
	_ =	sdelay $0x3  }
0x34: {  	[smem:$0x3FAF] =	sst s10  }
0x35: {  	s10 =	sld [smem:$0x3FAE];
	_ =	sdelay $0x3  }
0x36: {  	p1 =	seq.s32 s10, $0x1;
	s10 =	sld [smem:$0x3FAF];
	_ =	sdelay $0x3  }
0x37: {  	[smem:$0x3FAF] =	sst s10  }
0x38: {  	s10 =	sld [smem:$0x3FB0]  }
0x39: {  	_ = 	snop;
	(pc) =	sbr.ind lr, $3  }
0x3a: {  	_ = 	snop  }
0x3b: {  	_ = 	snop  }
0x3c: {  	p2 =	seq.s32 s10, $0x1;
	s10 =	sld [smem:$0x3FAF]  }
0x3d: {  	_ =	shalt  }
0x3e: {  	_ =	shalt  }
0x3f: {  	_ =	shalt  }
0x40: {  	_ =	shalt  }
0x41: {  	_ =	shalt  }
0x42: {  	_ =	shalt  }
0x43: {  	_ =	shalt  }
0x44: {  	_ =	shalt  }
0x45: {  	_ =	shalt  }
0x46: {  	_ =	shalt  }
0x47: {  	_ =	shalt  }
0x48: {  	_ =	shalt  }
0x49: {  	_ =	shalt  }
0x4a: {  	_ =	shalt  }
0x4b: {  	_ =	shalt  }
0x4c: {  	_ =	shalt  }
0x4d: {  	_ =	shalt  }
0x4e: {  	_ =	shalt  }
0x4f: {  	_ =	shalt  }
0x50: {  	_ =	shalt  }
0x51: {  	_ =	shalt  }
0x52: {  	_ =	shalt  }
0x53: {  	_ =	shalt  }
0x54: {  	_ =	shalt  }
0x55: {  	_ =	shalt  }
0x56: {  	_ =	shalt  }
0x57: {  	_ =	shalt  }
0x58: {  	_ =	shalt  }
0x59: {  	_ =	shalt  }
0x5a: {  	_ =	shalt  }
0x5b: {  	_ =	shalt  }
0x5c: {  	_ =	shalt  }
0x5d: {  	_ =	shalt  }
0x5e: {  	_ =	shalt  }
0x5f: {  	_ =	shalt  }
0x60: {  	_ =	shalt  }
0x61: {  	_ =	shalt  }
0x62: {  	_ =	shalt  }
0x63: {  	_ =	shalt  }
0x64: {  	_ =	shalt  }
0x65: {  	_ =	shalt  }
0x66: {  	_ =	shalt  }
0x67: {  	_ =	shalt  }
0x68: {  	_ =	shalt  }
0x69: {  	_ =	shalt  }
0x6a: {  	_ =	shalt  }
0x6b: {  	_ =	shalt  }
0x6c: {  	_ =	shalt  }
0x6d: {  	_ =	shalt  }
0x6e: {  	_ =	shalt  }
0x6f: {  	_ =	shalt  }
0x70: {  	_ =	shalt  }
0x71: {  	_ =	shalt  }
0x72: {  	_ =	shalt  }
0x73: {  	_ =	shalt  }
0x74: {  	_ =	shalt  }
0x75: {  	_ =	shalt  }
0x76: {  	_ =	shalt  }
0x77: {  	_ =	shalt  }
0x78: {  	_ =	shalt  }
0x79: {  	_ =	shalt  }
0x7a: {  	_ =	shalt  }
0x7b: {  	_ =	shalt  }
0x7c: {  	_ =	shalt  }
0x7d: {  	_ =	shalt  }
0x7e: {  	_ =	shalt  }
0x7f: {  	_ =	shalt  }
0x80: {  	_ =	shalt  }
0x81: {  	_ =	shalt  }
0x82: {  	_ =	shalt  }
0x83: {  	_ =	shalt  }
0x84: {  	_ =	shalt  }
0x85: {  	_ =	shalt  }
0x86: {  	_ =	shalt  }
0x87: {  	_ =	shalt  }
.Lfunc_end0:
.L_simem_size_0:
called_computation.2_lowered:
.L_overlay_start_0:
0x88: {  	s2 =	sld [smem:$0x3FD9]  }
0x89: {  	s3 =	sld [smem:$0x3FFE];
	_ =	sdelay $0x1  }
0x8a: {  	s1 =	srdreg.scid  }
0x8b: {  	s0 =	sand.u32 $0x1, s1  }
0x8c: {  	s16 =	sshll.u32 s0, $0xA;
	s2 =	sadd.s32 s3, s2  }
0x8d: {  	s2 =	sadd.s32 s2, s16  }
0x8e: {  	[smem:$0x3FBB] =	sst s2  }
0x8f: {  	_ = 	snop  }
0x90: {  	(tm) =	ssettm $0x1  }
0x91: {  	s17 =	sld [smem:$0x3FFB];
	_ =	sdelay $0x3  }
0x92: {  	_ =	strace s17  }
0x93: {  	s2 =	sld [smem:$0x3FFC];
	_ =	sdelay $0x3  }
0x94: {  	_ =	strace s2  }
0x95: {  	s2 =	sld [smem:$0x3FFD];
	_ =	sdelay $0x3  }
0x96: {  	_ =	strace s2  }
0x97: {  	_ =	strace $0x8FFFFFFF  }
0x98: {  	s18 =	sld [smem:$0x3FDB];
	_ =	sdelay $0x1  }
0x99: {  	s19 =	simm.s32 $_scs_section_size  }
0x9a: {  	s4 =	simm.s32 $_size__tile_overlayer_lowered;
	s5 =	simm.s32 $_tile_overlayer_lowered  }
0x9b: {  	s22 =	simm.s32 $0x1BFF;
	s21 =	sshll.u32 s5, $0x1;
	s2 =	sadd.s32 s19, s18  }
0x9c: {  	s6 =	simm.s32 $0x0;
	s20 =	sshll.u32 s4, $0x1;
	s4 =	sadd.s32 s21, s2  }
0x9d: {  	[timem:s6], [sflag:s22] =	dma.local [hbm:s4], s20  }
0x9e: {  	_ =	swait.ge [sflag:s22], s20  }
0x9f: {  	s3 =	ssub.s32 $0x0, s20;
	[sflag:s22] =	ssyncset.done $0x0  }
0xa0: {  	[sflag:s22] =	ssyncadd.s32 s3;
	_ =	sdelay $0x1  }
0xa1: {  	s23 =	simm.s32 $0x1B8B  }
0xa2: {  	_ =	swait.ge [sflag:s23], $0x1  }
0xa3: {  	[sflag:s23] =	ssyncset.done $0x0  }
0xa4: {  	s25 =	simm.s32 $0x1B8E;
	s24 =	sld [smem:$0x3FFE];
	[sflag:s23] =	ssyncadd.s32 $0xFFFFFFFF  }
0xa5: {  	s26 =	simm.s32 $execute0_lowered;
	[smem:$0x3FD2] =	sst s25  }
0xa6: {  	s4 =	sshll.u32 s26, $0x1;
	_ =	strace $0x8000004C;
	[dreg:$0x1] =	wrdreg $0xFFFFFFFF  }
0xa7: {  	s28 =	simm.s32 $_size_execute0_lowered;
	s2 =	sadd.s32 s2, s4;
	[dreg:$0x0] =	wrdreg $0x0  }
0xa8: {  	s4 =	sshll.u32 s28, $0x1;
	[dreg:$0x2] =	wrdreg s2  }
0xa9: {  	[dreg:$0x3] =	wrdreg s4  }
0xaa: {  	[dreg:$0x4] =	wrdreg $0xC0  }
0xab: {  	_ =	task [dreg:s6], $0x5FFFF  }
0xac: {  	[dreg:$0x1] =	wrdreg $0xFFFFFFFF  }
0xad: {  	[dreg:$0x0] =	wrdreg $0x60  }
0xae: {  	[dreg:$0x2] =	wrdreg s24  }
0xaf: {  	[dreg:$0x3] =	wrdreg $0xBD000  }
0xb0: {  	[dreg:$0x4] =	wrdreg $0x9  }
0xb1: {  	_ =	task.clear_ibuf [dreg:s6], $0x5FFFF;
	_ =	strace $0x9000004C  }
0xb2: {  	s29 =	simm.s32 $0x9;
	_ =	strace $0x8000004E  }
0xb3: {  	_ =	swait.ge [sflag:s29], $0x1  }
0xb4: {  	[sflag:s29] =	ssyncadd.s32 $0xFFFFFFFF  }
0xb5: {  	_ =	strace $0x9000004E  }
0xb6: {  	_ =	sfence  }
0xb7: {  	s30 =	sld [smem:$0x0];
	_ =	sdelay $0x2  }
0xb8: {  	s31 =	sshll.u32 s1, $0xD;
	s1 =	sshrl.u32 s1, $0x2  }
0xb9: {  	s3 =	sand.u32 $0x4000, s31;
	s1 =	sadd.s32 s1, s30  }
0xba: {  	s0 =	sor.u32 s3, s0;
	s1 =	sshll.u32 s1, $0x11  }
0xbb: {  	s0 =	sor.u32 s1, s0  }
0xbc: {  	s0 =	sadd.s32 $0x8F2B, s0  }
0xbd: {  	[sflag:s0] =	ssyncadd.remote.s32 $0x1  }
0xbe: {  	_ =	sfence.sel $0xFFFF  }
0xbf: {  	[dreg:$0x0] =	wrdreg $0xFFFFFFFF;
	(pc) =	sbr.abs _section_cstart, $3  }
0xc0: {  	[dreg:$0x1] =	wrdreg $0xFFFFFFFF  }
0xc1: {  	_ =	task.clear_ibuf [dreg:s6], $0x2FFFF;
	_ =	strace $0x9FFFFFFF  }
0xc2: {  	(tm) =	ssettm $0x7FFFFFFF  }
0xc3: {  	_ =	shalt  }
tec
execute0_lowered:
.L_overlay_start_1:
0x0: {  	(tag) =	ssettag $0x1  }
0x1: {  	s6 =	rddreg [dreg:$0x0];
	s0 =	stileid.u32  }
0x2: {  	s1 =	srdreg.scid;
	s2 =	rddreg [dreg:$0x1]  }
0x3: {  	s3 =	simm.s32 $0x0;
	s17 =	simm.s32 $0x80;
	s18 =	simm.s32 $0x9D00  }
0x4: {  	s19 =	simm.s32 $0xAD00;
	s20 =	simm.s32 $0x1;
	s21 =	simm.s32 $0x2  }
0x5: {  	s22 =	simm.s32 $0x9C80;
	s5 =	sand.u32 $0x1, s1;
	s1 =	rddreg [dreg:$0x2]  }
0x6: {  	s23 =	simm.s32 $0x0;
	s4 =	smul.u32 $0x9D0, s0;
	[smem:$0x7FF] =	sst s3  }
0x7: {  	s10 =	smul.u32 $0x9C00, s0;
	s13 =	sadd.s32 $0x34400, s6;
	s31 =	sshll.u32 s0, $0x6  }
0x8: {  	s16 =	sadd.s32 $0x4E000, s2;
	p0 =	sne.s32 s0, $0xF;
	s9 =	smul.u32 $0x9C400, s5  }
0x9: {  	_ =	strace $0x8000004D;
	s5 =	ssub.s32 $0x2, s5;
	s8 =	sadd.s32 s4, s6  }
0xa: {  	s29 =	sshrl.u32 s10, $0x4;
	s7 =	sshrl.u32 s5, $0x1;
	s30 =	sshrl.u32 s10, $0x1  }
0xb: {  	s11 =	sshrl.u32 s9, $0x4;
	s4 =	sadd.s32 s29, s6;
	s14 =	ssub.s32 s5, s7  }
0xc: {  	s15 =	sadd.s32 s30, s2;
	s5 =	sor.u32 $0x1C03, s31;
	s7 =	sadd.s32 $0x2A600, s8  }
0xd: {  	s8 =	sadd.s32 $0x20800, s8;
	s10 =	sadd.s32 s10, s9;
	s12 =	sadd.s32 s11, s6  }
0xe: {  	s4 =	sadd.s32 $0x3000, s4;
	s6 =	sadd.s32 $0xCC00, s6;
	s10 =	sshrl.u32 s10, $0x4  }
0xf: {  	s11 =	sadd.s32 s13, s11;
	s9 =	sadd.s32 $0xCE00, s12;
	s10 =	sadd.s32 s13, s10  }
0x10: {  	s11 =	sadd.s32 $0x9C00, s11;
	s12 =	smax.u32 s14, $0x1;
	s13 =	sshrl.u32 s15, $0x3  }
0x11: {  	s14 =	simm.s32 $0x3;
	s15 =	sshrl.u32 @!p0 s16, $0x3;
	s16 =	simm.s32 $0x4E80  }
.LBB2_1:
0x12: {  	[spmem:s13], [sflag:s5] =	dma.local [hbm:s4], $0x9C0  }
0x13: {  	_ =	swait.ge [sflag:s14], $0x9C0  }
0x14: {  	[sflag:s14] =	ssyncset.done $0x0  }
0x15: {  	s24 =	simm.s32 @!p0 $0x3;
	[sflag:s14] =	ssyncadd.s32 $0xFFFFF640  }
0x16: {  	[spmem:s15], [sflag:s5] =	dma.local @!p0 [hbm:s6], $0x60  }
0x17: {  	_ =	swait.ge @!p0 [sflag:s24], $0x60  }
0x18: {  	[sflag:s24] =	ssyncset.done @!p0 $0x0  }
0x19: {  	[sflag:s24] =	ssyncadd.s32 @!p0 $0xFFFFFFA0  }
0x1a: {  	[tilespmem:s3], [sflag:$0x3] =	stream.linear.gather [hbm4b:s7+s3], $0x4E80, $0x38;
	[tilespmem:$0x10B30] =	vst v63  }
0x1b: {  	_ =	swait.ge [sflag:s14], $0x4E80  }
0x1c: {  	[sflag:s14] =	ssyncset.done $0x0  }
0x1d: {  	[sflag:s14] =	ssyncadd.s32 $0xFFFFB180  }
0x1e: {  	[tilespmem:s16], [sflag:$0x3] =	stream.linear.gather [hbm4b:s8+s3], $0x4E80, $0x38;
	[tilespmem:$0x10B30] =	vst v63  }
0x1f: {  	_ =	swait.ge [sflag:s14], $0x4E80  }
0x20: {  	[sflag:s14] =	ssyncset.done $0x0  }
0x21: {  	[sflag:s14] =	ssyncadd.s32 $0xFFFFB180  }
0x22: {  	[bflag:$0x0] =	sbarrier.arrive $0xFFFF  }
0x23: {  	[tilespmem:s18], [sflag:$0x1] =	stream.indirect.gather [hbm4b:s9+s17], $0x20, s3, s17, $0xb8;
	[tilespmem:$0x10B30] =	vst v63  }
0x24: {  	s28 =	simm.s32 $0x80  }
0x25: {  	[tilespmem:s19], [sflag:$0x2] =	stream.indirect.gather [hbm4b:s9+s17], $0x20, s28, s17, $0xb8;
	[tilespmem:$0x10B30] =	vst v63  }
0x26: {  	_ =	swait.ge [sflag:s20], $0x1000  }
0x27: {  	[sflag:s20] =	ssyncset.done $0x0  }
0x28: {  	s29 =	simm.s32 $0x4E80;
	[sflag:s20] =	ssyncadd.s32 $0xFFFFF000  }
0x29: {  	[spmem:s2] =	stream.indirect.scatter.add.bf16 [tilespmem:s18], [sflag:$0x3], $0x20, s29, s17, $0xb8;
	[tilespmem:$0x10B30] =	vst v63  }
0x2a: {  	_ =	swait.ge [sflag:s14], $0x1000  }
0x2b: {  	[sflag:s14] =	ssyncset.done $0x0  }
0x2c: {  	s30 =	simm.s32 $0x100;
	[sflag:s14] =	ssyncadd.s32 $0xFFFFF000  }
0x2d: {  	[tilespmem:s18], [sflag:$0x1] =	stream.indirect.gather [hbm4b:s9+s17], $0x20, s30, s17, $0xb8;
	[tilespmem:$0x10B30] =	vst v63  }
0x2e: {  	_ =	swait.ge [sflag:s21], $0x1000  }
0x2f: {  	[sflag:s21] =	ssyncset.done $0x0  }
0x30: {  	s31 =	simm.s32 $0x4F00;
	[sflag:s21] =	ssyncadd.s32 $0xFFFFF000  }
0x31: {  	[spmem:s2] =	stream.indirect.scatter.add.bf16 [tilespmem:s19], [sflag:$0x3], $0x20, s31, s17, $0xb8;
	[tilespmem:$0x10B30] =	vst v63  }
0x32: {  	_ =	swait.ge [sflag:s14], $0x1000  }
0x33: {  	s25 =	simm.s32 $0x800;
	s24 =	simm.s32 $0x100;
	[sflag:s14] =	ssyncset.done $0x0  }
.LBB2_2:
0x34: {  	s26 =	sadd.s32 $0x80, s24  }
0x35: {  	[sflag:s14] =	ssyncadd.s32 $0xFFFFF000;
	s28 =	smov.u32 s25;
	s29 =	sadd.s32 $0x400, s25  }
0x36: {  	[tilespmem:s19], [sflag:$0x2] =	stream.indirect.gather [hbm4b:s9+s17], $0x20, s26, s17, $0xb8;
	[tilespmem:$0x10B30] =	vst v63  }
0x37: {  	p1 =	sne.s32 s25, $0x13400;
	_ =	swait.ge [sflag:s20], $0x1000  }
0x38: {  	[sflag:s20] =	ssyncset.done $0x0  }
0x39: {  	s25 =	sadd.s32 $0x4E80, s24;
	[sflag:s20] =	ssyncadd.s32 $0xFFFFF000  }
0x3a: {  	[spmem:s2] =	stream.indirect.scatter.add.bf16 [tilespmem:s18], [sflag:$0x3], $0x20, s25, s17, $0xb8;
	[tilespmem:$0x10B30] =	vst v63  }
0x3b: {  	_ =	swait.ge [sflag:s14], $0x1000  }
0x3c: {  	[sflag:s14] =	ssyncset.done $0x0  }
0x3d: {  	s25 =	sadd.s32 $0x100, s24;
	[sflag:s14] =	ssyncadd.s32 $0xFFFFF000  }
0x3e: {  	[tilespmem:s18], [sflag:$0x1] =	stream.indirect.gather [hbm4b:s9+s17], $0x20, s25, s17, $0xb8;
	[tilespmem:$0x10B30] =	vst v63  }
0x3f: {  	_ =	swait.ge [sflag:s21], $0x1000  }
.Ltmp0:
0x40: {  	[sflag:s21] =	ssyncset.done $0x0;
	(pc) =	sbr.rel @p1 .LBB2_2-.Ltmp0, $4  }
0x41: {  	s24 =	sadd.s32 $0x4F00, s24;
	[sflag:s21] =	ssyncadd.s32 $0xFFFFF000  }
0x42: {  	[spmem:s2] =	stream.indirect.scatter.add.bf16 [tilespmem:s19], [sflag:$0x3], $0x20, s24, s17, $0xb8;
	[tilespmem:$0x10B30] =	vst v63  }
0x43: {  	_ =	swait.ge [sflag:s14], $0x1000  }
0x44: {  	s25 =	smov.u32 s29;
	s24 =	sshra.s32 s28, $0x2;
	[sflag:s14] =	ssyncset.done $0x0  }
0x45: {  	s25 =	sadd.s32 $0x80, s24;
	[sflag:s14] =	ssyncadd.s32 $0xFFFFF000  }
0x46: {  	[tilespmem:s19], [sflag:$0x2] =	stream.indirect.gather [hbm4b:s9+s17], $0x20, s25, s17, $0xb8;
	[tilespmem:$0x10B30] =	vst v63  }
0x47: {  	_ =	swait.ge [sflag:s20], $0x1000  }
0x48: {  	[sflag:s20] =	ssyncset.done $0x0  }
0x49: {  	s29 =	sadd.s32 $0x4E80, s24;
	[sflag:s20] =	ssyncadd.s32 $0xFFFFF000  }
0x4a: {  	[spmem:s2] =	stream.indirect.scatter.add.bf16 [tilespmem:s18], [sflag:$0x3], $0x20, s29, s17, $0xb8;
	[tilespmem:$0x10B30] =	vst v63  }
0x4b: {  	_ =	swait.ge [sflag:s14], $0x1000  }
0x4c: {  	[sflag:s14] =	ssyncset.done $0x0  }
0x4d: {  	s30 =	sadd.s32 $0x100, s24;
	[sflag:s14] =	ssyncadd.s32 $0xFFFFF000  }
0x4e: {  	[tilespmem:s18], [sflag:$0x1] =	stream.indirect.gather [hbm4b:s9+s17], $0x20, s30, s17, $0xb8;
	[tilespmem:$0x10B30] =	vst v63  }
0x4f: {  	_ =	swait.ge [sflag:s21], $0x1000  }
0x50: {  	[sflag:s21] =	ssyncset.done $0x0  }
0x51: {  	s31 =	sadd.s32 $0x4F00, s24;
	[sflag:s21] =	ssyncadd.s32 $0xFFFFF000  }
0x52: {  	[spmem:s2] =	stream.indirect.scatter.add.bf16 [tilespmem:s19], [sflag:$0x3], $0x20, s31, s17, $0xb8;
	[tilespmem:$0x10B30] =	vst v63  }
0x53: {  	_ =	swait.ge [sflag:s14], $0x1000  }
0x54: {  	[sflag:s14] =	ssyncset.done $0x0  }
0x55: {  	[sflag:s14] =	ssyncadd.s32 $0xFFFFF000  }
0x56: {  	_ =	swait.ge [sflag:s20], $0x1000  }
0x57: {  	[sflag:s20] =	ssyncset.done $0x0  }
0x58: {  	[sflag:s20] =	ssyncadd.s32 $0xFFFFF000  }
0x59: {  	[spmem:s2] =	stream.indirect.scatter.add.bf16 [tilespmem:s18], [sflag:$0x3], $0x20, s22, s17, $0xb8;
	[tilespmem:$0x10B30] =	vst v63  }
0x5a: {  	_ =	swait.ge [sflag:s14], $0x1000  }
0x5b: {  	[sflag:s14] =	ssyncset.done $0x0  }
0x5c: {  	[sflag:s14] =	ssyncadd.s32 $0xFFFFF000  }
0x5d: {  	[bflag:$0x0] =	sbarrier.arrive $0xFFFF  }
0x5e: {  	[hbm:s10], [sflag:s5] =	dma.local [spmem:s13], $0x9C0  }
0x5f: {  	s23 =	sadd.s32 $0x1, s23;
	_ =	swait.ge [sflag:s14], $0x9C0  }
0x60: {  	p1 =	sne.s32 s23, s12;
	[sflag:s14] =	ssyncset.done $0x0  }
.Ltmp1:
0x61: {  	s24 =	simm.s32 @!p0 $0x3;
	[sflag:s14] =	ssyncadd.s32 $0xFFFFF640;
	(pc) =	sbr.rel @p1 .LBB2_1-.Ltmp1, $4  }
0x62: {  	[hbm:s11], [sflag:s5] =	dma.local @!p0 [spmem:s15], $0x40  }
0x63: {  	_ =	swait.ge @!p0 [sflag:s24], $0x40  }
0x64: {  	[sflag:s24] =	ssyncset.done @!p0 $0x0  }
0x65: {  	[sflag:s24] =	ssyncadd.s32 @!p0 $0xFFFFFFC0  }
0x66: {  	_ =	sfence.sel $0x180000  }
0x67: {  	[bflag:$0x0] =	sbarrier.arrive $0xFFFF  }
0x68: {  	p0 =	sne.s32 s0, $0x0;
	_ =	strace $0x9000004D  }
0x69: {  	s0 =	sadd.s32 @!p0 $0x100000, s1;
	[bflag:$0x2] =	sbarrier.arrive $0xFFFF  }
0x6a: {  	[sflag:s0] =	ssyncadd.tile.s32 @!p0 $0x1;
	_ =	shalt  }
.Lfunc_end2:
_tile_overlayer_lowered:
.L_overlay_start_2:
0x6b: {  	(tag) =	ssettag $0x2  }
0x6c: {  	s0 =	rddreg [dreg:$0x0];
	s2 =	stileid.u32  }
0x6d: {  	s1 =	rddreg [dreg:$0x1];
	p0 =	sne.s32 s2, $0x0  }
0x6e: {  	s3 =	rddreg [dreg:$0x2];
	[bflag:$0x3] =	sbarrier.arrive $0xFFFF;
	s2 =	simm.s32 @!p0 $0x1C03  }
0x6f: {  	[timem:s3], [sflag:s2] =	dma.local @!p0 [hbm:s0], s1  }
0x70: {  	s0 =	simm.s32 @!p0 $0x3  }
0x71: {  	_ =	swait.ge @!p0 [sflag:s0], s1  }
0x72: {  	s1 =	ssub.s32 @!p0 $0x0, s1;
	[sflag:s0] =	ssyncset.done @!p0 $0x0  }
0x73: {  	[sflag:s0] =	ssyncadd.s32 @!p0 s1  }
0x74: {  	[bflag:$0x3] =	sbarrier.arrive $0xFFFF  }
0x75: {  	_ =	shalt  }

// kernel: kernel.9.cloned.1.call-start
scs
__scs_entry_jumppad:
0x0: {  	(pc) =	sbr.rel $0x88, $3  }
0x1: {  	(tag) =	ssettag $0x0;
	lr =	simm.s32 $0x1  }
0x2: {  	[smem:$0x3F94] =	sst lr;
	_ =	strace $0xD0000000  }
0x3: {  	_ = 	snop  }
0x4: {  	_ = 	snop  }
0x5: {  	_ = 	snop  }
0x6: {  	_ = 	snop  }
0x7: {  	_ = 	snop  }
__scs_overlays_trampoline_lowered:
0x8: {  	[smem:$0x3FA3] =	sst s0  }
0x9: {  	[smem:$0x3FA4] =	sst s1  }
0xa: {  	[smem:$0x3FA5] =	sst s2  }
0xb: {  	[smem:$0x3FA6] =	sst s3  }
0xc: {  	[smem:$0x3FA7] =	sst s4  }
0xd: {  	[smem:$0x3FA8] =	sst s5  }
0xe: {  	[smem:$0x3FA9] =	sst s6  }
0xf: {  	[smem:$0x3FAA] =	sst s7  }
0x10: {  	[smem:$0x3FAB] =	sst s8  }
0x11: {  	[smem:$0x3FAC] =	sst s9;
	s0 =	simm.s32 @!p0 $0x0  }
0x12: {  	s1 =	sld [smem:$0x3F92];
	s0 =	simm.s32 @p0 $0x1  }
0x13: {  	[smem:$0x3FAD] =	sst s0;
	s0 =	simm.s32 @!p1 $0x0  }
0x14: {  	s2 =	sld [smem:$0x3F91];
	s0 =	simm.s32 @p1 $0x1  }
0x15: {  	[smem:$0x3FAE] =	sst s0;
	s0 =	simm.s32 @!p2 $0x0  }
0x16: {  	s3 =	sld [smem:$0x3FDB];
	s0 =	simm.s32 @p2 $0x1  }
0x17: {  	s4 =	simm.s32 $0x1BF5;
	[smem:$0x3FB0] =	sst s0  }
0x18: {  	s0 =	sld [smem:$0x3F93];
	_ =	swait.ge [sflag:s4], $0x0  }
0x19: {  	s7 =	sld [smem:$0x3F94]  }
0x1a: {  	s8 =	sadd.s32 $0xFFFFE003, lr  }
0x1b: {  	s9 =	sadd.s32 $0xFFFFFEF7, lr;
	s5 =	simm.s32 $0xFFFFFFFF;
	p2 =	slt.u32 s8, $0xFFFFF086  }
0x1c: {  	p1 =	slt.u32 s9, $0xF7A;
	s5 =	simm.s32 @!p2 $0x0  }
0x1d: {  	s5 =	simm.s32 @p1 $0x1;
	p0 =	seq.s32 s7, s2  }
0x1e: {  	s7 =	smul.u32 @!p0 $0xF7A, s2;
	p2 =	seq.s32 @!p0 s5, $0x0  }
0x1f: {  	s9 =	smul.u32 $0xF7A, s1;
	s8 =	simm.s32 @!p0 $0x1BF5;
	p2 =	por !p2, p0  }
0x20: {  	[sflag:s8] =	ssyncset.s32 @!p0 $0xFFFFF086;
	s6 =	sadd.s32 @!p0 s3, s7;
	s7 =	simm.s32 @!p0 $0x108  }
0x21: {  	s3 =	sadd.s32 s3, s9;
	s6 =	sadd.s32 @!p0 $0x88, s6;
	s7 =	simm.s32 @p2 $0x1082  }
0x22: {  	[simem:s7], [sflag:s8] =	dma.local @!p0 [hbm:s6], $0xF7A  }
0x23: {  	s9 =	sor.u32 $0xD0000000, s2;
	s6 =	simm.s32 $0x108;
	_ =	swait.ge @!p0 [sflag:s8], $0x0  }
0x24: {  	s3 =	sadd.s32 $0x88, s3;
	s6 =	simm.s32 @!p1 $0x1082;
	[sflag:s4] =	ssyncset.s32 $0xFFFFF086  }
0x25: {  	[simem:s6], [sflag:s4] =	dma.local [hbm:s3], $0xF7A  }
0x26: {  	[smem:$0x3F94] =	sst s1;
	(tag) =	ssettag s2;
	_ =	strace s9  }
0x27: {  	s1 =	sld [smem:$0x3FA4]  }
0x28: {  	s2 =	sld [smem:$0x3FA5]  }
0x29: {  	s4 =	sld [smem:$0x3FA7]  }
0x2a: {  	p0 =	seq.s32 s5, $0x0;
	s5 =	sld [smem:$0x3FA8]  }
0x2b: {  	s6 =	sld [smem:$0x3FA9]  }
0x2c: {  	s7 =	sld [smem:$0x3FAA]  }
0x2d: {  	s3 =	simm.s32 $0x108;
	s8 =	sld [smem:$0x3FAB]  }
0x2e: {  	s3 =	simm.s32 @!p0 $0x1082;
	s9 =	sld [smem:$0x3FAC]  }
0x2f: {  	lr =	sadd.s32 s0, s3;
	s0 =	sld [smem:$0x3FA3]  }
0x30: {  	s3 =	sld [smem:$0x3FA6]  }
0x31: {  	[smem:$0x3FAF] =	sst s10  }
0x32: {  	s10 =	sld [smem:$0x3FAD];
	_ =	sdelay $0x3  }
0x33: {  	p0 =	seq.s32 s10, $0x1;
	s10 =	sld [smem:$0x3FAF];
	_ =	sdelay $0x3  }
0x34: {  	[smem:$0x3FAF] =	sst s10  }
0x35: {  	s10 =	sld [smem:$0x3FAE];
	_ =	sdelay $0x3  }
0x36: {  	p1 =	seq.s32 s10, $0x1;
	s10 =	sld [smem:$0x3FAF];
	_ =	sdelay $0x3  }
0x37: {  	[smem:$0x3FAF] =	sst s10  }
0x38: {  	s10 =	sld [smem:$0x3FB0]  }
0x39: {  	_ = 	snop;
	(pc) =	sbr.ind lr, $3  }
0x3a: {  	_ = 	snop  }
0x3b: {  	_ = 	snop  }
0x3c: {  	p2 =	seq.s32 s10, $0x1;
	s10 =	sld [smem:$0x3FAF]  }
0x3d: {  	_ =	shalt  }
0x3e: {  	_ =	shalt  }
0x3f: {  	_ =	shalt  }
0x40: {  	_ =	shalt  }
0x41: {  	_ =	shalt  }
0x42: {  	_ =	shalt  }
0x43: {  	_ =	shalt  }
0x44: {  	_ =	shalt  }
0x45: {  	_ =	shalt  }
0x46: {  	_ =	shalt  }
0x47: {  	_ =	shalt  }
0x48: {  	_ =	shalt  }
0x49: {  	_ =	shalt  }
0x4a: {  	_ =	shalt  }
0x4b: {  	_ =	shalt  }
0x4c: {  	_ =	shalt  }
0x4d: {  	_ =	shalt  }
0x4e: {  	_ =	shalt  }
0x4f: {  	_ =	shalt  }
0x50: {  	_ =	shalt  }
0x51: {  	_ =	shalt  }
0x52: {  	_ =	shalt  }
0x53: {  	_ =	shalt  }
0x54: {  	_ =	shalt  }
0x55: {  	_ =	shalt  }
0x56: {  	_ =	shalt  }
0x57: {  	_ =	shalt  }
0x58: {  	_ =	shalt  }
0x59: {  	_ =	shalt  }
0x5a: {  	_ =	shalt  }
0x5b: {  	_ =	shalt  }
0x5c: {  	_ =	shalt  }
0x5d: {  	_ =	shalt  }
0x5e: {  	_ =	shalt  }
0x5f: {  	_ =	shalt  }
0x60: {  	_ =	shalt  }
0x61: {  	_ =	shalt  }
0x62: {  	_ =	shalt  }
0x63: {  	_ =	shalt  }
0x64: {  	_ =	shalt  }
0x65: {  	_ =	shalt  }
0x66: {  	_ =	shalt  }
0x67: {  	_ =	shalt  }
0x68: {  	_ =	shalt  }
0x69: {  	_ =	shalt  }
0x6a: {  	_ =	shalt  }
0x6b: {  	_ =	shalt  }
0x6c: {  	_ =	shalt  }
0x6d: {  	_ =	shalt  }
0x6e: {  	_ =	shalt  }
0x6f: {  	_ =	shalt  }
0x70: {  	_ =	shalt  }
0x71: {  	_ =	shalt  }
0x72: {  	_ =	shalt  }
0x73: {  	_ =	shalt  }
0x74: {  	_ =	shalt  }
0x75: {  	_ =	shalt  }
0x76: {  	_ =	shalt  }
0x77: {  	_ =	shalt  }
0x78: {  	_ =	shalt  }
0x79: {  	_ =	shalt  }
0x7a: {  	_ =	shalt  }
0x7b: {  	_ =	shalt  }
0x7c: {  	_ =	shalt  }
0x7d: {  	_ =	shalt  }
0x7e: {  	_ =	shalt  }
0x7f: {  	_ =	shalt  }
0x80: {  	_ =	shalt  }
0x81: {  	_ =	shalt  }
0x82: {  	_ =	shalt  }
0x83: {  	_ =	shalt  }
0x84: {  	_ =	shalt  }
0x85: {  	_ =	shalt  }
0x86: {  	_ =	shalt  }
0x87: {  	_ =	shalt  }
.Lfunc_end0:
.L_simem_size_0:
called_computation_lowered:
.L_overlay_start_0:
0x88: {  	s2 =	sld [smem:$0x3FD9]  }
0x89: {  	s3 =	sld [smem:$0x3FFE];
	_ =	sdelay $0x1  }
0x8a: {  	s1 =	srdreg.scid  }
0x8b: {  	s0 =	sand.u32 $0x1, s1  }
0x8c: {  	s16 =	sshll.u32 s0, $0xA;
	s2 =	sadd.s32 s3, s2  }
0x8d: {  	s2 =	sadd.s32 s2, s16  }
0x8e: {  	[smem:$0x3FBB] =	sst s2  }
0x8f: {  	_ = 	snop  }
0x90: {  	(tm) =	ssettm $0x1  }
0x91: {  	s17 =	sld [smem:$0x3FFB];
	_ =	sdelay $0x3  }
0x92: {  	_ =	strace s17  }
0x93: {  	s2 =	sld [smem:$0x3FFC];
	_ =	sdelay $0x3  }
0x94: {  	_ =	strace s2  }
0x95: {  	s2 =	sld [smem:$0x3FFD];
	_ =	sdelay $0x3  }
0x96: {  	_ =	strace s2  }
0x97: {  	_ =	strace $0x8FFFFFFF  }
0x98: {  	s18 =	sld [smem:$0x3FDB];
	_ =	sdelay $0x1  }
0x99: {  	s19 =	simm.s32 $_scs_section_size  }
0x9a: {  	s4 =	simm.s32 $_size__tile_overlayer_lowered;
	s5 =	simm.s32 $_tile_overlayer_lowered  }
0x9b: {  	s22 =	simm.s32 $0x1BFF;
	s21 =	sshll.u32 s5, $0x1;
	s2 =	sadd.s32 s19, s18  }
0x9c: {  	s6 =	simm.s32 $0x0;
	s20 =	sshll.u32 s4, $0x1;
	s4 =	sadd.s32 s21, s2  }
0x9d: {  	[timem:s6], [sflag:s22] =	dma.local [hbm:s4], s20  }
0x9e: {  	_ =	swait.ge [sflag:s22], s20  }
0x9f: {  	s3 =	ssub.s32 $0x0, s20;
	[sflag:s22] =	ssyncset.done $0x0  }
0xa0: {  	[sflag:s22] =	ssyncadd.s32 s3;
	_ =	sdelay $0x1  }
0xa1: {  	s23 =	simm.s32 $0x1B8B  }
0xa2: {  	_ =	swait.ge [sflag:s23], $0x1  }
0xa3: {  	[sflag:s23] =	ssyncset.done $0x0  }
0xa4: {  	s25 =	simm.s32 $0x1B8E;
	s24 =	sld [smem:$0x3FFE];
	[sflag:s23] =	ssyncadd.s32 $0xFFFFFFFF  }
0xa5: {  	s26 =	simm.s32 $execute0_lowered;
	[smem:$0x3FD2] =	sst s25  }
0xa6: {  	s4 =	sshll.u32 s26, $0x1;
	_ =	strace $0x80000046;
	[dreg:$0x1] =	wrdreg $0xFFFFFFFF  }
0xa7: {  	s28 =	simm.s32 $_size_execute0_lowered;
	s2 =	sadd.s32 s2, s4;
	[dreg:$0x0] =	wrdreg $0x0  }
0xa8: {  	s4 =	sshll.u32 s28, $0x1;
	[dreg:$0x2] =	wrdreg s2  }
0xa9: {  	[dreg:$0x3] =	wrdreg s4  }
0xaa: {  	[dreg:$0x4] =	wrdreg $0xC0  }
0xab: {  	_ =	task [dreg:s6], $0x5FFFF  }
0xac: {  	[dreg:$0x1] =	wrdreg $0xFFFFFFFF  }
0xad: {  	[dreg:$0x0] =	wrdreg $0x60  }
0xae: {  	[dreg:$0x2] =	wrdreg s24  }
0xaf: {  	[dreg:$0x3] =	wrdreg $0xBD000  }
0xb0: {  	[dreg:$0x4] =	wrdreg $0x10BB00  }
0xb1: {  	[dreg:$0x5] =	wrdreg $0x9  }
0xb2: {  	_ =	task.clear_ibuf [dreg:s6], $0x6FFFF;
	_ =	strace $0x90000046  }
0xb3: {  	s29 =	simm.s32 $0x9;
	_ =	strace $0x80000048  }
0xb4: {  	_ =	swait.ge [sflag:s29], $0x1  }
0xb5: {  	[sflag:s29] =	ssyncadd.s32 $0xFFFFFFFF  }
0xb6: {  	_ =	strace $0x90000048  }
0xb7: {  	_ =	sfence  }
0xb8: {  	s30 =	sld [smem:$0x0];
	_ =	sdelay $0x2  }
0xb9: {  	s31 =	sshll.u32 s1, $0xD;
	s1 =	sshrl.u32 s1, $0x2  }
0xba: {  	s3 =	sand.u32 $0x4000, s31;
	s1 =	sadd.s32 s1, s30  }
0xbb: {  	s0 =	sor.u32 s3, s0;
	s1 =	sshll.u32 s1, $0x11  }
0xbc: {  	s0 =	sor.u32 s1, s0  }
0xbd: {  	s0 =	sadd.s32 $0x8F2B, s0  }
0xbe: {  	[sflag:s0] =	ssyncadd.remote.s32 $0x1  }
0xbf: {  	_ =	sfence.sel $0xFFFF  }
0xc0: {  	[dreg:$0x0] =	wrdreg $0xFFFFFFFF;
	(pc) =	sbr.abs _section_cstart, $3  }
0xc1: {  	[dreg:$0x1] =	wrdreg $0xFFFFFFFF  }
0xc2: {  	_ =	task.clear_ibuf [dreg:s6], $0x2FFFF;
	_ =	strace $0x9FFFFFFF  }
0xc3: {  	(tm) =	ssettm $0x7FFFFFFF  }
tec
execute0_lowered:
.L_overlay_start_1:
0x0: {  	(tag) =	ssettag $0x1  }
0x1: {  	s0 =	rddreg [dreg:$0x0]  }
0x2: {  	s1 =	rddreg [dreg:$0x1]  }
0x3: {  	s2 =	rddreg [dreg:$0x2]  }
0x4: {  	s3 =	srdreg.scid;
	s4 =	simm.s32 $0x0;
	s21 =	stileid.u32  }
0x5: {  	s28 =	simm.s32 $0x10B30;
	s29 =	simm.s32 $0x2;
	s14 =	smul.u32 $0x9C00, s21  }
0x6: {  	s30 =	simm.s32 $0x9C80;
	s31 =	simm.s32 $0x0;
	s5 =	smul.u32 $0x9D0, s21  }
0x7: {  	s3 =	sand.u32 $0x1, s3;
	[smem:$0x7FF] =	sst s4;
	s9 =	smul.u32 $0x270, s21  }
0x8: {  	s17 =	sadd.s32 $0x34A00, s0;
	s25 =	sshll.u32 s21, $0x6;
	s26 =	sadd.s32 $0x4E000, s1  }
0x9: {  	s10 =	sadd.s32 $0x2700, s2;
	p0 =	sne.s32 s21, $0xF;
	s13 =	smul.u32 $0x9C400, s3  }
0xa: {  	_ =	strace $0x80000047;
	s7 =	ssub.s32 $0x2, s3;
	[dreg:$0x5] =	wrdreg s26  }
0xb: {  	p1 =	sne.s32 s3, $0x0;
	s26 =	simm.s32 $0x1;
	s6 =	sshrl.u32 s14, $0x4  }
0xc: {  	s12 =	sadd.s32 s5, s0;
	s23 =	sshrl.u32 s9, $0x3;
	s24 =	sshrl.u32 s7, $0x1  }
0xd: {  	s8 =	sshrl.u32 s14, $0x1;
	s9 =	sadd.s32 s9, s2;
	p2 =	sne.s32 @!p1 s21, $0xF  }
0xe: {  	s15 =	sshrl.u32 s13, $0x4;
	s22 =	sadd.s32 s6, s0;
	s18 =	sadd.s32 s23, s0  }
0xf: {  	s19 =	ssub.s32 s7, s24;
	s20 =	sadd.s32 s8, s1;
	s6 =	sor.u32 $0x1C03, s25  }
0x10: {  	s8 =	sadd.s32 $0xCC00, s0;
	s11 =	sadd.s32 $0x2A600, s12;
	s12 =	sadd.s32 $0x20800, s12  }
0x11: {  	s14 =	sadd.s32 s14, s13;
	s23 =	simm.s32 $0x80;
	s24 =	simm.s32 $0x9D00  }
0x12: {  	s25 =	simm.s32 $0xAD00;
	p2 =	por p2, p1;
	s16 =	sadd.s32 s15, s0  }
0x13: {  	s5 =	sadd.s32 $0x3000, s22;
	s14 =	sshrl.u32 s14, $0x4;
	s15 =	sadd.s32 s17, s15  }
0x14: {  	[dreg:$0x4] =	wrdreg s5;
	s13 =	sadd.s32 $0xCE00, s16;
	s14 =	sadd.s32 s17, s14  }
0x15: {  	s15 =	sadd.s32 $0x9C00, s15;
	s16 =	sadd.s32 $0x34400, s18;
	s17 =	sadd.s32 $0x348E0, s0  }
0x16: {  	v0 =	vimm.f32 $0.0e+00;
	v1 =	vimm.f32 $1.000000000e+00;
	s18 =	smax.u32 s19, $0x1;
	s19 =	sshrl.u32 s20, $0x3;
	s20 =	simm.s32 $0x3  }
.LBB2_1:
0x17: {  	s0 =	rddreg [dreg:$0x4]  }
0x18: {  	[spmem:s19], [sflag:s6] =	dma.local [hbm:s0], $0x9C0  }
0x19: {  	_ =	swait.ge [sflag:s20], $0x9C0  }
0x1a: {  	[sflag:s20] =	ssyncset.done $0x0;
	s0 =	rddreg [dreg:$0x5]  }
0x1b: {  	s3 =	simm.s32 @!p0 $0x3;
	[sflag:s20] =	ssyncadd.s32 $0xFFFFF640;
	s0 =	sshrl.u32 @!p0 s0, $0x3  }
0x1c: {  	[spmem:s0], [sflag:s6] =	dma.local @!p0 [hbm:s8], $0x60  }
0x1d: {  	_ =	swait.ge @!p0 [sflag:s3], $0x60  }
0x1e: {  	[sflag:s3] =	ssyncset.done @!p0 $0x0  }
0x1f: {  	[sflag:s3] =	ssyncadd.s32 @!p0 $0xFFFFFFA0  }
0x20: {  	[tilespmem:$0x10E28] =	vst v0  }
0x21: {  	[tilespmem:$0x10E38] =	vst v0  }
0x22: {  	[tilespmem:$0x10E48] =	vst v0  }
0x23: {  	[tilespmem:$0x10E58] =	vst v0  }
0x24: {  	[tilespmem:$0x10E68] =	vst v0  }
0x25: {  	[tilespmem:$0x10E78] =	vst v0  }
0x26: {  	[tilespmem:$0x10E88] =	vst v0  }
0x27: {  	[tilespmem:$0x10E98] =	vst v0  }
0x28: {  	[tilespmem:$0x10EA8] =	vst v0  }
0x29: {  	[tilespmem:$0x10EB8] =	vst v0  }
0x2a: {  	[tilespmem:$0x10EC8] =	vst v0  }
0x2b: {  	[tilespmem:$0x10ED8] =	vst v0  }
0x2c: {  	[tilespmem:$0x10EE8] =	vst v0  }
0x2d: {  	[tilespmem:$0x10EF8] =	vst v0  }
0x2e: {  	[tilespmem:$0x10F08] =	vst v0  }
0x2f: {  	[tilespmem:$0x10F18] =	vst v0  }
0x30: {  	[tilespmem:$0x10F28] =	vst v0  }
0x31: {  	[tilespmem:$0x10F38] =	vst v0  }
0x32: {  	[tilespmem:$0x10F48] =	vst v0  }
0x33: {  	[tilespmem:$0x10F58] =	vst v0  }
0x34: {  	[tilespmem:$0x10F68] =	vst v0  }
0x35: {  	[tilespmem:$0x10F78] =	vst v0  }
0x36: {  	[tilespmem:$0x10F88] =	vst v0  }
0x37: {  	[tilespmem:$0x10F98] =	vst v0  }
0x38: {  	[tilespmem:$0x10FA8] =	vst v0  }
0x39: {  	[tilespmem:$0x10FB8] =	vst v0  }
0x3a: {  	[tilespmem:$0x10FC8] =	vst v0  }
0x3b: {  	[tilespmem:$0x10FD8] =	vst v0  }
0x3c: {  	[tilespmem:$0x10FE8] =	vst v0  }
0x3d: {  	[tilespmem:$0x10FF8] =	vst v0  }
0x3e: {  	[tilespmem:$0x11008] =	vst v0  }
0x3f: {  	[tilespmem:$0x11018] =	vst v0  }
0x40: {  	[tilespmem:$0x11028] =	vst v0  }
0x41: {  	[tilespmem:$0x11038] =	vst v0  }
0x42: {  	[tilespmem:$0x11048] =	vst v0  }
0x43: {  	[tilespmem:$0x11058] =	vst v0  }
0x44: {  	[tilespmem:$0x11068] =	vst v0  }
0x45: {  	[tilespmem:$0x11078] =	vst v0  }
0x46: {  	s5 =	simm.s32 $0x10E28;
	[tilespmem:$0x11088] =	vst v0  }
0x47: {  	[spmem:s9] =	stream.linear.scatter [tilespmem:s5], [sflag:$0x3], $0x270, $0x38;
	[tilespmem:$0x11098] =	vst v63  }
0x48: {  	_ =	swait.ge [sflag:s20], $0x270  }
0x49: {  	[sflag:s20] =	ssyncset.done $0x0  }
0x4a: {  	s21 =	simm.s32 @!p0 $0x10E28;
	[sflag:s20] =	ssyncadd.s32 $0xFFFFFD90  }
0x4b: {  	[spmem:s10] =	stream.linear.scatter @!p0 [tilespmem:s21], [sflag:$0x3], $0x18, $0x38;
	[tilespmem:$0x11098] =	vst v63  }
0x4c: {  	_ =	swait.ge @!p0 [sflag:s3], $0x18  }
0x4d: {  	[sflag:s3] =	ssyncset.done @!p0 $0x0  }
0x4e: {  	[sflag:s3] =	ssyncadd.s32 @!p0 $0xFFFFFFE8  }
0x4f: {  	[tilespmem:$0x10B30] =	vst v1  }
0x50: {  	[tilespmem:$0x10B40] =	vst v1  }
0x51: {  	[tilespmem:$0x10B50] =	vst v1  }
0x52: {  	[tilespmem:$0x10B60] =	vst v1  }
0x53: {  	[tilespmem:$0x10B70] =	vst v1  }
0x54: {  	[tilespmem:$0x10B80] =	vst v1  }
0x55: {  	[tilespmem:$0x10B90] =	vst v1  }
0x56: {  	[tilespmem:$0x10BA0] =	vst v1  }
0x57: {  	[tilespmem:s4], [sflag:$0x3] =	stream.linear.gather [hbm4b:s11+s4], $0x4E80, $0x38;
	[tilespmem:$0x11098] =	vst v63  }
0x58: {  	_ =	swait.ge [sflag:s20], $0x4E80  }
0x59: {  	[sflag:s20] =	ssyncset.done $0x0  }
0x5a: {  	s22 =	simm.s32 $0x4E80;
	[sflag:s20] =	ssyncadd.s32 $0xFFFFB180  }
0x5b: {  	[tilespmem:s22], [sflag:$0x3] =	stream.linear.gather [hbm4b:s12+s4], $0x4E80, $0x38;
	[tilespmem:$0x11098] =	vst v63  }
0x5c: {  	_ =	swait.ge [sflag:s20], $0x4E80  }
0x5d: {  	[sflag:s20] =	ssyncset.done $0x0  }
0x5e: {  	[sflag:s20] =	ssyncadd.s32 $0xFFFFB180  }
0x5f: {  	[bflag:$0x0] =	sbarrier.arrive $0xFFFF  }
0x60: {  	[tilespmem:s24], [sflag:$0x1] =	stream.indirect.gather [hbm4b:s13+s23], $0x20, s4, s23, $0xb8;
	[tilespmem:$0x11098] =	vst v63  }
0x61: {  	s5 =	simm.s32 $0x80  }
0x62: {  	[tilespmem:s25], [sflag:$0x2] =	stream.indirect.gather [hbm4b:s13+s23], $0x20, s5, s23, $0xb8;
	[tilespmem:$0x11098] =	vst v63  }
0x63: {  	_ =	swait.ge [sflag:s26], $0x1000  }
0x64: {  	[sflag:s26] =	ssyncset.done $0x0  }
0x65: {  	s7 =	simm.s32 $0x4E80;
	[sflag:s26] =	ssyncadd.s32 $0xFFFFF000  }
0x66: {  	[spmem:s1] =	stream.indirect.scatter.add.bf16 [tilespmem:s24], [sflag:$0x3], $0x20, s7, s23, $0xb8;
	[tilespmem:$0x11098] =	vst v63  }
0x67: {  	_ =	swait.ge [sflag:s20], $0x1000  }
0x68: {  	[sflag:s20] =	ssyncset.done $0x0  }
0x69: {  	[sflag:s20] =	ssyncadd.s32 $0xFFFFF000  }
0x6a: {  	[spmem:s2] =	stream.indirect.scatter.add.f32 [tilespmem:s28], [sflag:$0x3], $0x1, s7, s23, $0xb8;
	[tilespmem:$0x11098] =	vst v63  }
0x6b: {  	_ =	swait.ge [sflag:s20], $0x80  }
0x6c: {  	[sflag:s20] =	ssyncset.done $0x0  }
0x6d: {  	s21 =	simm.s32 $0x100;
	[sflag:s20] =	ssyncadd.s32 $0xFFFFFF80  }
0x6e: {  	[tilespmem:s24], [sflag:$0x1] =	stream.indirect.gather [hbm4b:s13+s23], $0x20, s21, s23, $0xb8;
	[tilespmem:$0x11098] =	vst v63  }
0x6f: {  	_ =	swait.ge [sflag:s29], $0x1000  }
0x70: {  	[sflag:s29] =	ssyncset.done $0x0  }
0x71: {  	s22 =	simm.s32 $0x4F00;
	[sflag:s29] =	ssyncadd.s32 $0xFFFFF000  }
0x72: {  	[spmem:s1] =	stream.indirect.scatter.add.bf16 [tilespmem:s25], [sflag:$0x3], $0x20, s22, s23, $0xb8;
	[tilespmem:$0x11098] =	vst v63  }
0x73: {  	_ =	swait.ge [sflag:s20], $0x1000  }
0x74: {  	[sflag:s20] =	ssyncset.done $0x0  }
0x75: {  	[sflag:s20] =	ssyncadd.s32 $0xFFFFF000  }
0x76: {  	[spmem:s2] =	stream.indirect.scatter.add.f32 [tilespmem:s28], [sflag:$0x3], $0x1, s22, s23, $0xb8;
	[tilespmem:$0x11098] =	vst v63  }
0x77: {  	_ =	swait.ge [sflag:s20], $0x80  }
0x78: {  	s3 =	simm.s32 $0x100;
	s21 =	simm.s32 $0x800;
	[sflag:s20] =	ssyncset.done $0x0  }
.LBB2_2:
0x79: {  	s22 =	sadd.s32 $0x80, s3  }
0x7a: {  	[sflag:s20] =	ssyncadd.s32 $0xFFFFFF80;
	s5 =	smov.u32 s21;
	s7 =	sadd.s32 $0x400, s21  }
0x7b: {  	[tilespmem:s25], [sflag:$0x2] =	stream.indirect.gather [hbm4b:s13+s23], $0x20, s22, s23, $0xb8;
	[tilespmem:$0x11098] =	vst v63  }
0x7c: {  	p3 =	sne.s32 s21, $0x13400;
	_ =	swait.ge [sflag:s26], $0x1000  }
0x7d: {  	[sflag:s26] =	ssyncset.done $0x0  }
0x7e: {  	s21 =	sadd.s32 $0x4E80, s3;
	[sflag:s26] =	ssyncadd.s32 $0xFFFFF000  }
0x7f: {  	[spmem:s1] =	stream.indirect.scatter.add.bf16 [tilespmem:s24], [sflag:$0x3], $0x20, s21, s23, $0xb8;
	[tilespmem:$0x11098] =	vst v63  }
0x80: {  	_ =	swait.ge [sflag:s20], $0x1000  }
0x81: {  	[sflag:s20] =	ssyncset.done $0x0  }
0x82: {  	[sflag:s20] =	ssyncadd.s32 $0xFFFFF000  }
0x83: {  	[spmem:s2] =	stream.indirect.scatter.add.f32 [tilespmem:s28], [sflag:$0x3], $0x1, s21, s23, $0xb8;
	[tilespmem:$0x11098] =	vst v63  }
0x84: {  	_ =	swait.ge [sflag:s20], $0x80  }
0x85: {  	[sflag:s20] =	ssyncset.done $0x0  }
0x86: {  	s21 =	sadd.s32 $0x100, s3;
	[sflag:s20] =	ssyncadd.s32 $0xFFFFFF80  }
0x87: {  	[tilespmem:s24], [sflag:$0x1] =	stream.indirect.gather [hbm4b:s13+s23], $0x20, s21, s23, $0xb8;
	[tilespmem:$0x11098] =	vst v63  }
0x88: {  	_ =	swait.ge [sflag:s29], $0x1000  }
0x89: {  	[sflag:s29] =	ssyncset.done $0x0  }
0x8a: {  	s3 =	sadd.s32 $0x4F00, s3;
	[sflag:s29] =	ssyncadd.s32 $0xFFFFF000  }
0x8b: {  	[spmem:s1] =	stream.indirect.scatter.add.bf16 [tilespmem:s25], [sflag:$0x3], $0x20, s3, s23, $0xb8;
	[tilespmem:$0x11098] =	vst v63  }
0x8c: {  	_ =	swait.ge [sflag:s20], $0x1000  }
.Ltmp0:
0x8d: {  	[sflag:s20] =	ssyncset.done $0x0;
	(pc) =	sbr.rel @p3 .LBB2_2-.Ltmp0, $4  }
0x8e: {  	[sflag:s20] =	ssyncadd.s32 $0xFFFFF000  }
0x8f: {  	[spmem:s2] =	stream.indirect.scatter.add.f32 [tilespmem:s28], [sflag:$0x3], $0x1, s3, s23, $0xb8;
	[tilespmem:$0x11098] =	vst v63  }
0x90: {  	_ =	swait.ge [sflag:s20], $0x80  }
0x91: {  	s21 =	smov.u32 s7;
	s3 =	sshra.s32 s5, $0x2;
	[sflag:s20] =	ssyncset.done $0x0  }
0x92: {  	s5 =	sadd.s32 $0x80, s3;
	[sflag:s20] =	ssyncadd.s32 $0xFFFFFF80  }
0x93: {  	[tilespmem:s25], [sflag:$0x2] =	stream.indirect.gather [hbm4b:s13+s23], $0x20, s5, s23, $0xb8;
	[tilespmem:$0x11098] =	vst v63  }
0x94: {  	_ =	swait.ge [sflag:s26], $0x1000  }
0x95: {  	[sflag:s26] =	ssyncset.done $0x0  }
0x96: {  	s7 =	sadd.s32 $0x4E80, s3;
	[sflag:s26] =	ssyncadd.s32 $0xFFFFF000  }
0x97: {  	[spmem:s1] =	stream.indirect.scatter.add.bf16 [tilespmem:s24], [sflag:$0x3], $0x20, s7, s23, $0xb8;
	[tilespmem:$0x11098] =	vst v63  }
0x98: {  	_ =	swait.ge [sflag:s20], $0x1000  }
0x99: {  	[sflag:s20] =	ssyncset.done $0x0  }
0x9a: {  	[sflag:s20] =	ssyncadd.s32 $0xFFFFF000  }
0x9b: {  	[spmem:s2] =	stream.indirect.scatter.add.f32 [tilespmem:s28], [sflag:$0x3], $0x1, s7, s23, $0xb8;
	[tilespmem:$0x11098] =	vst v63  }
0x9c: {  	_ =	swait.ge [sflag:s20], $0x80  }
0x9d: {  	[sflag:s20] =	ssyncset.done $0x0  }
0x9e: {  	s21 =	sadd.s32 $0x100, s3;
	[sflag:s20] =	ssyncadd.s32 $0xFFFFFF80  }
0x9f: {  	[tilespmem:s24], [sflag:$0x1] =	stream.indirect.gather [hbm4b:s13+s23], $0x20, s21, s23, $0xb8;
	[tilespmem:$0x11098] =	vst v63  }
0xa0: {  	_ =	swait.ge [sflag:s29], $0x1000  }
0xa1: {  	[sflag:s29] =	ssyncset.done $0x0  }
0xa2: {  	s22 =	sadd.s32 $0x4F00, s3;
	[sflag:s29] =	ssyncadd.s32 $0xFFFFF000  }
0xa3: {  	[spmem:s1] =	stream.indirect.scatter.add.bf16 [tilespmem:s25], [sflag:$0x3], $0x20, s22, s23, $0xb8;
	[tilespmem:$0x11098] =	vst v63  }
0xa4: {  	_ =	swait.ge [sflag:s20], $0x1000  }
0xa5: {  	[sflag:s20] =	ssyncset.done $0x0  }
0xa6: {  	[sflag:s20] =	ssyncadd.s32 $0xFFFFF000  }
0xa7: {  	[spmem:s2] =	stream.indirect.scatter.add.f32 [tilespmem:s28], [sflag:$0x3], $0x1, s22, s23, $0xb8;
	[tilespmem:$0x11098] =	vst v63  }
0xa8: {  	_ =	swait.ge [sflag:s20], $0x80  }
0xa9: {  	[sflag:s20] =	ssyncset.done $0x0  }
0xaa: {  	[sflag:s20] =	ssyncadd.s32 $0xFFFFFF80  }
0xab: {  	_ =	swait.ge [sflag:s26], $0x1000  }
0xac: {  	[sflag:s26] =	ssyncset.done $0x0  }
0xad: {  	[sflag:s26] =	ssyncadd.s32 $0xFFFFF000  }
0xae: {  	[spmem:s1] =	stream.indirect.scatter.add.bf16 [tilespmem:s24], [sflag:$0x3], $0x20, s30, s23, $0xb8;
	[tilespmem:$0x11098] =	vst v63  }
0xaf: {  	_ =	swait.ge [sflag:s20], $0x1000  }
0xb0: {  	[sflag:s20] =	ssyncset.done $0x0  }
0xb1: {  	[sflag:s20] =	ssyncadd.s32 $0xFFFFF000  }
0xb2: {  	[spmem:s2] =	stream.indirect.scatter.add.f32 [tilespmem:s28], [sflag:$0x3], $0x1, s30, s23, $0xb8;
	[tilespmem:$0x11098] =	vst v63  }
0xb3: {  	_ =	swait.ge [sflag:s20], $0x80  }
0xb4: {  	[sflag:s20] =	ssyncset.done $0x0  }
0xb5: {  	[sflag:s20] =	ssyncadd.s32 $0xFFFFFF80  }
0xb6: {  	[bflag:$0x0] =	sbarrier.arrive $0xFFFF  }
0xb7: {  	[hbm:s14], [sflag:s6] =	dma.local [spmem:s19], $0x9C0  }
0xb8: {  	_ =	swait.ge [sflag:s20], $0x9C0  }
0xb9: {  	[sflag:s20] =	ssyncset.done $0x0  }
0xba: {  	[sflag:s20] =	ssyncadd.s32 $0xFFFFF640  }
0xbb: {  	[hbm:s15], [sflag:s6] =	dma.local @!p0 [spmem:s0], $0x40  }
0xbc: {  	s0 =	simm.s32 @!p0 $0x3  }
0xbd: {  	_ =	swait.ge @!p0 [sflag:s0], $0x40  }
0xbe: {  	[sflag:s0] =	ssyncset.done @!p0 $0x0  }
0xbf: {  	s3 =	simm.s32 @!p1 $0x3;
	[sflag:s0] =	ssyncadd.s32 @!p0 $0xFFFFFFC0;
	s0 =	simm.s32 @!p1 $0x10E28  }
0xc0: {  	[tilespmem:s0], [sflag:$0x3] =	stream.linear.gather @!p1 [spmem:s9], $0x270, $0x38;
	[tilespmem:$0x11098] =	vst v63  }
0xc1: {  	_ =	swait.ge @!p1 [sflag:s3], $0x270  }
0xc2: {  	[sflag:s3] =	ssyncset.done @!p1 $0x0  }
0xc3: {  	s5 =	simm.s32 @!p1 $0x0;
	[sflag:s3] =	ssyncadd.s32 @!p1 $0xFFFFFD90  }
0xc4: {  	[hbm4b:s16+s5] =	stream.linear.scatter @!p1 [tilespmem:s0], [sflag:$0x3], $0x270, $0x38;
	[tilespmem:$0x11098] =	vst v63  }
0xc5: {  	_ =	swait.ge @!p1 [sflag:s3], $0x270  }
0xc6: {  	[sflag:s3] =	ssyncset.done @!p1 $0x0  }
0xc7: {  	s0 =	simm.s32 @!p2 $0x10E28;
	[sflag:s3] =	ssyncadd.s32 @!p1 $0xFFFFFD90;
	s3 =	simm.s32 @!p2 $0x3  }
0xc8: {  	[tilespmem:s0], [sflag:$0x3] =	stream.linear.gather @!p2 [spmem:s10], $0x10, $0x38;
	[tilespmem:$0x11098] =	vst v63  }
0xc9: {  	s31 =	sadd.s32 $0x1, s31;
	_ =	swait.ge @!p2 [sflag:s3], $0x10  }
0xca: {  	p3 =	sne.s32 s31, s18;
	[sflag:s3] =	ssyncset.done @!p2 $0x0  }
.Ltmp1:
0xcb: {  	s5 =	simm.s32 @!p2 $0x0;
	[sflag:s3] =	ssyncadd.s32 @!p2 $0xFFFFFFF0;
	(pc) =	sbr.rel @p3 .LBB2_1-.Ltmp1, $4  }
0xcc: {  	[hbm4b:s17+s5] =	stream.linear.scatter @!p2 [tilespmem:s0], [sflag:$0x3], $0x10, $0x38;
	[tilespmem:$0x11098] =	vst v63  }
0xcd: {  	_ =	swait.ge @!p2 [sflag:s3], $0x10  }
0xce: {  	[sflag:s3] =	ssyncset.done @!p2 $0x0  }
0xcf: {  	[sflag:s3] =	ssyncadd.s32 @!p2 $0xFFFFFFF0  }
0xd0: {  	_ =	sfence.sel $0x180000  }
0xd1: {  	[bflag:$0x0] =	sbarrier.arrive $0xFFFF  }
0xd2: {  	_ =	strace $0x90000047  }
0xd3: {  	s0 =	stileid.u32;
	[bflag:$0x2] =	sbarrier.arrive $0xFFFF  }
0xd4: {  	p0 =	sne.s32 s0, $0x0;
	s0 =	rddreg [dreg:$0x3]  }
0xd5: {  	s0 =	sadd.s32 @!p0 $0x100000, s0  }
0xd6: {  	[sflag:s0] =	ssyncadd.tile.s32 @!p0 $0x1;
	_ =	shalt  }
.Lfunc_end2:
_tile_overlayer_lowered:
.L_overlay_start_2:
0xd7: {  	(tag) =	ssettag $0x2  }
0xd8: {  	s0 =	rddreg [dreg:$0x0];
	s2 =	stileid.u32  }
0xd9: {  	s1 =	rddreg [dreg:$0x1];
	p0 =	sne.s32 s2, $0x0  }
0xda: {  	s3 =	rddreg [dreg:$0x2];
	[bflag:$0x3] =	sbarrier.arrive $0xFFFF;
	s2 =	simm.s32 @!p0 $0x1C03  }
0xdb: {  	[timem:s3], [sflag:s2] =	dma.local @!p0 [hbm:s0], s1  }
0xdc: {  	s0 =	simm.s32 @!p0 $0x3  }
0xdd: {  	_ =	swait.ge @!p0 [sflag:s0], s1  }
0xde: {  	s1 =	ssub.s32 @!p0 $0x0, s1;
	[sflag:s0] =	ssyncset.done @!p0 $0x0  }
0xdf: {  	[sflag:s0] =	ssyncadd.s32 @!p0 s1  }
0xe0: {  	[bflag:$0x3] =	sbarrier.arrive $0xFFFF  }
0xe1: {  	_ =	shalt  }

</sc_bundles>
